<compile_context>
chip_gen: v7x
topology: tpu7x:2x2x1
jax: 0.10.2.dev20260603
libtpu: 0.0.44.dev20260713+nightly
codegen_flags: <defaults>
</compile_context>

<pallas_src>
import jax
import jax.numpy as jnp
from jax import lax
from jax.experimental import pallas as pl
from jax.experimental.pallas import tpu as pltpu
from jax.experimental.pallas import tpu_sc as plsc

N = 100000
D = 128
LANES = 16
NC = 2
NS = 16
NW = NC * NS

CH = 128
NB = 3
NT = 8
NCHUNK = NB * NT
BIG = 3128
SMALL = 3120
NBIG = 20
TAIL_BIG = BIG - NCHUNK * CH
TAIL_SMALL = SMALL - NCHUNK * CH


def _body(ordering_hbm, noise_hbm, table_hbm, mean_hbm, lstd_hbm, out_hbm,
          idx_all, idx0_v, rows_v, noise_v, trows_v, tnoise_v, mean_v, lstd_v,
          gsem0, gsem1, gsem2, nsem0, nsem1, nsem2,
          osem0, osem1, osem2, xsem, x0sem, msem, tsem, tosem):
    gsem = [gsem0, gsem1, gsem2]
    nsem = [nsem0, nsem1, nsem2]
    osem = [osem0, osem1, osem2]

    wid = lax.axis_index("s") * NC + lax.axis_index("c")
    is_big = wid < NBIG
    base8 = 390 * wid + jnp.minimum(wid, NBIG)
    base_w = 8 * base8
    tail_start = base_w + NCHUNK * CH

    def chunk_start(c):
        return 8 * (base8 + (CH // 8) * c)

    pltpu.async_copy(ordering_hbm.at[pl.ds(base_w, CH)], idx0_v, x0sem)
    pltpu.async_copy(ordering_hbm.at[pl.ds(base_w, SMALL)],
                     idx_all.at[pl.ds(0, SMALL)], xsem)

    @pl.when(is_big)
    def _():
        pltpu.async_copy(ordering_hbm.at[pl.ds(tail_start + TAIL_SMALL, 8)],
                         idx_all.at[pl.ds(SMALL, 8)], xsem)

    pltpu.async_copy(noise_hbm.at[pl.ds(chunk_start(0), CH)],
                     noise_v.at[0], nsem[0])
    pltpu.async_copy(noise_hbm.at[pl.ds(chunk_start(1), CH)],
                     noise_v.at[1], nsem[1])
    pltpu.async_copy(mean_hbm, mean_v, msem)
    pltpu.async_copy(lstd_hbm, lstd_v, msem)

    @pl.when(is_big)
    def _():
        pltpu.async_copy(noise_hbm.at[pl.ds(tail_start, TAIL_BIG)],
                         tnoise_v.at[pl.ds(0, TAIL_BIG)], tsem)

    @pl.when(jnp.logical_not(is_big))
    def _():
        pltpu.async_copy(noise_hbm.at[pl.ds(tail_start, TAIL_SMALL)],
                         tnoise_v.at[pl.ds(0, TAIL_SMALL)], tsem)

    pltpu.make_async_copy(ordering_hbm.at[pl.ds(0, CH)], idx0_v,
                          x0sem).wait()
    pltpu.async_copy(table_hbm.at[idx0_v], rows_v.at[0], gsem[0])
    pltpu.make_async_copy(ordering_hbm.at[pl.ds(0, SMALL)],
                          idx_all.at[pl.ds(0, SMALL)], xsem).wait()

    @pl.when(is_big)
    def _():
        pltpu.make_async_copy(ordering_hbm.at[pl.ds(0, 8)],
                              idx_all.at[pl.ds(SMALL, 8)], xsem).wait()

    pltpu.async_copy(table_hbm.at[idx_all.at[pl.ds(CH, CH)]], rows_v.at[1],
                     gsem[1])
    TOFF = NCHUNK * CH

    @pl.when(is_big)
    def _():
        pltpu.async_copy(table_hbm.at[idx_all.at[pl.ds(TOFF, TAIL_BIG)]],
                         trows_v.at[pl.ds(0, TAIL_BIG)], tsem)

    @pl.when(jnp.logical_not(is_big))
    def _():
        pltpu.async_copy(table_hbm.at[idx_all.at[pl.ds(TOFF, TAIL_SMALL)]],
                         trows_v.at[pl.ds(0, TAIL_SMALL)], tsem)

    pltpu.make_async_copy(mean_hbm, mean_v, msem).wait()
    pltpu.make_async_copy(lstd_hbm, lstd_v, msem).wait()
    mean_vals = [mean_v[pl.ds(j * LANES, LANES)] for j in range(D // LANES)]
    scale_vals = [jnp.exp(lstd_v[pl.ds(j * LANES, LANES)])
                  for j in range(D // LANES)]

    def issue_fetch(c, buf):
        pltpu.async_copy(
            table_hbm.at[idx_all.at[pl.ds(c * CH, CH)]], rows_v.at[buf],
            gsem[buf])
        pltpu.async_copy(noise_hbm.at[pl.ds(chunk_start(c), CH)],
                         noise_v.at[buf], nsem[buf])

    def wait_fetch(buf):
        pltpu.make_async_copy(table_hbm.at[idx_all.at[pl.ds(0, CH)]],
                              rows_v.at[buf], gsem[buf]).wait()
        pltpu.make_async_copy(noise_hbm.at[pl.ds(0, CH)], noise_v.at[buf],
                              nsem[buf]).wait()

    def wait_out(buf):
        pltpu.make_async_copy(rows_v.at[buf], out_hbm.at[pl.ds(0, CH)],
                              osem[buf]).wait()

    def compute_rows(buf, nrows):
        def row_body(h, _):
            r = 2 * h
            for dr in range(2):
                for j in range(D // LANES):
                    sl = pl.ds(j * LANES, LANES)
                    rows_v[buf, r + dr, sl] = (
                        rows_v[buf, r + dr, sl] + mean_vals[j]
                        + scale_vals[j] * noise_v[buf, r + dr, sl])
            return None
        lax.fori_loop(0, nrows // 2, row_body, None)

    @pl.loop(0, NT)
    def _triple(t):
        c0 = NB * t
        for i in range(NB):
            b = i
            b2 = (i + 2) % NB
            c = c0 + i
            wait_fetch(b)
            if i == 0:
                @pl.when(t > 0)
                def _():
                    wait_out(b2)
                issue_fetch(c + 2, b2)
            else:
                @pl.when(t < NT - 1)
                def _():
                    wait_out(b2)
                    issue_fetch(c + 2, b2)
            compute_rows(b, CH)
            pltpu.async_copy(rows_v.at[b],
                             out_hbm.at[pl.ds(chunk_start(c), CH)], osem[b])

    def tail(nrows):
        pltpu.make_async_copy(table_hbm.at[idx_all.at[pl.ds(0, nrows)]],
                              trows_v.at[pl.ds(0, nrows)], tsem).wait()
        pltpu.make_async_copy(noise_hbm.at[pl.ds(0, nrows)],
                              tnoise_v.at[pl.ds(0, nrows)], tsem).wait()

        def row_body(r, _):
            for j in range(D // LANES):
                sl = pl.ds(j * LANES, LANES)
                trows_v[r, sl] = (trows_v[r, sl] + mean_vals[j]
                                  + scale_vals[j] * tnoise_v[r, sl])
            return None
        lax.fori_loop(0, nrows, row_body, None)
        pltpu.async_copy(trows_v.at[pl.ds(0, nrows)],
                         out_hbm.at[pl.ds(tail_start, nrows)], tosem)
        pltpu.make_async_copy(trows_v.at[pl.ds(0, nrows)],
                              out_hbm.at[pl.ds(0, nrows)], tosem).wait()

    @pl.when(is_big)
    def _():
        tail(TAIL_BIG)

    @pl.when(jnp.logical_not(is_big))
    def _():
        tail(TAIL_SMALL)

    wait_out(0)
    wait_out(1)
    wait_out(2)


@jax.jit
def _run(ordering, noise, pos_embed, rand_mean, rand_log_std):
    mesh = plsc.VectorSubcoreMesh(core_axis_name="c", subcore_axis_name="s",
                                  num_cores=NC, num_subcores=NS)
    f = pl.kernel(
        _body,
        out_type=jax.ShapeDtypeStruct((N, D), jnp.float32),
        mesh=mesh,
        scratch_types=[
            pltpu.VMEM((BIG,), jnp.int32),
            pltpu.VMEM((CH,), jnp.int32),
            pltpu.VMEM((NB, CH, D), jnp.float32),
            pltpu.VMEM((NB, CH, D), jnp.float32),
            pltpu.VMEM((TAIL_BIG, D), jnp.float32),
            pltpu.VMEM((TAIL_BIG, D), jnp.float32),
            pltpu.VMEM((D,), jnp.float32),
            pltpu.VMEM((D,), jnp.float32),
        ] + [pltpu.SemaphoreType.DMA] * 14,
    )
    return f(ordering, noise, pos_embed, rand_mean, rand_log_std)


def kernel(ordering, noise, pos_embed, rand_mean, rand_log_std):
    return _run(ordering.astype(jnp.int32), noise, pos_embed,
                rand_mean, rand_log_std)

# --- scband reference (transcript-rebuilt; emitter-appended) ---
"""Pipeline reference for scband-node-individualizer-15238543966486 (READ-ONLY COPY).

The authoritative reference and input builder live on the scoring server;
editing this copy changes nothing except your own understanding.
"""

import jax, jax.numpy as jnp
import numpy as np

N = 100000
MAX_NODES = 100000
D = 128

def setup_inputs(seed: int = 0) -> dict:
    key = jax.random.key(seed)
    k1, k2, k3 = jax.random.split(key, 3)
    ordering = jax.random.randint(k1, (N,), 0, MAX_NODES, dtype=jnp.int64 if jax.config.jax_enable_x64 else jnp.int32)
    noise = jax.random.normal(k2, (N, D), dtype=jnp.float32)
    pos_embed = jax.random.normal(k3, (MAX_NODES, D), dtype=jnp.float32) * 0.02
    rand_mean = jnp.zeros((D,), dtype=jnp.float32)
    rand_log_std = jnp.zeros((D,), dtype=jnp.float32)
    return {
        'ordering': ordering,
        'noise': noise,
        'pos_embed': pos_embed,
        'rand_mean': rand_mean,
        'rand_log_std': rand_log_std,
    }

def reference(ordering, noise, pos_embed, rand_mean, rand_log_std):
    # x = zeros(num_nodes, embed_dim)
    x = jnp.zeros((ordering.shape[0], pos_embed.shape[1]), dtype=jnp.float32)
    # 'ordering' individualization: positional embedding lookup (gather)
    x = x + jnp.take(pos_embed, ordering, axis=0)
    # 'random' individualization: learned mean + learned log-std scaled noise
    x = x + rand_mean + jnp.exp(rand_log_std) * noise
    return x

if __name__ == "__main__":
    import jax
    _d = setup_inputs()
    print(jax.jit(kernel)(*tuple(_d.values())))

</pallas_src>

<mosaic_0001>
#map = affine_map<(d0, d1) -> (0)>
#map1 = affine_map<(d0, d1) -> (0, 0)>
module attributes {stable_mosaic.version = 14 : i64} {
  func.func @_body(%arg0: i32, %arg1: i32, %arg2: memref<100000xi32, #tpu.memory_space<hbm>>, %arg3: memref<100000x128xf32, #tpu.memory_space<hbm>>, %arg4: memref<100000x128xf32, #tpu.memory_space<hbm>>, %arg5: memref<128xf32, #tpu.memory_space<hbm>>, %arg6: memref<128xf32, #tpu.memory_space<hbm>>, %arg7: memref<100000x128xf32, #tpu.memory_space<hbm>>, %arg8: memref<3128xi32, #tpu.memory_space<vmem>>, %arg9: memref<128xi32, #tpu.memory_space<vmem>>, %arg10: memref<3x128x128xf32, #tpu.memory_space<vmem>>, %arg11: memref<3x128x128xf32, #tpu.memory_space<vmem>>, %arg12: memref<56x128xf32, #tpu.memory_space<vmem>>, %arg13: memref<56x128xf32, #tpu.memory_space<vmem>>, %arg14: memref<128xf32, #tpu.memory_space<vmem>>, %arg15: memref<128xf32, #tpu.memory_space<vmem>>, %arg16: memref<!tpu.dma_semaphore, #tpu.memory_space<semaphore_mem>>, %arg17: memref<!tpu.dma_semaphore, #tpu.memory_space<semaphore_mem>>, %arg18: memref<!tpu.dma_semaphore, #tpu.memory_space<semaphore_mem>>, %arg19: memref<!tpu.dma_semaphore, #tpu.memory_space<semaphore_mem>>, %arg20: memref<!tpu.dma_semaphore, #tpu.memory_space<semaphore_mem>>, %arg21: memref<!tpu.dma_semaphore, #tpu.memory_space<semaphore_mem>>, %arg22: memref<!tpu.dma_semaphore, #tpu.memory_space<semaphore_mem>>, %arg23: memref<!tpu.dma_semaphore, #tpu.memory_space<semaphore_mem>>, %arg24: memref<!tpu.dma_semaphore, #tpu.memory_space<semaphore_mem>>, %arg25: memref<!tpu.dma_semaphore, #tpu.memory_space<semaphore_mem>>, %arg26: memref<!tpu.dma_semaphore, #tpu.memory_space<semaphore_mem>>, %arg27: memref<!tpu.dma_semaphore, #tpu.memory_space<semaphore_mem>>, %arg28: memref<!tpu.dma_semaphore, #tpu.memory_space<semaphore_mem>>, %arg29: memref<!tpu.dma_semaphore, #tpu.memory_space<semaphore_mem>>) attributes {dimension_semantics = [#tpu.dimension_semantics<core_parallel>, #tpu.dimension_semantics<subcore_parallel>], iteration_bounds = array<i64: 2, 16>, scalar_prefetch = 0 : i64, scratch_operands = 22 : i64, tpu.core_type = #tpu.core_type<sc_vector_subcore>, window_params = [{transform_indices = #map}, {transform_indices = #map1}, {transform_indices = #map1}, {transform_indices = #map}, {transform_indices = #map}, {transform_indices = #map1}]} {
    %mul3A = arith.constant 2 : i32
    %mul3A_0 = arith.muli %arg1, %mul3A : i32
    %add3A = arith.addi %mul3A_0, %arg0 : i32
    %lt3A = arith.constant 20 : i32
    %lt3A_1 = arith.cmpi slt, %add3A, %lt3A : i32
    %mul3A_2 = arith.constant 390 : i32
    %mul3A_3 = arith.muli %mul3A_2, %add3A : i32
    %min3A = arith.constant 20 : i32
    %min3A_4 = arith.minsi %add3A, %min3A : i32
    %add3A_5 = arith.addi %mul3A_3, %min3A_4 : i32
    %mul3A_6 = arith.constant 8 : i32
    %mul3A_7 = arith.muli %mul3A_6, %add3A_5 : i32
    %add3A_8 = arith.constant 3072 : i32
    %add3A_9 = arith.addi %mul3A_7, %add3A_8 : i32
    %dma_start3A = tpu.memref_slice %arg2[%mul3A_7] : memref<100000xi32, #tpu.memory_space<hbm>> -> memref<128xi32, #tpu.memory_space<hbm>>
    %dma_start3A_10 = tpu.memref_slice %arg2[%mul3A_7] : memref<100000xi32, #tpu.memory_space<hbm>> -> memref<128xi32, #tpu.memory_space<hbm>>
    tpu.enqueue_dma source(%dma_start3A_10 : memref<128xi32, #tpu.memory_space<hbm>>) target(%arg9 : memref<128xi32, #tpu.memory_space<vmem>>) target_semaphore(%arg26 : memref<!tpu.dma_semaphore, #tpu.memory_space<semaphore_mem>>)
    %dma_start3A_11 = arith.constant 0 : i32
    %dma_start3A_12 = tpu.memref_slice %arg8[%dma_start3A_11] : memref<3128xi32, #tpu.memory_space<vmem>> -> memref<3120xi32, #tpu.memory_space<vmem>>
    %dma_start3A_13 = tpu.memref_slice %arg2[%mul3A_7] : memref<100000xi32, #tpu.memory_space<hbm>> -> memref<3120xi32, #tpu.memory_space<hbm>>
    %dma_start3A_14 = arith.constant 0 : i32
    %dma_start3A_15 = tpu.memref_slice %arg8[%dma_start3A_14] : memref<3128xi32, #tpu.memory_space<vmem>> -> memref<3120xi32, #tpu.memory_space<vmem>>
    %dma_start3A_16 = tpu.memref_slice %arg2[%mul3A_7] : memref<100000xi32, #tpu.memory_space<hbm>> -> memref<3120xi32, #tpu.memory_space<hbm>>
    tpu.enqueue_dma source(%dma_start3A_16 : memref<3120xi32, #tpu.memory_space<hbm>>) target(%dma_start3A_15 : memref<3120xi32, #tpu.memory_space<vmem>>) target_semaphore(%arg25 : memref<!tpu.dma_semaphore, #tpu.memory_space<semaphore_mem>>)
    %convert_element_type3A = arith.extui %lt3A_1 : i1 to i32
    %cond3A = arith.constant 0 : i32
    %cond3A_17 = arith.cmpi ne, %convert_element_type3A, %cond3A : i32
    scf.if %cond3A_17 {
      %add3A_210 = arith.constant 48 : i32
      %add3A_211 = arith.addi %add3A_9, %add3A_210 : i32
      %dma_start3A_212 = arith.constant 3120 : i32
      %dma_start3A_213 = tpu.memref_slice %arg8[%dma_start3A_212] : memref<3128xi32, #tpu.memory_space<vmem>> -> memref<8xi32, #tpu.memory_space<vmem>>
      %dma_start3A_214 = tpu.memref_slice %arg2[%add3A_211] : memref<100000xi32, #tpu.memory_space<hbm>> -> memref<8xi32, #tpu.memory_space<hbm>>
      %dma_start3A_215 = arith.constant 3120 : i32
      %dma_start3A_216 = tpu.memref_slice %arg8[%dma_start3A_215] : memref<3128xi32, #tpu.memory_space<vmem>> -> memref<8xi32, #tpu.memory_space<vmem>>
      %dma_start3A_217 = tpu.memref_slice %arg2[%add3A_211] : memref<100000xi32, #tpu.memory_space<hbm>> -> memref<8xi32, #tpu.memory_space<hbm>>
      tpu.enqueue_dma source(%dma_start3A_217 : memref<8xi32, #tpu.memory_space<hbm>>) target(%dma_start3A_216 : memref<8xi32, #tpu.memory_space<vmem>>) target_semaphore(%arg25 : memref<!tpu.dma_semaphore, #tpu.memory_space<semaphore_mem>>)
    } else {
    }
    %add3A_18 = arith.constant 0 : i32
    %add3A_19 = arith.addi %add3A_5, %add3A_18 : i32
    %mul3A_20 = arith.constant 8 : i32
    %mul3A_21 = arith.muli %mul3A_20, %add3A_19 : i32
    %dma_start3A_22 = arith.constant 0 : i32
    %dma_start3A_23 = arith.constant 0 : i32
    %dma_start3A_24 = arith.constant 0 : i32
    %dma_start3A_25 = tpu.memref_slice %arg11[%dma_start3A_22, %dma_start3A_23, %dma_start3A_24] : memref<3x128x128xf32, #tpu.memory_space<vmem>> -> memref<1x128x128xf32, #tpu.memory_space<vmem>>
    %dma_start3A_26 = tpu.memref_squeeze %dma_start3A_25 : memref<1x128x128xf32, #tpu.memory_space<vmem>> -> memref<128x128xf32, #tpu.memory_space<vmem>>
    %dma_start3A_27 = arith.constant 0 : i32
    %dma_start3A_28 = tpu.memref_slice %arg3[%mul3A_21, %dma_start3A_27] : memref<100000x128xf32, #tpu.memory_space<hbm>> -> memref<128x128xf32, #tpu.memory_space<hbm>>
    %dma_start3A_29 = arith.constant 0 : i32
    %dma_start3A_30 = arith.constant 0 : i32
    %dma_start3A_31 = tpu.memref_slice %arg11[%dma_start3A_22, %dma_start3A_29, %dma_start3A_30] : memref<3x128x128xf32, #tpu.memory_space<vmem>> -> memref<1x128x128xf32, #tpu.memory_space<vmem>>
    %dma_start3A_32 = tpu.memref_squeeze %dma_start3A_31 : memref<1x128x128xf32, #tpu.memory_space<vmem>> -> memref<128x128xf32, #tpu.memory_space<vmem>>
    %dma_start3A_33 = arith.constant 0 : i32
    %dma_start3A_34 = tpu.memref_slice %arg3[%mul3A_21, %dma_start3A_33] : memref<100000x128xf32, #tpu.memory_space<hbm>> -> memref<128x128xf32, #tpu.memory_space<hbm>>
    tpu.enqueue_dma source(%dma_start3A_34 : memref<128x128xf32, #tpu.memory_space<hbm>>) target(%dma_start3A_32 : memref<128x128xf32, #tpu.memory_space<vmem>>) target_semaphore(%arg19 : memref<!tpu.dma_semaphore, #tpu.memory_space<semaphore_mem>>)
    %add3A_35 = arith.constant 16 : i32
    %add3A_36 = arith.addi %add3A_5, %add3A_35 : i32
    %mul3A_37 = arith.constant 8 : i32
    %mul3A_38 = arith.muli %mul3A_37, %add3A_36 : i32
    %dma_start3A_39 = arith.constant 1 : i32
    %dma_start3A_40 = arith.constant 0 : i32
    %dma_start3A_41 = arith.constant 0 : i32
    %dma_start3A_42 = tpu.memref_slice %arg11[%dma_start3A_39, %dma_start3A_40, %dma_start3A_41] : memref<3x128x128xf32, #tpu.memory_space<vmem>> -> memref<1x128x128xf32, #tpu.memory_space<vmem>>
    %dma_start3A_43 = tpu.memref_squeeze %dma_start3A_42 : memref<1x128x128xf32, #tpu.memory_space<vmem>> -> memref<128x128xf32, #tpu.memory_space<vmem>>
    %dma_start3A_44 = arith.constant 0 : i32
    %dma_start3A_45 = tpu.memref_slice %arg3[%mul3A_38, %dma_start3A_44] : memref<100000x128xf32, #tpu.memory_space<hbm>> -> memref<128x128xf32, #tpu.memory_space<hbm>>
    %dma_start3A_46 = arith.constant 0 : i32
    %dma_start3A_47 = arith.constant 0 : i32
    %dma_start3A_48 = tpu.memref_slice %arg11[%dma_start3A_39, %dma_start3A_46, %dma_start3A_47] : memref<3x128x128xf32, #tpu.memory_space<vmem>> -> memref<1x128x128xf32, #tpu.memory_space<vmem>>
    %dma_start3A_49 = tpu.memref_squeeze %dma_start3A_48 : memref<1x128x128xf32, #tpu.memory_space<vmem>> -> memref<128x128xf32, #tpu.memory_space<vmem>>
    %dma_start3A_50 = arith.constant 0 : i32
    %dma_start3A_51 = tpu.memref_slice %arg3[%mul3A_38, %dma_start3A_50] : memref<100000x128xf32, #tpu.memory_space<hbm>> -> memref<128x128xf32, #tpu.memory_space<hbm>>
    tpu.enqueue_dma source(%dma_start3A_51 : memref<128x128xf32, #tpu.memory_space<hbm>>) target(%dma_start3A_49 : memref<128x128xf32, #tpu.memory_space<vmem>>) target_semaphore(%arg20 : memref<!tpu.dma_semaphore, #tpu.memory_space<semaphore_mem>>)
    tpu.enqueue_dma source(%arg5 : memref<128xf32, #tpu.memory_space<hbm>>) target(%arg14 : memref<128xf32, #tpu.memory_space<vmem>>) target_semaphore(%arg27 : memref<!tpu.dma_semaphore, #tpu.memory_space<semaphore_mem>>)
    tpu.enqueue_dma source(%arg6 : memref<128xf32, #tpu.memory_space<hbm>>) target(%arg15 : memref<128xf32, #tpu.memory_space<vmem>>) target_semaphore(%arg27 : memref<!tpu.dma_semaphore, #tpu.memory_space<semaphore_mem>>)
    %convert_element_type3A_52 = arith.extui %lt3A_1 : i1 to i32
    %cond3A_53 = arith.constant 0 : i32
    %cond3A_54 = arith.cmpi ne, %convert_element_type3A_52, %cond3A_53 : i32
    scf.if %cond3A_54 {
      %dma_start3A_210 = arith.constant 0 : i32
      %dma_start3A_211 = arith.constant 0 : i32
      %dma_start3A_212 = tpu.memref_slice %arg13[%dma_start3A_210, %dma_start3A_211] : memref<56x128xf32, #tpu.memory_space<vmem>> -> memref<56x128xf32, #tpu.memory_space<vmem>>
      %dma_start3A_213 = arith.constant 0 : i32
      %dma_start3A_214 = tpu.memref_slice %arg3[%add3A_9, %dma_start3A_213] : memref<100000x128xf32, #tpu.memory_space<hbm>> -> memref<56x128xf32, #tpu.memory_space<hbm>>
      %dma_start3A_215 = arith.constant 0 : i32
      %dma_start3A_216 = arith.constant 0 : i32
      %dma_start3A_217 = tpu.memref_slice %arg13[%dma_start3A_215, %dma_start3A_216] : memref<56x128xf32, #tpu.memory_space<vmem>> -> memref<56x128xf32, #tpu.memory_space<vmem>>
      %dma_start3A_218 = arith.constant 0 : i32
      %dma_start3A_219 = tpu.memref_slice %arg3[%add3A_9, %dma_start3A_218] : memref<100000x128xf32, #tpu.memory_space<hbm>> -> memref<56x128xf32, #tpu.memory_space<hbm>>
      tpu.enqueue_dma source(%dma_start3A_219 : memref<56x128xf32, #tpu.memory_space<hbm>>) target(%dma_start3A_217 : memref<56x128xf32, #tpu.memory_space<vmem>>) target_semaphore(%arg28 : memref<!tpu.dma_semaphore, #tpu.memory_space<semaphore_mem>>)
    } else {
    }
    %not3A = arith.constant true
    %not3A_55 = arith.xori %lt3A_1, %not3A : i1
    %convert_element_type3A_56 = arith.extui %not3A_55 : i1 to i32
    %cond3A_57 = arith.constant 0 : i32
    %cond3A_58 = arith.cmpi ne, %convert_element_type3A_56, %cond3A_57 : i32
    scf.if %cond3A_58 {
      %dma_start3A_210 = arith.constant 0 : i32
      %dma_start3A_211 = arith.constant 0 : i32
      %dma_start3A_212 = tpu.memref_slice %arg13[%dma_start3A_210, %dma_start3A_211] : memref<56x128xf32, #tpu.memory_space<vmem>> -> memref<48x128xf32, #tpu.memory_space<vmem>>
      %dma_start3A_213 = arith.constant 0 : i32
      %dma_start3A_214 = tpu.memref_slice %arg3[%add3A_9, %dma_start3A_213] : memref<100000x128xf32, #tpu.memory_space<hbm>> -> memref<48x128xf32, #tpu.memory_space<hbm>>
      %dma_start3A_215 = arith.constant 0 : i32
      %dma_start3A_216 = arith.constant 0 : i32
      %dma_start3A_217 = tpu.memref_slice %arg13[%dma_start3A_215, %dma_start3A_216] : memref<56x128xf32, #tpu.memory_space<vmem>> -> memref<48x128xf32, #tpu.memory_space<vmem>>
      %dma_start3A_218 = arith.constant 0 : i32
      %dma_start3A_219 = tpu.memref_slice %arg3[%add3A_9, %dma_start3A_218] : memref<100000x128xf32, #tpu.memory_space<hbm>> -> memref<48x128xf32, #tpu.memory_space<hbm>>
      tpu.enqueue_dma source(%dma_start3A_219 : memref<48x128xf32, #tpu.memory_space<hbm>>) target(%dma_start3A_217 : memref<48x128xf32, #tpu.memory_space<vmem>>) target_semaphore(%arg28 : memref<!tpu.dma_semaphore, #tpu.memory_space<semaphore_mem>>)
    } else {
    }
    %dma_wait3A = arith.constant 0 : i32
    %dma_wait3A_59 = tpu.memref_slice %arg2[%dma_wait3A] : memref<100000xi32, #tpu.memory_space<hbm>> -> memref<128xi32, #tpu.memory_space<hbm>>
    %dma_wait3A_60 = arith.constant 0 : i32
    %dma_wait3A_61 = tpu.memref_slice %arg2[%dma_wait3A_60] : memref<100000xi32, #tpu.memory_space<hbm>> -> memref<128xi32, #tpu.memory_space<hbm>>
    tpu.wait_dma2 semaphore(%arg26 : memref<!tpu.dma_semaphore, #tpu.memory_space<semaphore_mem>>) src(%dma_wait3A_61 : memref<128xi32, #tpu.memory_space<hbm>>) dst(%arg9 : memref<128xi32, #tpu.memory_space<vmem>>)
    %dma_start3A_62 = arith.constant 0 : i32
    %dma_start3A_63 = arith.constant 0 : i32
    %dma_start3A_64 = arith.constant 0 : i32
    %dma_start3A_65 = tpu.memref_slice %arg10[%dma_start3A_62, %dma_start3A_63, %dma_start3A_64] : memref<3x128x128xf32, #tpu.memory_space<vmem>> -> memref<1x128x128xf32, #tpu.memory_space<vmem>>
    %dma_start3A_66 = tpu.memref_squeeze %dma_start3A_65 : memref<1x128x128xf32, #tpu.memory_space<vmem>> -> memref<128x128xf32, #tpu.memory_space<vmem>>
    %dma_start3A_67 = arith.constant 0 : i32
    %dma_start3A_68 = arith.constant 0 : i32
    %dma_start3A_69 = tpu.memref_slice %arg4[%dma_start3A_67, %dma_start3A_68] : memref<100000x128xf32, #tpu.memory_space<hbm>> -> memref<100000x128xf32, #tpu.memory_space<hbm>>
    tpu.enqueue_indirect_dma source(%dma_start3A_69 : memref<100000x128xf32, #tpu.memory_space<hbm>>) target(%dma_start3A_66 : memref<128x128xf32, #tpu.memory_space<vmem>>) offsets(%arg9 : memref<128xi32, #tpu.memory_space<vmem>>) semaphore(%arg16 : memref<!tpu.dma_semaphore, #tpu.memory_space<semaphore_mem>>)
    %dma_wait3A_70 = arith.constant 0 : i32
    %dma_wait3A_71 = tpu.memref_slice %arg8[%dma_wait3A_70] : memref<3128xi32, #tpu.memory_space<vmem>> -> memref<3120xi32, #tpu.memory_space<vmem>>
    %dma_wait3A_72 = arith.constant 0 : i32
    %dma_wait3A_73 = tpu.memref_slice %arg2[%dma_wait3A_72] : memref<100000xi32, #tpu.memory_space<hbm>> -> memref<3120xi32, #tpu.memory_space<hbm>>
    %dma_wait3A_74 = arith.constant 0 : i32
    %dma_wait3A_75 = tpu.memref_slice %arg8[%dma_wait3A_74] : memref<3128xi32, #tpu.memory_space<vmem>> -> memref<3120xi32, #tpu.memory_space<vmem>>
    %dma_wait3A_76 = arith.constant 0 : i32
    %dma_wait3A_77 = tpu.memref_slice %arg2[%dma_wait3A_76] : memref<100000xi32, #tpu.memory_space<hbm>> -> memref<3120xi32, #tpu.memory_space<hbm>>
    tpu.wait_dma2 semaphore(%arg25 : memref<!tpu.dma_semaphore, #tpu.memory_space<semaphore_mem>>) src(%dma_wait3A_77 : memref<3120xi32, #tpu.memory_space<hbm>>) dst(%dma_wait3A_75 : memref<3120xi32, #tpu.memory_space<vmem>>)
    %convert_element_type3A_78 = arith.extui %lt3A_1 : i1 to i32
    %cond3A_79 = arith.constant 0 : i32
    %cond3A_80 = arith.cmpi ne, %convert_element_type3A_78, %cond3A_79 : i32
    scf.if %cond3A_80 {
      %dma_wait3A_210 = arith.constant 3120 : i32
      %dma_wait3A_211 = tpu.memref_slice %arg8[%dma_wait3A_210] : memref<3128xi32, #tpu.memory_space<vmem>> -> memref<8xi32, #tpu.memory_space<vmem>>
      %dma_wait3A_212 = arith.constant 0 : i32
      %dma_wait3A_213 = tpu.memref_slice %arg2[%dma_wait3A_212] : memref<100000xi32, #tpu.memory_space<hbm>> -> memref<8xi32, #tpu.memory_space<hbm>>
      %dma_wait3A_214 = arith.constant 3120 : i32
      %dma_wait3A_215 = tpu.memref_slice %arg8[%dma_wait3A_214] : memref<3128xi32, #tpu.memory_space<vmem>> -> memref<8xi32, #tpu.memory_space<vmem>>
      %dma_wait3A_216 = arith.constant 0 : i32
      %dma_wait3A_217 = tpu.memref_slice %arg2[%dma_wait3A_216] : memref<100000xi32, #tpu.memory_space<hbm>> -> memref<8xi32, #tpu.memory_space<hbm>>
      tpu.wait_dma2 semaphore(%arg25 : memref<!tpu.dma_semaphore, #tpu.memory_space<semaphore_mem>>) src(%dma_wait3A_217 : memref<8xi32, #tpu.memory_space<hbm>>) dst(%dma_wait3A_215 : memref<8xi32, #tpu.memory_space<vmem>>)
    } else {
    }
    %dma_start3A_81 = arith.constant 1 : i32
    %dma_start3A_82 = arith.constant 0 : i32
    %dma_start3A_83 = arith.constant 0 : i32
    %dma_start3A_84 = tpu.memref_slice %arg10[%dma_start3A_81, %dma_start3A_82, %dma_start3A_83] : memref<3x128x128xf32, #tpu.memory_space<vmem>> -> memref<1x128x128xf32, #tpu.memory_space<vmem>>
    %dma_start3A_85 = tpu.memref_squeeze %dma_start3A_84 : memref<1x128x128xf32, #tpu.memory_space<vmem>> -> memref<128x128xf32, #tpu.memory_space<vmem>>
    %dma_start3A_86 = arith.constant 128 : i32
    %dma_start3A_87 = tpu.memref_slice %arg8[%dma_start3A_86] : memref<3128xi32, #tpu.memory_space<vmem>> -> memref<128xi32, #tpu.memory_space<vmem>>
    %dma_start3A_88 = arith.constant 0 : i32
    %dma_start3A_89 = arith.constant 0 : i32
    %dma_start3A_90 = tpu.memref_slice %arg4[%dma_start3A_88, %dma_start3A_89] : memref<100000x128xf32, #tpu.memory_space<hbm>> -> memref<100000x128xf32, #tpu.memory_space<hbm>>
    tpu.enqueue_indirect_dma source(%dma_start3A_90 : memref<100000x128xf32, #tpu.memory_space<hbm>>) target(%dma_start3A_85 : memref<128x128xf32, #tpu.memory_space<vmem>>) offsets(%dma_start3A_87 : memref<128xi32, #tpu.memory_space<vmem>>) semaphore(%arg17 : memref<!tpu.dma_semaphore, #tpu.memory_space<semaphore_mem>>)
    %convert_element_type3A_91 = arith.extui %lt3A_1 : i1 to i32
    %cond3A_92 = arith.constant 0 : i32
    %cond3A_93 = arith.cmpi ne, %convert_element_type3A_91, %cond3A_92 : i32
    scf.if %cond3A_93 {
      %dma_start3A_210 = arith.constant 0 : i32
      %dma_start3A_211 = arith.constant 0 : i32
      %dma_start3A_212 = tpu.memref_slice %arg12[%dma_start3A_210, %dma_start3A_211] : memref<56x128xf32, #tpu.memory_space<vmem>> -> memref<56x128xf32, #tpu.memory_space<vmem>>
      %dma_start3A_213 = arith.constant 3072 : i32
      %dma_start3A_214 = tpu.memref_slice %arg8[%dma_start3A_213] : memref<3128xi32, #tpu.memory_space<vmem>> -> memref<56xi32, #tpu.memory_space<vmem>>
      %dma_start3A_215 = arith.constant 0 : i32
      %dma_start3A_216 = arith.constant 0 : i32
      %dma_start3A_217 = tpu.memref_slice %arg4[%dma_start3A_215, %dma_start3A_216] : memref<100000x128xf32, #tpu.memory_space<hbm>> -> memref<100000x128xf32, #tpu.memory_space<hbm>>
      tpu.enqueue_indirect_dma source(%dma_start3A_217 : memref<100000x128xf32, #tpu.memory_space<hbm>>) target(%dma_start3A_212 : memref<56x128xf32, #tpu.memory_space<vmem>>) offsets(%dma_start3A_214 : memref<56xi32, #tpu.memory_space<vmem>>) semaphore(%arg28 : memref<!tpu.dma_semaphore, #tpu.memory_space<semaphore_mem>>)
    } else {
    }
    %not3A_94 = arith.constant true
    %not3A_95 = arith.xori %lt3A_1, %not3A_94 : i1
    %convert_element_type3A_96 = arith.extui %not3A_95 : i1 to i32
    %cond3A_97 = arith.constant 0 : i32
    %cond3A_98 = arith.cmpi ne, %convert_element_type3A_96, %cond3A_97 : i32
    scf.if %cond3A_98 {
      %dma_start3A_210 = arith.constant 0 : i32
      %dma_start3A_211 = arith.constant 0 : i32
      %dma_start3A_212 = tpu.memref_slice %arg12[%dma_start3A_210, %dma_start3A_211] : memref<56x128xf32, #tpu.memory_space<vmem>> -> memref<48x128xf32, #tpu.memory_space<vmem>>
      %dma_start3A_213 = arith.constant 3072 : i32
      %dma_start3A_214 = tpu.memref_slice %arg8[%dma_start3A_213] : memref<3128xi32, #tpu.memory_space<vmem>> -> memref<48xi32, #tpu.memory_space<vmem>>
      %dma_start3A_215 = arith.constant 0 : i32
      %dma_start3A_216 = arith.constant 0 : i32
      %dma_start3A_217 = tpu.memref_slice %arg4[%dma_start3A_215, %dma_start3A_216] : memref<100000x128xf32, #tpu.memory_space<hbm>> -> memref<100000x128xf32, #tpu.memory_space<hbm>>
      tpu.enqueue_indirect_dma source(%dma_start3A_217 : memref<100000x128xf32, #tpu.memory_space<hbm>>) target(%dma_start3A_212 : memref<48x128xf32, #tpu.memory_space<vmem>>) offsets(%dma_start3A_214 : memref<48xi32, #tpu.memory_space<vmem>>) semaphore(%arg28 : memref<!tpu.dma_semaphore, #tpu.memory_space<semaphore_mem>>)
    } else {
    }
    tpu.wait_dma2 semaphore(%arg27 : memref<!tpu.dma_semaphore, #tpu.memory_space<semaphore_mem>>) src(%arg5 : memref<128xf32, #tpu.memory_space<hbm>>) dst(%arg14 : memref<128xf32, #tpu.memory_space<vmem>>)
    tpu.wait_dma2 semaphore(%arg27 : memref<!tpu.dma_semaphore, #tpu.memory_space<semaphore_mem>>) src(%arg6 : memref<128xf32, #tpu.memory_space<hbm>>) dst(%arg15 : memref<128xf32, #tpu.memory_space<vmem>>)
    %get3A = arith.constant 0 : index
    %get3A_99 = tpu.vector_load %arg14[%get3A] {strides = array<i32>} : memref<128xf32, #tpu.memory_space<vmem>>, vector<16xf32>,
    %get3A_100 = vector.shape_cast %get3A_99 : vector<16xf32> to vector<16xf32>
    %get3A_101 = arith.constant 16 : index
    %get3A_102 = tpu.vector_load %arg14[%get3A_101] {strides = array<i32>} : memref<128xf32, #tpu.memory_space<vmem>>, vector<16xf32>,
    %get3A_103 = vector.shape_cast %get3A_102 : vector<16xf32> to vector<16xf32>
    %get3A_104 = arith.constant 32 : index
    %get3A_105 = tpu.vector_load %arg14[%get3A_104] {strides = array<i32>} : memref<128xf32, #tpu.memory_space<vmem>>, vector<16xf32>,
    %get3A_106 = vector.shape_cast %get3A_105 : vector<16xf32> to vector<16xf32>
    %get3A_107 = arith.constant 48 : index
    %get3A_108 = tpu.vector_load %arg14[%get3A_107] {strides = array<i32>} : memref<128xf32, #tpu.memory_space<vmem>>, vector<16xf32>,
    %get3A_109 = vector.shape_cast %get3A_108 : vector<16xf32> to vector<16xf32>
    %get3A_110 = arith.constant 64 : index
    %get3A_111 = tpu.vector_load %arg14[%get3A_110] {strides = array<i32>} : memref<128xf32, #tpu.memory_space<vmem>>, vector<16xf32>,
    %get3A_112 = vector.shape_cast %get3A_111 : vector<16xf32> to vector<16xf32>
    %get3A_113 = arith.constant 80 : index
    %get3A_114 = tpu.vector_load %arg14[%get3A_113] {strides = array<i32>} : memref<128xf32, #tpu.memory_space<vmem>>, vector<16xf32>,
    %get3A_115 = vector.shape_cast %get3A_114 : vector<16xf32> to vector<16xf32>
    %get3A_116 = arith.constant 96 : index
    %get3A_117 = tpu.vector_load %arg14[%get3A_116] {strides = array<i32>} : memref<128xf32, #tpu.memory_space<vmem>>, vector<16xf32>,
    %get3A_118 = vector.shape_cast %get3A_117 : vector<16xf32> to vector<16xf32>
    %get3A_119 = arith.constant 112 : index
    %get3A_120 = tpu.vector_load %arg14[%get3A_119] {strides = array<i32>} : memref<128xf32, #tpu.memory_space<vmem>>, vector<16xf32>,
    %get3A_121 = vector.shape_cast %get3A_120 : vector<16xf32> to vector<16xf32>
    %get3A_122 = arith.constant 0 : index
    %get3A_123 = tpu.vector_load %arg15[%get3A_122] {strides = array<i32>} : memref<128xf32, #tpu.memory_space<vmem>>, vector<16xf32>,
    %get3A_124 = vector.shape_cast %get3A_123 : vector<16xf32> to vector<16xf32>
    %exp3A = math.exp %get3A_124 : vector<16xf32>
    %get3A_125 = arith.constant 16 : index
    %get3A_126 = tpu.vector_load %arg15[%get3A_125] {strides = array<i32>} : memref<128xf32, #tpu.memory_space<vmem>>, vector<16xf32>,
    %get3A_127 = vector.shape_cast %get3A_126 : vector<16xf32> to vector<16xf32>
    %exp3A_128 = math.exp %get3A_127 : vector<16xf32>
    %get3A_129 = arith.constant 32 : index
    %get3A_130 = tpu.vector_load %arg15[%get3A_129] {strides = array<i32>} : memref<128xf32, #tpu.memory_space<vmem>>, vector<16xf32>,
    %get3A_131 = vector.shape_cast %get3A_130 : vector<16xf32> to vector<16xf32>
    %exp3A_132 = math.exp %get3A_131 : vector<16xf32>
    %get3A_133 = arith.constant 48 : index
    %get3A_134 = tpu.vector_load %arg15[%get3A_133] {strides = array<i32>} : memref<128xf32, #tpu.memory_space<vmem>>, vector<16xf32>,
    %get3A_135 = vector.shape_cast %get3A_134 : vector<16xf32> to vector<16xf32>
    %exp3A_136 = math.exp %get3A_135 : vector<16xf32>
    %get3A_137 = arith.constant 64 : index
    %get3A_138 = tpu.vector_load %arg15[%get3A_137] {strides = array<i32>} : memref<128xf32, #tpu.memory_space<vmem>>, vector<16xf32>,
    %get3A_139 = vector.shape_cast %get3A_138 : vector<16xf32> to vector<16xf32>
    %exp3A_140 = math.exp %get3A_139 : vector<16xf32>
    %get3A_141 = arith.constant 80 : index
    %get3A_142 = tpu.vector_load %arg15[%get3A_141] {strides = array<i32>} : memref<128xf32, #tpu.memory_space<vmem>>, vector<16xf32>,
    %get3A_143 = vector.shape_cast %get3A_142 : vector<16xf32> to vector<16xf32>
    %exp3A_144 = math.exp %get3A_143 : vector<16xf32>
    %get3A_145 = arith.constant 96 : index
    %get3A_146 = tpu.vector_load %arg15[%get3A_145] {strides = array<i32>} : memref<128xf32, #tpu.memory_space<vmem>>, vector<16xf32>,
    %get3A_147 = vector.shape_cast %get3A_146 : vector<16xf32> to vector<16xf32>
    %exp3A_148 = math.exp %get3A_147 : vector<16xf32>
    %get3A_149 = arith.constant 112 : index
    %get3A_150 = tpu.vector_load %arg15[%get3A_149] {strides = array<i32>} : memref<128xf32, #tpu.memory_space<vmem>>, vector<16xf32>,
    %get3A_151 = vector.shape_cast %get3A_150 : vector<16xf32> to vector<16xf32>
    %exp3A_152 = math.exp %get3A_151 : vector<16xf32>
    %scan3A = arith.constant 0 : i32
    %scan3A_153 = arith.constant 8 : i32
    %scan3A_154 = arith.addi %scan3A, %scan3A_153 : i32
    %scan3A_155 = arith.constant 1 : i32
    scf.for %scan3A_210 = %scan3A to %scan3A_154 step %scan3A_155  : i32 {
      %mul3A_211 = arith.constant 1 : i32
      %mul3A_212 = arith.muli %scan3A_210, %mul3A_211 : i32
      %add3A_213 = arith.constant 0 : i32
      %add3A_214 = arith.addi %add3A_213, %mul3A_212 : i32
      %mul3A_215 = arith.constant 3 : i32
      %mul3A_216 = arith.muli %mul3A_215, %add3A_214 : i32
      %add3A_217 = arith.constant 0 : i32
      %add3A_218 = arith.addi %mul3A_216, %add3A_217 : i32
      %dma_wait3A_219 = arith.constant 0 : i32
      %dma_wait3A_220 = arith.constant 0 : i32
      %dma_wait3A_221 = arith.constant 0 : i32
      %dma_wait3A_222 = tpu.memref_slice %arg10[%dma_wait3A_219, %dma_wait3A_220, %dma_wait3A_221] : memref<3x128x128xf32, #tpu.memory_space<vmem>> -> memref<1x128x128xf32, #tpu.memory_space<vmem>>
      %dma_wait3A_223 = tpu.memref_squeeze %dma_wait3A_222 : memref<1x128x128xf32, #tpu.memory_space<vmem>> -> memref<128x128xf32, #tpu.memory_space<vmem>>
      %dma_wait3A_224 = arith.constant 0 : i32
      %dma_wait3A_225 = tpu.memref_slice %arg8[%dma_wait3A_224] : memref<3128xi32, #tpu.memory_space<vmem>> -> memref<128xi32, #tpu.memory_space<vmem>>
      %dma_wait3A_226 = arith.constant 0 : i32
      %dma_wait3A_227 = arith.constant 0 : i32
      %dma_wait3A_228 = tpu.memref_slice %arg4[%dma_wait3A_226, %dma_wait3A_227] : memref<100000x128xf32, #tpu.memory_space<hbm>> -> memref<100000x128xf32, #tpu.memory_space<hbm>>
      tpu.wait_indirect_dma semaphore(%arg16 : memref<!tpu.dma_semaphore, #tpu.memory_space<semaphore_mem>>) src(%dma_wait3A_228 : memref<100000x128xf32, #tpu.memory_space<hbm>>) dst(%dma_wait3A_223 : memref<128x128xf32, #tpu.memory_space<vmem>>)
      %dma_wait3A_229 = arith.constant 0 : i32
      %dma_wait3A_230 = arith.constant 0 : i32
      %dma_wait3A_231 = arith.constant 0 : i32
      %dma_wait3A_232 = tpu.memref_slice %arg11[%dma_wait3A_229, %dma_wait3A_230, %dma_wait3A_231] : memref<3x128x128xf32, #tpu.memory_space<vmem>> -> memref<1x128x128xf32, #tpu.memory_space<vmem>>
      %dma_wait3A_233 = tpu.memref_squeeze %dma_wait3A_232 : memref<1x128x128xf32, #tpu.memory_space<vmem>> -> memref<128x128xf32, #tpu.memory_space<vmem>>
      %dma_wait3A_234 = arith.constant 0 : i32
      %dma_wait3A_235 = arith.constant 0 : i32
      %dma_wait3A_236 = tpu.memref_slice %arg3[%dma_wait3A_234, %dma_wait3A_235] : memref<100000x128xf32, #tpu.memory_space<hbm>> -> memref<128x128xf32, #tpu.memory_space<hbm>>
      %dma_wait3A_237 = arith.constant 0 : i32
      %dma_wait3A_238 = arith.constant 0 : i32
      %dma_wait3A_239 = tpu.memref_slice %arg11[%dma_wait3A_229, %dma_wait3A_237, %dma_wait3A_238] : memref<3x128x128xf32, #tpu.memory_space<vmem>> -> memref<1x128x128xf32, #tpu.memory_space<vmem>>
      %dma_wait3A_240 = tpu.memref_squeeze %dma_wait3A_239 : memref<1x128x128xf32, #tpu.memory_space<vmem>> -> memref<128x128xf32, #tpu.memory_space<vmem>>
      %dma_wait3A_241 = arith.constant 0 : i32
      %dma_wait3A_242 = arith.constant 0 : i32
      %dma_wait3A_243 = tpu.memref_slice %arg3[%dma_wait3A_241, %dma_wait3A_242] : memref<100000x128xf32, #tpu.memory_space<hbm>> -> memref<128x128xf32, #tpu.memory_space<hbm>>
      tpu.wait_dma2 semaphore(%arg19 : memref<!tpu.dma_semaphore, #tpu.memory_space<semaphore_mem>>) src(%dma_wait3A_243 : memref<128x128xf32, #tpu.memory_space<hbm>>) dst(%dma_wait3A_240 : memref<128x128xf32, #tpu.memory_space<vmem>>)
      %gt3A = arith.constant 0 : i32
      %gt3A_244 = arith.cmpi sgt, %add3A_214, %gt3A : i32
      %convert_element_type3A_245 = arith.extui %gt3A_244 : i1 to i32
      %cond3A_246 = arith.constant 0 : i32
      %cond3A_247 = arith.cmpi ne, %convert_element_type3A_245, %cond3A_246 : i32
      scf.if %cond3A_247 {
        %dma_wait3A_412 = arith.constant 2 : i32
        %dma_wait3A_413 = arith.constant 0 : i32
        %dma_wait3A_414 = arith.constant 0 : i32
        %dma_wait3A_415 = tpu.memref_slice %arg10[%dma_wait3A_412, %dma_wait3A_413, %dma_wait3A_414] : memref<3x128x128xf32, #tpu.memory_space<vmem>> -> memref<1x128x128xf32, #tpu.memory_space<vmem>>
        %dma_wait3A_416 = tpu.memref_squeeze %dma_wait3A_415 : memref<1x128x128xf32, #tpu.memory_space<vmem>> -> memref<128x128xf32, #tpu.memory_space<vmem>>
        %dma_wait3A_417 = arith.constant 0 : i32
        %dma_wait3A_418 = arith.constant 0 : i32
        %dma_wait3A_419 = tpu.memref_slice %arg7[%dma_wait3A_417, %dma_wait3A_418] : memref<100000x128xf32, #tpu.memory_space<hbm>> -> memref<128x128xf32, #tpu.memory_space<hbm>>
        %dma_wait3A_420 = arith.constant 0 : i32
        %dma_wait3A_421 = arith.constant 0 : i32
        %dma_wait3A_422 = tpu.memref_slice %arg7[%dma_wait3A_420, %dma_wait3A_421] : memref<100000x128xf32, #tpu.memory_space<hbm>> -> memref<128x128xf32, #tpu.memory_space<hbm>>
        %dma_wait3A_423 = arith.constant 0 : i32
        %dma_wait3A_424 = arith.constant 0 : i32
        %dma_wait3A_425 = tpu.memref_slice %arg10[%dma_wait3A_412, %dma_wait3A_423, %dma_wait3A_424] : memref<3x128x128xf32, #tpu.memory_space<vmem>> -> memref<1x128x128xf32, #tpu.memory_space<vmem>>
        %dma_wait3A_426 = tpu.memref_squeeze %dma_wait3A_425 : memref<1x128x128xf32, #tpu.memory_space<vmem>> -> memref<128x128xf32, #tpu.memory_space<vmem>>
        tpu.wait_dma2 semaphore(%arg24 : memref<!tpu.dma_semaphore, #tpu.memory_space<semaphore_mem>>) src(%dma_wait3A_426 : memref<128x128xf32, #tpu.memory_space<vmem>>) dst(%dma_wait3A_422 : memref<128x128xf32, #tpu.memory_space<hbm>>)
      } else {
      }
      %add3A_248 = arith.constant 2 : i32
      %add3A_249 = arith.addi %add3A_218, %add3A_248 : i32
      %mul3A_250 = arith.constant 128 : i32
      %mul3A_251 = arith.muli %add3A_249, %mul3A_250 : i32
      %dma_start3A_252 = arith.constant 2 : i32
      %dma_start3A_253 = arith.constant 0 : i32
      %dma_start3A_254 = arith.constant 0 : i32
      %dma_start3A_255 = tpu.memref_slice %arg10[%dma_start3A_252, %dma_start3A_253, %dma_start3A_254] : memref<3x128x128xf32, #tpu.memory_space<vmem>> -> memref<1x128x128xf32, #tpu.memory_space<vmem>>
      %dma_start3A_256 = tpu.memref_squeeze %dma_start3A_255 : memref<1x128x128xf32, #tpu.memory_space<vmem>> -> memref<128x128xf32, #tpu.memory_space<vmem>>
      %dma_start3A_257 = tpu.memref_slice %arg8[%mul3A_251] : memref<3128xi32, #tpu.memory_space<vmem>> -> memref<128xi32, #tpu.memory_space<vmem>>
      %dma_start3A_258 = arith.constant 0 : i32
      %dma_start3A_259 = arith.constant 0 : i32
      %dma_start3A_260 = tpu.memref_slice %arg4[%dma_start3A_258, %dma_start3A_259] : memref<100000x128xf32, #tpu.memory_space<hbm>> -> memref<100000x128xf32, #tpu.memory_space<hbm>>
      tpu.enqueue_indirect_dma source(%dma_start3A_260 : memref<100000x128xf32, #tpu.memory_space<hbm>>) target(%dma_start3A_256 : memref<128x128xf32, #tpu.memory_space<vmem>>) offsets(%dma_start3A_257 : memref<128xi32, #tpu.memory_space<vmem>>) semaphore(%arg18 : memref<!tpu.dma_semaphore, #tpu.memory_space<semaphore_mem>>)
      %mul3A_261 = arith.constant 16 : i32
      %mul3A_262 = arith.muli %mul3A_261, %add3A_249 : i32
      %add3A_263 = arith.addi %add3A_5, %mul3A_262 : i32
      %mul3A_264 = arith.constant 8 : i32
      %mul3A_265 = arith.muli %mul3A_264, %add3A_263 : i32
      %dma_start3A_266 = arith.constant 2 : i32
      %dma_start3A_267 = arith.constant 0 : i32
      %dma_start3A_268 = arith.constant 0 : i32
      %dma_start3A_269 = tpu.memref_slice %arg11[%dma_start3A_266, %dma_start3A_267, %dma_start3A_268] : memref<3x128x128xf32, #tpu.memory_space<vmem>> -> memref<1x128x128xf32, #tpu.memory_space<vmem>>
      %dma_start3A_270 = tpu.memref_squeeze %dma_start3A_269 : memref<1x128x128xf32, #tpu.memory_space<vmem>> -> memref<128x128xf32, #tpu.memory_space<vmem>>
      %dma_start3A_271 = arith.constant 0 : i32
      %dma_start3A_272 = tpu.memref_slice %arg3[%mul3A_265, %dma_start3A_271] : memref<100000x128xf32, #tpu.memory_space<hbm>> -> memref<128x128xf32, #tpu.memory_space<hbm>>
      %dma_start3A_273 = arith.constant 0 : i32
      %dma_start3A_274 = arith.constant 0 : i32
      %dma_start3A_275 = tpu.memref_slice %arg11[%dma_start3A_266, %dma_start3A_273, %dma_start3A_274] : memref<3x128x128xf32, #tpu.memory_space<vmem>> -> memref<1x128x128xf32, #tpu.memory_space<vmem>>
      %dma_start3A_276 = tpu.memref_squeeze %dma_start3A_275 : memref<1x128x128xf32, #tpu.memory_space<vmem>> -> memref<128x128xf32, #tpu.memory_space<vmem>>
      %dma_start3A_277 = arith.constant 0 : i32
      %dma_start3A_278 = tpu.memref_slice %arg3[%mul3A_265, %dma_start3A_277] : memref<100000x128xf32, #tpu.memory_space<hbm>> -> memref<128x128xf32, #tpu.memory_space<hbm>>
      tpu.enqueue_dma source(%dma_start3A_278 : memref<128x128xf32, #tpu.memory_space<hbm>>) target(%dma_start3A_276 : memref<128x128xf32, #tpu.memory_space<vmem>>) target_semaphore(%arg21 : memref<!tpu.dma_semaphore, #tpu.memory_space<semaphore_mem>>)
      %scan3A_279 = arith.constant 0 : i32
      %scan3A_280 = arith.constant 64 : i32
      %scan3A_281 = arith.addi %scan3A_279, %scan3A_280 : i32
      %scan3A_282 = arith.constant 1 : i32
      scf.for %scan3A_412 = %scan3A_279 to %scan3A_281 step %scan3A_282  : i32 {
        %mul3A_413 = arith.constant 2 : i32
        %mul3A_414 = arith.muli %mul3A_413, %scan3A_412 : i32
        %add3A_415 = arith.constant 0 : i32
        %add3A_416 = arith.addi %mul3A_414, %add3A_415 : i32
        %get3A_417 = arith.constant 0 : i32
        %get3A_418 = arith.index_cast %get3A_417 : i32 to index
        %get3A_419 = arith.index_cast %add3A_416 : i32 to index
        %get3A_420 = arith.constant 0 : index
        %get3A_421 = tpu.vector_load %arg10[%get3A_418, %get3A_419, %get3A_420] {strides = array<i32>} : memref<3x128x128xf32, #tpu.memory_space<vmem>>, vector<1x1x16xf32>,
        %get3A_422 = vector.shape_cast %get3A_421 : vector<1x1x16xf32> to vector<16xf32>
        %add3A_423 = arith.addf %get3A_422, %get3A_100 : vector<16xf32>
        %add3A_424 = arith.constant 0 : i32
        %add3A_425 = arith.addi %mul3A_414, %add3A_424 : i32
        %get3A_426 = arith.constant 0 : i32
        %get3A_427 = arith.index_cast %get3A_426 : i32 to index
        %get3A_428 = arith.index_cast %add3A_425 : i32 to index
        %get3A_429 = arith.constant 0 : index
        %get3A_430 = tpu.vector_load %arg11[%get3A_427, %get3A_428, %get3A_429] {strides = array<i32>} : memref<3x128x128xf32, #tpu.memory_space<vmem>>, vector<1x1x16xf32>,
        %get3A_431 = vector.shape_cast %get3A_430 : vector<1x1x16xf32> to vector<16xf32>
        %mul3A_432 = arith.mulf %exp3A, %get3A_431 : vector<16xf32>
        %add3A_433 = arith.addf %add3A_423, %mul3A_432 : vector<16xf32>
        %add3A_434 = arith.constant 0 : i32
        %add3A_435 = arith.addi %mul3A_414, %add3A_434 : i32
        %swap3A = arith.constant 0 : i32
        %swap3A_436 = arith.index_cast %swap3A : i32 to index
        %swap3A_437 = arith.index_cast %add3A_435 : i32 to index
        %swap3A_438 = arith.constant 0 : index
        %swap3A_439 = tpu.vector_load %arg10[%swap3A_436, %swap3A_437, %swap3A_438] {strides = array<i32>} : memref<3x128x128xf32, #tpu.memory_space<vmem>>, vector<1x1x16xf32>,
        %swap3A_440 = vector.shape_cast %swap3A_439 : vector<1x1x16xf32> to vector<16xf32>
        %swap3A_441 = vector.shape_cast %add3A_433 : vector<16xf32> to vector<1x1x16xf32>
        tpu.vector_store %arg10[%swap3A_436, %swap3A_437, %swap3A_438], %swap3A_441 {strides = array<i32>} : memref<3x128x128xf32, #tpu.memory_space<vmem>>, vector<1x1x16xf32>,
        %add3A_442 = arith.constant 0 : i32
        %add3A_443 = arith.addi %mul3A_414, %add3A_442 : i32
        %get3A_444 = arith.constant 0 : i32
        %get3A_445 = arith.index_cast %get3A_444 : i32 to index
        %get3A_446 = arith.index_cast %add3A_443 : i32 to index
        %get3A_447 = arith.constant 16 : index
        %get3A_448 = tpu.vector_load %arg10[%get3A_445, %get3A_446, %get3A_447] {strides = array<i32>} : memref<3x128x128xf32, #tpu.memory_space<vmem>>, vector<1x1x16xf32>,
        %get3A_449 = vector.shape_cast %get3A_448 : vector<1x1x16xf32> to vector<16xf32>
        %add3A_450 = arith.addf %get3A_449, %get3A_103 : vector<16xf32>
        %add3A_451 = arith.constant 0 : i32
        %add3A_452 = arith.addi %mul3A_414, %add3A_451 : i32
        %get3A_453 = arith.constant 0 : i32
        %get3A_454 = arith.index_cast %get3A_453 : i32 to index
        %get3A_455 = arith.index_cast %add3A_452 : i32 to index
        %get3A_456 = arith.constant 16 : index
        %get3A_457 = tpu.vector_load %arg11[%get3A_454, %get3A_455, %get3A_456] {strides = array<i32>} : memref<3x128x128xf32, #tpu.memory_space<vmem>>, vector<1x1x16xf32>,
        %get3A_458 = vector.shape_cast %get3A_457 : vector<1x1x16xf32> to vector<16xf32>
        %mul3A_459 = arith.mulf %exp3A_128, %get3A_458 : vector<16xf32>
        %add3A_460 = arith.addf %add3A_450, %mul3A_459 : vector<16xf32>
        %add3A_461 = arith.constant 0 : i32
        %add3A_462 = arith.addi %mul3A_414, %add3A_461 : i32
        %swap3A_463 = arith.constant 0 : i32
        %swap3A_464 = arith.index_cast %swap3A_463 : i32 to index
        %swap3A_465 = arith.index_cast %add3A_462 : i32 to index
        %swap3A_466 = arith.constant 16 : index
        %swap3A_467 = tpu.vector_load %arg10[%swap3A_464, %swap3A_465, %swap3A_466] {strides = array<i32>} : memref<3x128x128xf32, #tpu.memory_space<vmem>>, vector<1x1x16xf32>,
        %swap3A_468 = vector.shape_cast %swap3A_467 : vector<1x1x16xf32> to vector<16xf32>
        %swap3A_469 = vector.shape_cast %add3A_460 : vector<16xf32> to vector<1x1x16xf32>
        tpu.vector_store %arg10[%swap3A_464, %swap3A_465, %swap3A_466], %swap3A_469 {strides = array<i32>} : memref<3x128x128xf32, #tpu.memory_space<vmem>>, vector<1x1x16xf32>,
        %add3A_470 = arith.constant 0 : i32
        %add3A_471 = arith.addi %mul3A_414, %add3A_470 : i32
        %get3A_472 = arith.constant 0 : i32
        %get3A_473 = arith.index_cast %get3A_472 : i32 to index
        %get3A_474 = arith.index_cast %add3A_471 : i32 to index
        %get3A_475 = arith.constant 32 : index
        %get3A_476 = tpu.vector_load %arg10[%get3A_473, %get3A_474, %get3A_475] {strides = array<i32>} : memref<3x128x128xf32, #tpu.memory_space<vmem>>, vector<1x1x16xf32>,
        %get3A_477 = vector.shape_cast %get3A_476 : vector<1x1x16xf32> to vector<16xf32>
        %add3A_478 = arith.addf %get3A_477, %get3A_106 : vector<16xf32>
        %add3A_479 = arith.constant 0 : i32
        %add3A_480 = arith.addi %mul3A_414, %add3A_479 : i32
        %get3A_481 = arith.constant 0 : i32
        %get3A_482 = arith.index_cast %get3A_481 : i32 to index
        %get3A_483 = arith.index_cast %add3A_480 : i32 to index
        %get3A_484 = arith.constant 32 : index
        %get3A_485 = tpu.vector_load %arg11[%get3A_482, %get3A_483, %get3A_484] {strides = array<i32>} : memref<3x128x128xf32, #tpu.memory_space<vmem>>, vector<1x1x16xf32>,
        %get3A_486 = vector.shape_cast %get3A_485 : vector<1x1x16xf32> to vector<16xf32>
        %mul3A_487 = arith.mulf %exp3A_132, %get3A_486 : vector<16xf32>
        %add3A_488 = arith.addf %add3A_478, %mul3A_487 : vector<16xf32>
        %add3A_489 = arith.constant 0 : i32
        %add3A_490 = arith.addi %mul3A_414, %add3A_489 : i32
        %swap3A_491 = arith.constant 0 : i32
        %swap3A_492 = arith.index_cast %swap3A_491 : i32 to index
        %swap3A_493 = arith.index_cast %add3A_490 : i32 to index
        %swap3A_494 = arith.constant 32 : index
        %swap3A_495 = tpu.vector_load %arg10[%swap3A_492, %swap3A_493, %swap3A_494] {strides = array<i32>} : memref<3x128x128xf32, #tpu.memory_space<vmem>>, vector<1x1x16xf32>,
        %swap3A_496 = vector.shape_cast %swap3A_495 : vector<1x1x16xf32> to vector<16xf32>
        %swap3A_497 = vector.shape_cast %add3A_488 : vector<16xf32> to vector<1x1x16xf32>
        tpu.vector_store %arg10[%swap3A_492, %swap3A_493, %swap3A_494], %swap3A_497 {strides = array<i32>} : memref<3x128x128xf32, #tpu.memory_space<vmem>>, vector<1x1x16xf32>,
        %add3A_498 = arith.constant 0 : i32
        %add3A_499 = arith.addi %mul3A_414, %add3A_498 : i32
        %get3A_500 = arith.constant 0 : i32
        %get3A_501 = arith.index_cast %get3A_500 : i32 to index
        %get3A_502 = arith.index_cast %add3A_499 : i32 to index
        %get3A_503 = arith.constant 48 : index
        %get3A_504 = tpu.vector_load %arg10[%get3A_501, %get3A_502, %get3A_503] {strides = array<i32>} : memref<3x128x128xf32, #tpu.memory_space<vmem>>, vector<1x1x16xf32>,
        %get3A_505 = vector.shape_cast %get3A_504 : vector<1x1x16xf32> to vector<16xf32>
        %add3A_506 = arith.addf %get3A_505, %get3A_109 : vector<16xf32>
        %add3A_507 = arith.constant 0 : i32
        %add3A_508 = arith.addi %mul3A_414, %add3A_507 : i32
        %get3A_509 = arith.constant 0 : i32
        %get3A_510 = arith.index_cast %get3A_509 : i32 to index
        %get3A_511 = arith.index_cast %add3A_508 : i32 to index
        %get3A_512 = arith.constant 48 : index
        %get3A_513 = tpu.vector_load %arg11[%get3A_510, %get3A_511, %get3A_512] {strides = array<i32>} : memref<3x128x128xf32, #tpu.memory_space<vmem>>, vector<1x1x16xf32>,
        %get3A_514 = vector.shape_cast %get3A_513 : vector<1x1x16xf32> to vector<16xf32>
        %mul3A_515 = arith.mulf %exp3A_136, %get3A_514 : vector<16xf32>
        %add3A_516 = arith.addf %add3A_506, %mul3A_515 : vector<16xf32>
        %add3A_517 = arith.constant 0 : i32
        %add3A_518 = arith.addi %mul3A_414, %add3A_517 : i32
        %swap3A_519 = arith.constant 0 : i32
        %swap3A_520 = arith.index_cast %swap3A_519 : i32 to index
        %swap3A_521 = arith.index_cast %add3A_518 : i32 to index
        %swap3A_522 = arith.constant 48 : index
        %swap3A_523 = tpu.vector_load %arg10[%swap3A_520, %swap3A_521, %swap3A_522] {strides = array<i32>} : memref<3x128x128xf32, #tpu.memory_space<vmem>>, vector<1x1x16xf32>,
        %swap3A_524 = vector.shape_cast %swap3A_523 : vector<1x1x16xf32> to vector<16xf32>
        %swap3A_525 = vector.shape_cast %add3A_516 : vector<16xf32> to vector<1x1x16xf32>
        tpu.vector_store %arg10[%swap3A_520, %swap3A_521, %swap3A_522], %swap3A_525 {strides = array<i32>} : memref<3x128x128xf32, #tpu.memory_space<vmem>>, vector<1x1x16xf32>,
        %add3A_526 = arith.constant 0 : i32
        %add3A_527 = arith.addi %mul3A_414, %add3A_526 : i32
        %get3A_528 = arith.constant 0 : i32
        %get3A_529 = arith.index_cast %get3A_528 : i32 to index
        %get3A_530 = arith.index_cast %add3A_527 : i32 to index
        %get3A_531 = arith.constant 64 : index
        %get3A_532 = tpu.vector_load %arg10[%get3A_529, %get3A_530, %get3A_531] {strides = array<i32>} : memref<3x128x128xf32, #tpu.memory_space<vmem>>, vector<1x1x16xf32>,
        %get3A_533 = vector.shape_cast %get3A_532 : vector<1x1x16xf32> to vector<16xf32>
        %add3A_534 = arith.addf %get3A_533, %get3A_112 : vector<16xf32>
        %add3A_535 = arith.constant 0 : i32
        %add3A_536 = arith.addi %mul3A_414, %add3A_535 : i32
        %get3A_537 = arith.constant 0 : i32
        %get3A_538 = arith.index_cast %get3A_537 : i32 to index
        %get3A_539 = arith.index_cast %add3A_536 : i32 to index
        %get3A_540 = arith.constant 64 : index
        %get3A_541 = tpu.vector_load %arg11[%get3A_538, %get3A_539, %get3A_540] {strides = array<i32>} : memref<3x128x128xf32, #tpu.memory_space<vmem>>, vector<1x1x16xf32>,
        %get3A_542 = vector.shape_cast %get3A_541 : vector<1x1x16xf32> to vector<16xf32>
        %mul3A_543 = arith.mulf %exp3A_140, %get3A_542 : vector<16xf32>
        %add3A_544 = arith.addf %add3A_534, %mul3A_543 : vector<16xf32>
        %add3A_545 = arith.constant 0 : i32
        %add3A_546 = arith.addi %mul3A_414, %add3A_545 : i32
        %swap3A_547 = arith.constant 0 : i32
        %swap3A_548 = arith.index_cast %swap3A_547 : i32 to index
        %swap3A_549 = arith.index_cast %add3A_546 : i32 to index
        %swap3A_550 = arith.constant 64 : index
        %swap3A_551 = tpu.vector_load %arg10[%swap3A_548, %swap3A_549, %swap3A_550] {strides = array<i32>} : memref<3x128x128xf32, #tpu.memory_space<vmem>>, vector<1x1x16xf32>,
        %swap3A_552 = vector.shape_cast %swap3A_551 : vector<1x1x16xf32> to vector<16xf32>
        %swap3A_553 = vector.shape_cast %add3A_544 : vector<16xf32> to vector<1x1x16xf32>
        tpu.vector_store %arg10[%swap3A_548, %swap3A_549, %swap3A_550], %swap3A_553 {strides = array<i32>} : memref<3x128x128xf32, #tpu.memory_space<vmem>>, vector<1x1x16xf32>,
        %add3A_554 = arith.constant 0 : i32
        %add3A_555 = arith.addi %mul3A_414, %add3A_554 : i32
        %get3A_556 = arith.constant 0 : i32
        %get3A_557 = arith.index_cast %get3A_556 : i32 to index
        %get3A_558 = arith.index_cast %add3A_555 : i32 to index
        %get3A_559 = arith.constant 80 : index
        %get3A_560 = tpu.vector_load %arg10[%get3A_557, %get3A_558, %get3A_559] {strides = array<i32>} : memref<3x128x128xf32, #tpu.memory_space<vmem>>, vector<1x1x16xf32>,
        %get3A_561 = vector.shape_cast %get3A_560 : vector<1x1x16xf32> to vector<16xf32>
        %add3A_562 = arith.addf %get3A_561, %get3A_115 : vector<16xf32>
        %add3A_563 = arith.constant 0 : i32
        %add3A_564 = arith.addi %mul3A_414, %add3A_563 : i32
        %get3A_565 = arith.constant 0 : i32
        %get3A_566 = arith.index_cast %get3A_565 : i32 to index
        %get3A_567 = arith.index_cast %add3A_564 : i32 to index
        %get3A_568 = arith.constant 80 : index
        %get3A_569 = tpu.vector_load %arg11[%get3A_566, %get3A_567, %get3A_568] {strides = array<i32>} : memref<3x128x128xf32, #tpu.memory_space<vmem>>, vector<1x1x16xf32>,
        %get3A_570 = vector.shape_cast %get3A_569 : vector<1x1x16xf32> to vector<16xf32>
        %mul3A_571 = arith.mulf %exp3A_144, %get3A_570 : vector<16xf32>
        %add3A_572 = arith.addf %add3A_562, %mul3A_571 : vector<16xf32>
        %add3A_573 = arith.constant 0 : i32
        %add3A_574 = arith.addi %mul3A_414, %add3A_573 : i32
        %swap3A_575 = arith.constant 0 : i32
        %swap3A_576 = arith.index_cast %swap3A_575 : i32 to index
        %swap3A_577 = arith.index_cast %add3A_574 : i32 to index
        %swap3A_578 = arith.constant 80 : index
        %swap3A_579 = tpu.vector_load %arg10[%swap3A_576, %swap3A_577, %swap3A_578] {strides = array<i32>} : memref<3x128x128xf32, #tpu.memory_space<vmem>>, vector<1x1x16xf32>,
        %swap3A_580 = vector.shape_cast %swap3A_579 : vector<1x1x16xf32> to vector<16xf32>
        %swap3A_581 = vector.shape_cast %add3A_572 : vector<16xf32> to vector<1x1x16xf32>
        tpu.vector_store %arg10[%swap3A_576, %swap3A_577, %swap3A_578], %swap3A_581 {strides = array<i32>} : memref<3x128x128xf32, #tpu.memory_space<vmem>>, vector<1x1x16xf32>,
        %add3A_582 = arith.constant 0 : i32
        %add3A_583 = arith.addi %mul3A_414, %add3A_582 : i32
        %get3A_584 = arith.constant 0 : i32
        %get3A_585 = arith.index_cast %get3A_584 : i32 to index
        %get3A_586 = arith.index_cast %add3A_583 : i32 to index
        %get3A_587 = arith.constant 96 : index
        %get3A_588 = tpu.vector_load %arg10[%get3A_585, %get3A_586, %get3A_587] {strides = array<i32>} : memref<3x128x128xf32, #tpu.memory_space<vmem>>, vector<1x1x16xf32>,
        %get3A_589 = vector.shape_cast %get3A_588 : vector<1x1x16xf32> to vector<16xf32>
        %add3A_590 = arith.addf %get3A_589, %get3A_118 : vector<16xf32>
        %add3A_591 = arith.constant 0 : i32
        %add3A_592 = arith.addi %mul3A_414, %add3A_591 : i32
        %get3A_593 = arith.constant 0 : i32
        %get3A_594 = arith.index_cast %get3A_593 : i32 to index
        %get3A_595 = arith.index_cast %add3A_592 : i32 to index
        %get3A_596 = arith.constant 96 : index
        %get3A_597 = tpu.vector_load %arg11[%get3A_594, %get3A_595, %get3A_596] {strides = array<i32>} : memref<3x128x128xf32, #tpu.memory_space<vmem>>, vector<1x1x16xf32>,
        %get3A_598 = vector.shape_cast %get3A_597 : vector<1x1x16xf32> to vector<16xf32>
        %mul3A_599 = arith.mulf %exp3A_148, %get3A_598 : vector<16xf32>
        %add3A_600 = arith.addf %add3A_590, %mul3A_599 : vector<16xf32>
        %add3A_601 = arith.constant 0 : i32
        %add3A_602 = arith.addi %mul3A_414, %add3A_601 : i32
        %swap3A_603 = arith.constant 0 : i32
        %swap3A_604 = arith.index_cast %swap3A_603 : i32 to index
        %swap3A_605 = arith.index_cast %add3A_602 : i32 to index
        %swap3A_606 = arith.constant 96 : index
        %swap3A_607 = tpu.vector_load %arg10[%swap3A_604, %swap3A_605, %swap3A_606] {strides = array<i32>} : memref<3x128x128xf32, #tpu.memory_space<vmem>>, vector<1x1x16xf32>,
        %swap3A_608 = vector.shape_cast %swap3A_607 : vector<1x1x16xf32> to vector<16xf32>
        %swap3A_609 = vector.shape_cast %add3A_600 : vector<16xf32> to vector<1x1x16xf32>
        tpu.vector_store %arg10[%swap3A_604, %swap3A_605, %swap3A_606], %swap3A_609 {strides = array<i32>} : memref<3x128x128xf32, #tpu.memory_space<vmem>>, vector<1x1x16xf32>,
        %add3A_610 = arith.constant 0 : i32
        %add3A_611 = arith.addi %mul3A_414, %add3A_610 : i32
        %get3A_612 = arith.constant 0 : i32
        %get3A_613 = arith.index_cast %get3A_612 : i32 to index
        %get3A_614 = arith.index_cast %add3A_611 : i32 to index
        %get3A_615 = arith.constant 112 : index
        %get3A_616 = tpu.vector_load %arg10[%get3A_613, %get3A_614, %get3A_615] {strides = array<i32>} : memref<3x128x128xf32, #tpu.memory_space<vmem>>, vector<1x1x16xf32>,
        %get3A_617 = vector.shape_cast %get3A_616 : vector<1x1x16xf32> to vector<16xf32>
        %add3A_618 = arith.addf %get3A_617, %get3A_121 : vector<16xf32>
        %add3A_619 = arith.constant 0 : i32
        %add3A_620 = arith.addi %mul3A_414, %add3A_619 : i32
        %get3A_621 = arith.constant 0 : i32
        %get3A_622 = arith.index_cast %get3A_621 : i32 to index
        %get3A_623 = arith.index_cast %add3A_620 : i32 to index
        %get3A_624 = arith.constant 112 : index
        %get3A_625 = tpu.vector_load %arg11[%get3A_622, %get3A_623, %get3A_624] {strides = array<i32>} : memref<3x128x128xf32, #tpu.memory_space<vmem>>, vector<1x1x16xf32>,
        %get3A_626 = vector.shape_cast %get3A_625 : vector<1x1x16xf32> to vector<16xf32>
        %mul3A_627 = arith.mulf %exp3A_152, %get3A_626 : vector<16xf32>
        %add3A_628 = arith.addf %add3A_618, %mul3A_627 : vector<16xf32>
        %add3A_629 = arith.constant 0 : i32
        %add3A_630 = arith.addi %mul3A_414, %add3A_629 : i32
        %swap3A_631 = arith.constant 0 : i32
        %swap3A_632 = arith.index_cast %swap3A_631 : i32 to index
        %swap3A_633 = arith.index_cast %add3A_630 : i32 to index
        %swap3A_634 = arith.constant 112 : index
        %swap3A_635 = tpu.vector_load %arg10[%swap3A_632, %swap3A_633, %swap3A_634] {strides = array<i32>} : memref<3x128x128xf32, #tpu.memory_space<vmem>>, vector<1x1x16xf32>,
        %swap3A_636 = vector.shape_cast %swap3A_635 : vector<1x1x16xf32> to vector<16xf32>
        %swap3A_637 = vector.shape_cast %add3A_628 : vector<16xf32> to vector<1x1x16xf32>
        tpu.vector_store %arg10[%swap3A_632, %swap3A_633, %swap3A_634], %swap3A_637 {strides = array<i32>} : memref<3x128x128xf32, #tpu.memory_space<vmem>>, vector<1x1x16xf32>,
        %add3A_638 = arith.constant 1 : i32
        %add3A_639 = arith.addi %mul3A_414, %add3A_638 : i32
        %get3A_640 = arith.constant 0 : i32
        %get3A_641 = arith.index_cast %get3A_640 : i32 to index
        %get3A_642 = arith.index_cast %add3A_639 : i32 to index
        %get3A_643 = arith.constant 0 : index
        %get3A_644 = tpu.vector_load %arg10[%get3A_641, %get3A_642, %get3A_643] {strides = array<i32>} : memref<3x128x128xf32, #tpu.memory_space<vmem>>, vector<1x1x16xf32>,
        %get3A_645 = vector.shape_cast %get3A_644 : vector<1x1x16xf32> to vector<16xf32>
        %add3A_646 = arith.addf %get3A_645, %get3A_100 : vector<16xf32>
        %add3A_647 = arith.constant 1 : i32
        %add3A_648 = arith.addi %mul3A_414, %add3A_647 : i32
        %get3A_649 = arith.constant 0 : i32
        %get3A_650 = arith.index_cast %get3A_649 : i32 to index
        %get3A_651 = arith.index_cast %add3A_648 : i32 to index
        %get3A_652 = arith.constant 0 : index
        %get3A_653 = tpu.vector_load %arg11[%get3A_650, %get3A_651, %get3A_652] {strides = array<i32>} : memref<3x128x128xf32, #tpu.memory_space<vmem>>, vector<1x1x16xf32>,
        %get3A_654 = vector.shape_cast %get3A_653 : vector<1x1x16xf32> to vector<16xf32>
        %mul3A_655 = arith.mulf %exp3A, %get3A_654 : vector<16xf32>
        %add3A_656 = arith.addf %add3A_646, %mul3A_655 : vector<16xf32>
        %add3A_657 = arith.constant 1 : i32
        %add3A_658 = arith.addi %mul3A_414, %add3A_657 : i32
        %swap3A_659 = arith.constant 0 : i32
        %swap3A_660 = arith.index_cast %swap3A_659 : i32 to index
        %swap3A_661 = arith.index_cast %add3A_658 : i32 to index
        %swap3A_662 = arith.constant 0 : index
        %swap3A_663 = tpu.vector_load %arg10[%swap3A_660, %swap3A_661, %swap3A_662] {strides = array<i32>} : memref<3x128x128xf32, #tpu.memory_space<vmem>>, vector<1x1x16xf32>,
        %swap3A_664 = vector.shape_cast %swap3A_663 : vector<1x1x16xf32> to vector<16xf32>
        %swap3A_665 = vector.shape_cast %add3A_656 : vector<16xf32> to vector<1x1x16xf32>
        tpu.vector_store %arg10[%swap3A_660, %swap3A_661, %swap3A_662], %swap3A_665 {strides = array<i32>} : memref<3x128x128xf32, #tpu.memory_space<vmem>>, vector<1x1x16xf32>,
        %add3A_666 = arith.constant 1 : i32
        %add3A_667 = arith.addi %mul3A_414, %add3A_666 : i32
        %get3A_668 = arith.constant 0 : i32
        %get3A_669 = arith.index_cast %get3A_668 : i32 to index
        %get3A_670 = arith.index_cast %add3A_667 : i32 to index
        %get3A_671 = arith.constant 16 : index
        %get3A_672 = tpu.vector_load %arg10[%get3A_669, %get3A_670, %get3A_671] {strides = array<i32>} : memref<3x128x128xf32, #tpu.memory_space<vmem>>, vector<1x1x16xf32>,
        %get3A_673 = vector.shape_cast %get3A_672 : vector<1x1x16xf32> to vector<16xf32>
        %add3A_674 = arith.addf %get3A_673, %get3A_103 : vector<16xf32>
        %add3A_675 = arith.constant 1 : i32
        %add3A_676 = arith.addi %mul3A_414, %add3A_675 : i32
        %get3A_677 = arith.constant 0 : i32
        %get3A_678 = arith.index_cast %get3A_677 : i32 to index
        %get3A_679 = arith.index_cast %add3A_676 : i32 to index
        %get3A_680 = arith.constant 16 : index
        %get3A_681 = tpu.vector_load %arg11[%get3A_678, %get3A_679, %get3A_680] {strides = array<i32>} : memref<3x128x128xf32, #tpu.memory_space<vmem>>, vector<1x1x16xf32>,
        %get3A_682 = vector.shape_cast %get3A_681 : vector<1x1x16xf32> to vector<16xf32>
        %mul3A_683 = arith.mulf %exp3A_128, %get3A_682 : vector<16xf32>
        %add3A_684 = arith.addf %add3A_674, %mul3A_683 : vector<16xf32>
        %add3A_685 = arith.constant 1 : i32
        %add3A_686 = arith.addi %mul3A_414, %add3A_685 : i32
        %swap3A_687 = arith.constant 0 : i32
        %swap3A_688 = arith.index_cast %swap3A_687 : i32 to index
        %swap3A_689 = arith.index_cast %add3A_686 : i32 to index
        %swap3A_690 = arith.constant 16 : index
        %swap3A_691 = tpu.vector_load %arg10[%swap3A_688, %swap3A_689, %swap3A_690] {strides = array<i32>} : memref<3x128x128xf32, #tpu.memory_space<vmem>>, vector<1x1x16xf32>,
        %swap3A_692 = vector.shape_cast %swap3A_691 : vector<1x1x16xf32> to vector<16xf32>
        %swap3A_693 = vector.shape_cast %add3A_684 : vector<16xf32> to vector<1x1x16xf32>
        tpu.vector_store %arg10[%swap3A_688, %swap3A_689, %swap3A_690], %swap3A_693 {strides = array<i32>} : memref<3x128x128xf32, #tpu.memory_space<vmem>>, vector<1x1x16xf32>,
        %add3A_694 = arith.constant 1 : i32
        %add3A_695 = arith.addi %mul3A_414, %add3A_694 : i32
        %get3A_696 = arith.constant 0 : i32
        %get3A_697 = arith.index_cast %get3A_696 : i32 to index
        %get3A_698 = arith.index_cast %add3A_695 : i32 to index
        %get3A_699 = arith.constant 32 : index
        %get3A_700 = tpu.vector_load %arg10[%get3A_697, %get3A_698, %get3A_699] {strides = array<i32>} : memref<3x128x128xf32, #tpu.memory_space<vmem>>, vector<1x1x16xf32>,
        %get3A_701 = vector.shape_cast %get3A_700 : vector<1x1x16xf32> to vector<16xf32>
        %add3A_702 = arith.addf %get3A_701, %get3A_106 : vector<16xf32>
        %add3A_703 = arith.constant 1 : i32
        %add3A_704 = arith.addi %mul3A_414, %add3A_703 : i32
        %get3A_705 = arith.constant 0 : i32
        %get3A_706 = arith.index_cast %get3A_705 : i32 to index
        %get3A_707 = arith.index_cast %add3A_704 : i32 to index
        %get3A_708 = arith.constant 32 : index
        %get3A_709 = tpu.vector_load %arg11[%get3A_706, %get3A_707, %get3A_708] {strides = array<i32>} : memref<3x128x128xf32, #tpu.memory_space<vmem>>, vector<1x1x16xf32>,
        %get3A_710 = vector.shape_cast %get3A_709 : vector<1x1x16xf32> to vector<16xf32>
        %mul3A_711 = arith.mulf %exp3A_132, %get3A_710 : vector<16xf32>
        %add3A_712 = arith.addf %add3A_702, %mul3A_711 : vector<16xf32>
        %add3A_713 = arith.constant 1 : i32
        %add3A_714 = arith.addi %mul3A_414, %add3A_713 : i32
        %swap3A_715 = arith.constant 0 : i32
        %swap3A_716 = arith.index_cast %swap3A_715 : i32 to index
        %swap3A_717 = arith.index_cast %add3A_714 : i32 to index
        %swap3A_718 = arith.constant 32 : index
        %swap3A_719 = tpu.vector_load %arg10[%swap3A_716, %swap3A_717, %swap3A_718] {strides = array<i32>} : memref<3x128x128xf32, #tpu.memory_space<vmem>>, vector<1x1x16xf32>,
        %swap3A_720 = vector.shape_cast %swap3A_719 : vector<1x1x16xf32> to vector<16xf32>
        %swap3A_721 = vector.shape_cast %add3A_712 : vector<16xf32> to vector<1x1x16xf32>
        tpu.vector_store %arg10[%swap3A_716, %swap3A_717, %swap3A_718], %swap3A_721 {strides = array<i32>} : memref<3x128x128xf32, #tpu.memory_space<vmem>>, vector<1x1x16xf32>,
        %add3A_722 = arith.constant 1 : i32
        %add3A_723 = arith.addi %mul3A_414, %add3A_722 : i32
        %get3A_724 = arith.constant 0 : i32
        %get3A_725 = arith.index_cast %get3A_724 : i32 to index
        %get3A_726 = arith.index_cast %add3A_723 : i32 to index
        %get3A_727 = arith.constant 48 : index
        %get3A_728 = tpu.vector_load %arg10[%get3A_725, %get3A_726, %get3A_727] {strides = array<i32>} : memref<3x128x128xf32, #tpu.memory_space<vmem>>, vector<1x1x16xf32>,
        %get3A_729 = vector.shape_cast %get3A_728 : vector<1x1x16xf32> to vector<16xf32>
        %add3A_730 = arith.addf %get3A_729, %get3A_109 : vector<16xf32>
        %add3A_731 = arith.constant 1 : i32
        %add3A_732 = arith.addi %mul3A_414, %add3A_731 : i32
        %get3A_733 = arith.constant 0 : i32
        %get3A_734 = arith.index_cast %get3A_733 : i32 to index
        %get3A_735 = arith.index_cast %add3A_732 : i32 to index
        %get3A_736 = arith.constant 48 : index
        %get3A_737 = tpu.vector_load %arg11[%get3A_734, %get3A_735, %get3A_736] {strides = array<i32>} : memref<3x128x128xf32, #tpu.memory_space<vmem>>, vector<1x1x16xf32>,
        %get3A_738 = vector.shape_cast %get3A_737 : vector<1x1x16xf32> to vector<16xf32>
        %mul3A_739 = arith.mulf %exp3A_136, %get3A_738 : vector<16xf32>
        %add3A_740 = arith.addf %add3A_730, %mul3A_739 : vector<16xf32>
        %add3A_741 = arith.constant 1 : i32
        %add3A_742 = arith.addi %mul3A_414, %add3A_741 : i32
        %swap3A_743 = arith.constant 0 : i32
        %swap3A_744 = arith.index_cast %swap3A_743 : i32 to index
        %swap3A_745 = arith.index_cast %add3A_742 : i32 to index
        %swap3A_746 = arith.constant 48 : index
        %swap3A_747 = tpu.vector_load %arg10[%swap3A_744, %swap3A_745, %swap3A_746] {strides = array<i32>} : memref<3x128x128xf32, #tpu.memory_space<vmem>>, vector<1x1x16xf32>,
        %swap3A_748 = vector.shape_cast %swap3A_747 : vector<1x1x16xf32> to vector<16xf32>
        %swap3A_749 = vector.shape_cast %add3A_740 : vector<16xf32> to vector<1x1x16xf32>
        tpu.vector_store %arg10[%swap3A_744, %swap3A_745, %swap3A_746], %swap3A_749 {strides = array<i32>} : memref<3x128x128xf32, #tpu.memory_space<vmem>>, vector<1x1x16xf32>,
        %add3A_750 = arith.constant 1 : i32
        %add3A_751 = arith.addi %mul3A_414, %add3A_750 : i32
        %get3A_752 = arith.constant 0 : i32
        %get3A_753 = arith.index_cast %get3A_752 : i32 to index
        %get3A_754 = arith.index_cast %add3A_751 : i32 to index
        %get3A_755 = arith.constant 64 : index
        %get3A_756 = tpu.vector_load %arg10[%get3A_753, %get3A_754, %get3A_755] {strides = array<i32>} : memref<3x128x128xf32, #tpu.memory_space<vmem>>, vector<1x1x16xf32>,
        %get3A_757 = vector.shape_cast %get3A_756 : vector<1x1x16xf32> to vector<16xf32>
        %add3A_758 = arith.addf %get3A_757, %get3A_112 : vector<16xf32>
        %add3A_759 = arith.constant 1 : i32
        %add3A_760 = arith.addi %mul3A_414, %add3A_759 : i32
        %get3A_761 = arith.constant 0 : i32
        %get3A_762 = arith.index_cast %get3A_761 : i32 to index
        %get3A_763 = arith.index_cast %add3A_760 : i32 to index
        %get3A_764 = arith.constant 64 : index
        %get3A_765 = tpu.vector_load %arg11[%get3A_762, %get3A_763, %get3A_764] {strides = array<i32>} : memref<3x128x128xf32, #tpu.memory_space<vmem>>, vector<1x1x16xf32>,
        %get3A_766 = vector.shape_cast %get3A_765 : vector<1x1x16xf32> to vector<16xf32>
        %mul3A_767 = arith.mulf %exp3A_140, %get3A_766 : vector<16xf32>
        %add3A_768 = arith.addf %add3A_758, %mul3A_767 : vector<16xf32>
        %add3A_769 = arith.constant 1 : i32
        %add3A_770 = arith.addi %mul3A_414, %add3A_769 : i32
        %swap3A_771 = arith.constant 0 : i32
        %swap3A_772 = arith.index_cast %swap3A_771 : i32 to index
        %swap3A_773 = arith.index_cast %add3A_770 : i32 to index
        %swap3A_774 = arith.constant 64 : index
        %swap3A_775 = tpu.vector_load %arg10[%swap3A_772, %swap3A_773, %swap3A_774] {strides = array<i32>} : memref<3x128x128xf32, #tpu.memory_space<vmem>>, vector<1x1x16xf32>,
        %swap3A_776 = vector.shape_cast %swap3A_775 : vector<1x1x16xf32> to vector<16xf32>
        %swap3A_777 = vector.shape_cast %add3A_768 : vector<16xf32> to vector<1x1x16xf32>
        tpu.vector_store %arg10[%swap3A_772, %swap3A_773, %swap3A_774], %swap3A_777 {strides = array<i32>} : memref<3x128x128xf32, #tpu.memory_space<vmem>>, vector<1x1x16xf32>,
        %add3A_778 = arith.constant 1 : i32
        %add3A_779 = arith.addi %mul3A_414, %add3A_778 : i32
        %get3A_780 = arith.constant 0 : i32
        %get3A_781 = arith.index_cast %get3A_780 : i32 to index
        %get3A_782 = arith.index_cast %add3A_779 : i32 to index
        %get3A_783 = arith.constant 80 : index
        %get3A_784 = tpu.vector_load %arg10[%get3A_781, %get3A_782, %get3A_783] {strides = array<i32>} : memref<3x128x128xf32, #tpu.memory_space<vmem>>, vector<1x1x16xf32>,
        %get3A_785 = vector.shape_cast %get3A_784 : vector<1x1x16xf32> to vector<16xf32>
        %add3A_786 = arith.addf %get3A_785, %get3A_115 : vector<16xf32>
        %add3A_787 = arith.constant 1 : i32
        %add3A_788 = arith.addi %mul3A_414, %add3A_787 : i32
        %get3A_789 = arith.constant 0 : i32
        %get3A_790 = arith.index_cast %get3A_789 : i32 to index
        %get3A_791 = arith.index_cast %add3A_788 : i32 to index
        %get3A_792 = arith.constant 80 : index
        %get3A_793 = tpu.vector_load %arg11[%get3A_790, %get3A_791, %get3A_792] {strides = array<i32>} : memref<3x128x128xf32, #tpu.memory_space<vmem>>, vector<1x1x16xf32>,
        %get3A_794 = vector.shape_cast %get3A_793 : vector<1x1x16xf32> to vector<16xf32>
        %mul3A_795 = arith.mulf %exp3A_144, %get3A_794 : vector<16xf32>
        %add3A_796 = arith.addf %add3A_786, %mul3A_795 : vector<16xf32>
        %add3A_797 = arith.constant 1 : i32
        %add3A_798 = arith.addi %mul3A_414, %add3A_797 : i32
        %swap3A_799 = arith.constant 0 : i32
        %swap3A_800 = arith.index_cast %swap3A_799 : i32 to index
        %swap3A_801 = arith.index_cast %add3A_798 : i32 to index
        %swap3A_802 = arith.constant 80 : index
        %swap3A_803 = tpu.vector_load %arg10[%swap3A_800, %swap3A_801, %swap3A_802] {strides = array<i32>} : memref<3x128x128xf32, #tpu.memory_space<vmem>>, vector<1x1x16xf32>,
        %swap3A_804 = vector.shape_cast %swap3A_803 : vector<1x1x16xf32> to vector<16xf32>
        %swap3A_805 = vector.shape_cast %add3A_796 : vector<16xf32> to vector<1x1x16xf32>
        tpu.vector_store %arg10[%swap3A_800, %swap3A_801, %swap3A_802], %swap3A_805 {strides = array<i32>} : memref<3x128x128xf32, #tpu.memory_space<vmem>>, vector<1x1x16xf32>,
        %add3A_806 = arith.constant 1 : i32
        %add3A_807 = arith.addi %mul3A_414, %add3A_806 : i32
        %get3A_808 = arith.constant 0 : i32
        %get3A_809 = arith.index_cast %get3A_808 : i32 to index
        %get3A_810 = arith.index_cast %add3A_807 : i32 to index
        %get3A_811 = arith.constant 96 : index
        %get3A_812 = tpu.vector_load %arg10[%get3A_809, %get3A_810, %get3A_811] {strides = array<i32>} : memref<3x128x128xf32, #tpu.memory_space<vmem>>, vector<1x1x16xf32>,
        %get3A_813 = vector.shape_cast %get3A_812 : vector<1x1x16xf32> to vector<16xf32>
        %add3A_814 = arith.addf %get3A_813, %get3A_118 : vector<16xf32>
        %add3A_815 = arith.constant 1 : i32
        %add3A_816 = arith.addi %mul3A_414, %add3A_815 : i32
        %get3A_817 = arith.constant 0 : i32
        %get3A_818 = arith.index_cast %get3A_817 : i32 to index
        %get3A_819 = arith.index_cast %add3A_816 : i32 to index
        %get3A_820 = arith.constant 96 : index
        %get3A_821 = tpu.vector_load %arg11[%get3A_818, %get3A_819, %get3A_820] {strides = array<i32>} : memref<3x128x128xf32, #tpu.memory_space<vmem>>, vector<1x1x16xf32>,
        %get3A_822 = vector.shape_cast %get3A_821 : vector<1x1x16xf32> to vector<16xf32>
        %mul3A_823 = arith.mulf %exp3A_148, %get3A_822 : vector<16xf32>
        %add3A_824 = arith.addf %add3A_814, %mul3A_823 : vector<16xf32>
        %add3A_825 = arith.constant 1 : i32
        %add3A_826 = arith.addi %mul3A_414, %add3A_825 : i32
        %swap3A_827 = arith.constant 0 : i32
        %swap3A_828 = arith.index_cast %swap3A_827 : i32 to index
        %swap3A_829 = arith.index_cast %add3A_826 : i32 to index
        %swap3A_830 = arith.constant 96 : index
        %swap3A_831 = tpu.vector_load %arg10[%swap3A_828, %swap3A_829, %swap3A_830] {strides = array<i32>} : memref<3x128x128xf32, #tpu.memory_space<vmem>>, vector<1x1x16xf32>,
        %swap3A_832 = vector.shape_cast %swap3A_831 : vector<1x1x16xf32> to vector<16xf32>
        %swap3A_833 = vector.shape_cast %add3A_824 : vector<16xf32> to vector<1x1x16xf32>
        tpu.vector_store %arg10[%swap3A_828, %swap3A_829, %swap3A_830], %swap3A_833 {strides = array<i32>} : memref<3x128x128xf32, #tpu.memory_space<vmem>>, vector<1x1x16xf32>,
        %add3A_834 = arith.constant 1 : i32
        %add3A_835 = arith.addi %mul3A_414, %add3A_834 : i32
        %get3A_836 = arith.constant 0 : i32
        %get3A_837 = arith.index_cast %get3A_836 : i32 to index
        %get3A_838 = arith.index_cast %add3A_835 : i32 to index
        %get3A_839 = arith.constant 112 : index
        %get3A_840 = tpu.vector_load %arg10[%get3A_837, %get3A_838, %get3A_839] {strides = array<i32>} : memref<3x128x128xf32, #tpu.memory_space<vmem>>, vector<1x1x16xf32>,
        %get3A_841 = vector.shape_cast %get3A_840 : vector<1x1x16xf32> to vector<16xf32>
        %add3A_842 = arith.addf %get3A_841, %get3A_121 : vector<16xf32>
        %add3A_843 = arith.constant 1 : i32
        %add3A_844 = arith.addi %mul3A_414, %add3A_843 : i32
        %get3A_845 = arith.constant 0 : i32
        %get3A_846 = arith.index_cast %get3A_845 : i32 to index
        %get3A_847 = arith.index_cast %add3A_844 : i32 to index
        %get3A_848 = arith.constant 112 : index
        %get3A_849 = tpu.vector_load %arg11[%get3A_846, %get3A_847, %get3A_848] {strides = array<i32>} : memref<3x128x128xf32, #tpu.memory_space<vmem>>, vector<1x1x16xf32>,
        %get3A_850 = vector.shape_cast %get3A_849 : vector<1x1x16xf32> to vector<16xf32>
        %mul3A_851 = arith.mulf %exp3A_152, %get3A_850 : vector<16xf32>
        %add3A_852 = arith.addf %add3A_842, %mul3A_851 : vector<16xf32>
        %add3A_853 = arith.constant 1 : i32
        %add3A_854 = arith.addi %mul3A_414, %add3A_853 : i32
        %swap3A_855 = arith.constant 0 : i32
        %swap3A_856 = arith.index_cast %swap3A_855 : i32 to index
        %swap3A_857 = arith.index_cast %add3A_854 : i32 to index
        %swap3A_858 = arith.constant 112 : index
        %swap3A_859 = tpu.vector_load %arg10[%swap3A_856, %swap3A_857, %swap3A_858] {strides = array<i32>} : memref<3x128x128xf32, #tpu.memory_space<vmem>>, vector<1x1x16xf32>,
        %swap3A_860 = vector.shape_cast %swap3A_859 : vector<1x1x16xf32> to vector<16xf32>
        %swap3A_861 = vector.shape_cast %add3A_852 : vector<16xf32> to vector<1x1x16xf32>
        tpu.vector_store %arg10[%swap3A_856, %swap3A_857, %swap3A_858], %swap3A_861 {strides = array<i32>} : memref<3x128x128xf32, #tpu.memory_space<vmem>>, vector<1x1x16xf32>,
      }
      %scan3A_283 = arith.constant 64 : i32
      %mul3A_284 = arith.constant 16 : i32
      %mul3A_285 = arith.muli %mul3A_284, %add3A_218 : i32
      %add3A_286 = arith.addi %add3A_5, %mul3A_285 : i32
      %mul3A_287 = arith.constant 8 : i32
      %mul3A_288 = arith.muli %mul3A_287, %add3A_286 : i32
      %dma_start3A_289 = arith.constant 0 : i32
      %dma_start3A_290 = arith.constant 0 : i32
      %dma_start3A_291 = arith.constant 0 : i32
      %dma_start3A_292 = tpu.memref_slice %arg10[%dma_start3A_289, %dma_start3A_290, %dma_start3A_291] : memref<3x128x128xf32, #tpu.memory_space<vmem>> -> memref<1x128x128xf32, #tpu.memory_space<vmem>>
      %dma_start3A_293 = tpu.memref_squeeze %dma_start3A_292 : memref<1x128x128xf32, #tpu.memory_space<vmem>> -> memref<128x128xf32, #tpu.memory_space<vmem>>
      %dma_start3A_294 = arith.constant 0 : i32
      %dma_start3A_295 = tpu.memref_slice %arg7[%mul3A_288, %dma_start3A_294] : memref<100000x128xf32, #tpu.memory_space<hbm>> -> memref<128x128xf32, #tpu.memory_space<hbm>>
      %dma_start3A_296 = arith.constant 0 : i32
      %dma_start3A_297 = tpu.memref_slice %arg7[%mul3A_288, %dma_start3A_296] : memref<100000x128xf32, #tpu.memory_space<hbm>> -> memref<128x128xf32, #tpu.memory_space<hbm>>
      %dma_start3A_298 = arith.constant 0 : i32
      %dma_start3A_299 = arith.constant 0 : i32
      %dma_start3A_300 = tpu.memref_slice %arg10[%dma_start3A_289, %dma_start3A_298, %dma_start3A_299] : memref<3x128x128xf32, #tpu.memory_space<vmem>> -> memref<1x128x128xf32, #tpu.memory_space<vmem>>
      %dma_start3A_301 = tpu.memref_squeeze %dma_start3A_300 : memref<1x128x128xf32, #tpu.memory_space<vmem>> -> memref<128x128xf32, #tpu.memory_space<vmem>>
      tpu.enqueue_dma source(%dma_start3A_301 : memref<128x128xf32, #tpu.memory_space<vmem>>) target(%dma_start3A_297 : memref<128x128xf32, #tpu.memory_space<hbm>>) target_semaphore(%arg22 : memref<!tpu.dma_semaphore, #tpu.memory_space<semaphore_mem>>)
      %add3A_302 = arith.constant 1 : i32
      %add3A_303 = arith.addi %mul3A_216, %add3A_302 : i32
      %dma_wait3A_304 = arith.constant 1 : i32
      %dma_wait3A_305 = arith.constant 0 : i32
      %dma_wait3A_306 = arith.constant 0 : i32
      %dma_wait3A_307 = tpu.memref_slice %arg10[%dma_wait3A_304, %dma_wait3A_305, %dma_wait3A_306] : memref<3x128x128xf32, #tpu.memory_space<vmem>> -> memref<1x128x128xf32, #tpu.memory_space<vmem>>
      %dma_wait3A_308 = tpu.memref_squeeze %dma_wait3A_307 : memref<1x128x128xf32, #tpu.memory_space<vmem>> -> memref<128x128xf32, #tpu.memory_space<vmem>>
      %dma_wait3A_309 = arith.constant 0 : i32
      %dma_wait3A_310 = tpu.memref_slice %arg8[%dma_wait3A_309] : memref<3128xi32, #tpu.memory_space<vmem>> -> memref<128xi32, #tpu.memory_space<vmem>>
      %dma_wait3A_311 = arith.constant 0 : i32
      %dma_wait3A_312 = arith.constant 0 : i32
      %dma_wait3A_313 = tpu.memref_slice %arg4[%dma_wait3A_311, %dma_wait3A_312] : memref<100000x128xf32, #tpu.memory_space<hbm>> -> memref<100000x128xf32, #tpu.memory_space<hbm>>
      tpu.wait_indirect_dma semaphore(%arg17 : memref<!tpu.dma_semaphore, #tpu.memory_space<semaphore_mem>>) src(%dma_wait3A_313 : memref<100000x128xf32, #tpu.memory_space<hbm>>) dst(%dma_wait3A_308 : memref<128x128xf32, #tpu.memory_space<vmem>>)
      %dma_wait3A_314 = arith.constant 1 : i32
      %dma_wait3A_315 = arith.constant 0 : i32
      %dma_wait3A_316 = arith.constant 0 : i32
      %dma_wait3A_317 = tpu.memref_slice %arg11[%dma_wait3A_314, %dma_wait3A_315, %dma_wait3A_316] : memref<3x128x128xf32, #tpu.memory_space<vmem>> -> memref<1x128x128xf32, #tpu.memory_space<vmem>>
      %dma_wait3A_318 = tpu.memref_squeeze %dma_wait3A_317 : memref<1x128x128xf32, #tpu.memory_space<vmem>> -> memref<128x128xf32, #tpu.memory_space<vmem>>
      %dma_wait3A_319 = arith.constant 0 : i32
      %dma_wait3A_320 = arith.constant 0 : i32
      %dma_wait3A_321 = tpu.memref_slice %arg3[%dma_wait3A_319, %dma_wait3A_320] : memref<100000x128xf32, #tpu.memory_space<hbm>> -> memref<128x128xf32, #tpu.memory_space<hbm>>
      %dma_wait3A_322 = arith.constant 0 : i32
      %dma_wait3A_323 = arith.constant 0 : i32
      %dma_wait3A_324 = tpu.memref_slice %arg11[%dma_wait3A_314, %dma_wait3A_322, %dma_wait3A_323] : memref<3x128x128xf32, #tpu.memory_space<vmem>> -> memref<1x128x128xf32, #tpu.memory_space<vmem>>
      %dma_wait3A_325 = tpu.memref_squeeze %dma_wait3A_324 : memref<1x128x128xf32, #tpu.memory_space<vmem>> -> memref<128x128xf32, #tpu.memory_space<vmem>>
      %dma_wait3A_326 = arith.constant 0 : i32
      %dma_wait3A_327 = arith.constant 0 : i32
      %dma_wait3A_328 = tpu.memref_slice %arg3[%dma_wait3A_326, %dma_wait3A_327] : memref<100000x128xf32, #tpu.memory_space<hbm>> -> memref<128x128xf32, #tpu.memory_space<hbm>>
      tpu.wait_dma2 semaphore(%arg20 : memref<!tpu.dma_semaphore, #tpu.memory_space<semaphore_mem>>) src(%dma_wait3A_328 : memref<128x128xf32, #tpu.memory_space<hbm>>) dst(%dma_wait3A_325 : memref<128x128xf32, #tpu.memory_space<vmem>>)
      %lt3A_329 = arith.constant 7 : i32
      %lt3A_330 = arith.cmpi slt, %add3A_214, %lt3A_329 : i32
      %convert_element_type3A_331 = arith.extui %lt3A_330 : i1 to i32
      %cond3A_332 = arith.constant 0 : i32
      %cond3A_333 = arith.cmpi ne, %convert_element_type3A_331, %cond3A_332 : i32
      scf.if %cond3A_333 {
        %dma_wait3A_412 = arith.constant 0 : i32
        %dma_wait3A_413 = arith.constant 0 : i32
        %dma_wait3A_414 = arith.constant 0 : i32
        %dma_wait3A_415 = tpu.memref_slice %arg10[%dma_wait3A_412, %dma_wait3A_413, %dma_wait3A_414] : memref<3x128x128xf32, #tpu.memory_space<vmem>> -> memref<1x128x128xf32, #tpu.memory_space<vmem>>
        %dma_wait3A_416 = tpu.memref_squeeze %dma_wait3A_415 : memref<1x128x128xf32, #tpu.memory_space<vmem>> -> memref<128x128xf32, #tpu.memory_space<vmem>>
        %dma_wait3A_417 = arith.constant 0 : i32
        %dma_wait3A_418 = arith.constant 0 : i32
        %dma_wait3A_419 = tpu.memref_slice %arg7[%dma_wait3A_417, %dma_wait3A_418] : memref<100000x128xf32, #tpu.memory_space<hbm>> -> memref<128x128xf32, #tpu.memory_space<hbm>>
        %dma_wait3A_420 = arith.constant 0 : i32
        %dma_wait3A_421 = arith.constant 0 : i32
        %dma_wait3A_422 = tpu.memref_slice %arg7[%dma_wait3A_420, %dma_wait3A_421] : memref<100000x128xf32, #tpu.memory_space<hbm>> -> memref<128x128xf32, #tpu.memory_space<hbm>>
        %dma_wait3A_423 = arith.constant 0 : i32
        %dma_wait3A_424 = arith.constant 0 : i32
        %dma_wait3A_425 = tpu.memref_slice %arg10[%dma_wait3A_412, %dma_wait3A_423, %dma_wait3A_424] : memref<3x128x128xf32, #tpu.memory_space<vmem>> -> memref<1x128x128xf32, #tpu.memory_space<vmem>>
        %dma_wait3A_426 = tpu.memref_squeeze %dma_wait3A_425 : memref<1x128x128xf32, #tpu.memory_space<vmem>> -> memref<128x128xf32, #tpu.memory_space<vmem>>
        tpu.wait_dma2 semaphore(%arg22 : memref<!tpu.dma_semaphore, #tpu.memory_space<semaphore_mem>>) src(%dma_wait3A_426 : memref<128x128xf32, #tpu.memory_space<vmem>>) dst(%dma_wait3A_422 : memref<128x128xf32, #tpu.memory_space<hbm>>)
        %add3A_427 = arith.constant 2 : i32
        %add3A_428 = arith.addi %add3A_303, %add3A_427 : i32
        %mul3A_429 = arith.constant 128 : i32
        %mul3A_430 = arith.muli %add3A_428, %mul3A_429 : i32
        %dma_start3A_431 = arith.constant 0 : i32
        %dma_start3A_432 = arith.constant 0 : i32
        %dma_start3A_433 = arith.constant 0 : i32
        %dma_start3A_434 = tpu.memref_slice %arg10[%dma_start3A_431, %dma_start3A_432, %dma_start3A_433] : memref<3x128x128xf32, #tpu.memory_space<vmem>> -> memref<1x128x128xf32, #tpu.memory_space<vmem>>
        %dma_start3A_435 = tpu.memref_squeeze %dma_start3A_434 : memref<1x128x128xf32, #tpu.memory_space<vmem>> -> memref<128x128xf32, #tpu.memory_space<vmem>>
        %dma_start3A_436 = tpu.memref_slice %arg8[%mul3A_430] : memref<3128xi32, #tpu.memory_space<vmem>> -> memref<128xi32, #tpu.memory_space<vmem>>
        %dma_start3A_437 = arith.constant 0 : i32
        %dma_start3A_438 = arith.constant 0 : i32
        %dma_start3A_439 = tpu.memref_slice %arg4[%dma_start3A_437, %dma_start3A_438] : memref<100000x128xf32, #tpu.memory_space<hbm>> -> memref<100000x128xf32, #tpu.memory_space<hbm>>
        tpu.enqueue_indirect_dma source(%dma_start3A_439 : memref<100000x128xf32, #tpu.memory_space<hbm>>) target(%dma_start3A_435 : memref<128x128xf32, #tpu.memory_space<vmem>>) offsets(%dma_start3A_436 : memref<128xi32, #tpu.memory_space<vmem>>) semaphore(%arg16 : memref<!tpu.dma_semaphore, #tpu.memory_space<semaphore_mem>>)
        %mul3A_440 = arith.constant 16 : i32
        %mul3A_441 = arith.muli %mul3A_440, %add3A_428 : i32
        %add3A_442 = arith.addi %add3A_5, %mul3A_441 : i32
        %mul3A_443 = arith.constant 8 : i32
        %mul3A_444 = arith.muli %mul3A_443, %add3A_442 : i32
        %dma_start3A_445 = arith.constant 0 : i32
        %dma_start3A_446 = arith.constant 0 : i32
        %dma_start3A_447 = arith.constant 0 : i32
        %dma_start3A_448 = tpu.memref_slice %arg11[%dma_start3A_445, %dma_start3A_446, %dma_start3A_447] : memref<3x128x128xf32, #tpu.memory_space<vmem>> -> memref<1x128x128xf32, #tpu.memory_space<vmem>>
        %dma_start3A_449 = tpu.memref_squeeze %dma_start3A_448 : memref<1x128x128xf32, #tpu.memory_space<vmem>> -> memref<128x128xf32, #tpu.memory_space<vmem>>
        %dma_start3A_450 = arith.constant 0 : i32
        %dma_start3A_451 = tpu.memref_slice %arg3[%mul3A_444, %dma_start3A_450] : memref<100000x128xf32, #tpu.memory_space<hbm>> -> memref<128x128xf32, #tpu.memory_space<hbm>>
        %dma_start3A_452 = arith.constant 0 : i32
        %dma_start3A_453 = arith.constant 0 : i32
        %dma_start3A_454 = tpu.memref_slice %arg11[%dma_start3A_445, %dma_start3A_452, %dma_start3A_453] : memref<3x128x128xf32, #tpu.memory_space<vmem>> -> memref<1x128x128xf32, #tpu.memory_space<vmem>>
        %dma_start3A_455 = tpu.memref_squeeze %dma_start3A_454 : memref<1x128x128xf32, #tpu.memory_space<vmem>> -> memref<128x128xf32, #tpu.memory_space<vmem>>
        %dma_start3A_456 = arith.constant 0 : i32
        %dma_start3A_457 = tpu.memref_slice %arg3[%mul3A_444, %dma_start3A_456] : memref<100000x128xf32, #tpu.memory_space<hbm>> -> memref<128x128xf32, #tpu.memory_space<hbm>>
        tpu.enqueue_dma source(%dma_start3A_457 : memref<128x128xf32, #tpu.memory_space<hbm>>) target(%dma_start3A_455 : memref<128x128xf32, #tpu.memory_space<vmem>>) target_semaphore(%arg19 : memref<!tpu.dma_semaphore, #tpu.memory_space<semaphore_mem>>)
      } else {
      }
      %scan3A_334 = arith.constant 0 : i32
      %scan3A_335 = arith.constant 64 : i32
      %scan3A_336 = arith.addi %scan3A_334, %scan3A_335 : i32
      %scan3A_337 = arith.constant 1 : i32
      scf.for %scan3A_412 = %scan3A_334 to %scan3A_336 step %scan3A_337  : i32 {
        %mul3A_413 = arith.constant 2 : i32
        %mul3A_414 = arith.muli %mul3A_413, %scan3A_412 : i32
        %add3A_415 = arith.constant 0 : i32
        %add3A_416 = arith.addi %mul3A_414, %add3A_415 : i32
        %get3A_417 = arith.constant 1 : i32
        %get3A_418 = arith.index_cast %get3A_417 : i32 to index
        %get3A_419 = arith.index_cast %add3A_416 : i32 to index
        %get3A_420 = arith.constant 0 : index
        %get3A_421 = tpu.vector_load %arg10[%get3A_418, %get3A_419, %get3A_420] {strides = array<i32>} : memref<3x128x128xf32, #tpu.memory_space<vmem>>, vector<1x1x16xf32>,
        %get3A_422 = vector.shape_cast %get3A_421 : vector<1x1x16xf32> to vector<16xf32>
        %add3A_423 = arith.addf %get3A_422, %get3A_100 : vector<16xf32>
        %add3A_424 = arith.constant 0 : i32
        %add3A_425 = arith.addi %mul3A_414, %add3A_424 : i32
        %get3A_426 = arith.constant 1 : i32
        %get3A_427 = arith.index_cast %get3A_426 : i32 to index
        %get3A_428 = arith.index_cast %add3A_425 : i32 to index
        %get3A_429 = arith.constant 0 : index
        %get3A_430 = tpu.vector_load %arg11[%get3A_427, %get3A_428, %get3A_429] {strides = array<i32>} : memref<3x128x128xf32, #tpu.memory_space<vmem>>, vector<1x1x16xf32>,
        %get3A_431 = vector.shape_cast %get3A_430 : vector<1x1x16xf32> to vector<16xf32>
        %mul3A_432 = arith.mulf %exp3A, %get3A_431 : vector<16xf32>
        %add3A_433 = arith.addf %add3A_423, %mul3A_432 : vector<16xf32>
        %add3A_434 = arith.constant 0 : i32
        %add3A_435 = arith.addi %mul3A_414, %add3A_434 : i32
        %swap3A = arith.constant 1 : i32
        %swap3A_436 = arith.index_cast %swap3A : i32 to index
        %swap3A_437 = arith.index_cast %add3A_435 : i32 to index
        %swap3A_438 = arith.constant 0 : index
        %swap3A_439 = tpu.vector_load %arg10[%swap3A_436, %swap3A_437, %swap3A_438] {strides = array<i32>} : memref<3x128x128xf32, #tpu.memory_space<vmem>>, vector<1x1x16xf32>,
        %swap3A_440 = vector.shape_cast %swap3A_439 : vector<1x1x16xf32> to vector<16xf32>
        %swap3A_441 = vector.shape_cast %add3A_433 : vector<16xf32> to vector<1x1x16xf32>
        tpu.vector_store %arg10[%swap3A_436, %swap3A_437, %swap3A_438], %swap3A_441 {strides = array<i32>} : memref<3x128x128xf32, #tpu.memory_space<vmem>>, vector<1x1x16xf32>,
        %add3A_442 = arith.constant 0 : i32
        %add3A_443 = arith.addi %mul3A_414, %add3A_442 : i32
        %get3A_444 = arith.constant 1 : i32
        %get3A_445 = arith.index_cast %get3A_444 : i32 to index
        %get3A_446 = arith.index_cast %add3A_443 : i32 to index
        %get3A_447 = arith.constant 16 : index
        %get3A_448 = tpu.vector_load %arg10[%get3A_445, %get3A_446, %get3A_447] {strides = array<i32>} : memref<3x128x128xf32, #tpu.memory_space<vmem>>, vector<1x1x16xf32>,
        %get3A_449 = vector.shape_cast %get3A_448 : vector<1x1x16xf32> to vector<16xf32>
        %add3A_450 = arith.addf %get3A_449, %get3A_103 : vector<16xf32>
        %add3A_451 = arith.constant 0 : i32
        %add3A_452 = arith.addi %mul3A_414, %add3A_451 : i32
        %get3A_453 = arith.constant 1 : i32
        %get3A_454 = arith.index_cast %get3A_453 : i32 to index
        %get3A_455 = arith.index_cast %add3A_452 : i32 to index
        %get3A_456 = arith.constant 16 : index
        %get3A_457 = tpu.vector_load %arg11[%get3A_454, %get3A_455, %get3A_456] {strides = array<i32>} : memref<3x128x128xf32, #tpu.memory_space<vmem>>, vector<1x1x16xf32>,
        %get3A_458 = vector.shape_cast %get3A_457 : vector<1x1x16xf32> to vector<16xf32>
        %mul3A_459 = arith.mulf %exp3A_128, %get3A_458 : vector<16xf32>
        %add3A_460 = arith.addf %add3A_450, %mul3A_459 : vector<16xf32>
        %add3A_461 = arith.constant 0 : i32
        %add3A_462 = arith.addi %mul3A_414, %add3A_461 : i32
        %swap3A_463 = arith.constant 1 : i32
        %swap3A_464 = arith.index_cast %swap3A_463 : i32 to index
        %swap3A_465 = arith.index_cast %add3A_462 : i32 to index
        %swap3A_466 = arith.constant 16 : index
        %swap3A_467 = tpu.vector_load %arg10[%swap3A_464, %swap3A_465, %swap3A_466] {strides = array<i32>} : memref<3x128x128xf32, #tpu.memory_space<vmem>>, vector<1x1x16xf32>,
        %swap3A_468 = vector.shape_cast %swap3A_467 : vector<1x1x16xf32> to vector<16xf32>
        %swap3A_469 = vector.shape_cast %add3A_460 : vector<16xf32> to vector<1x1x16xf32>
        tpu.vector_store %arg10[%swap3A_464, %swap3A_465, %swap3A_466], %swap3A_469 {strides = array<i32>} : memref<3x128x128xf32, #tpu.memory_space<vmem>>, vector<1x1x16xf32>,
        %add3A_470 = arith.constant 0 : i32
        %add3A_471 = arith.addi %mul3A_414, %add3A_470 : i32
        %get3A_472 = arith.constant 1 : i32
        %get3A_473 = arith.index_cast %get3A_472 : i32 to index
        %get3A_474 = arith.index_cast %add3A_471 : i32 to index
        %get3A_475 = arith.constant 32 : index
        %get3A_476 = tpu.vector_load %arg10[%get3A_473, %get3A_474, %get3A_475] {strides = array<i32>} : memref<3x128x128xf32, #tpu.memory_space<vmem>>, vector<1x1x16xf32>,
        %get3A_477 = vector.shape_cast %get3A_476 : vector<1x1x16xf32> to vector<16xf32>
        %add3A_478 = arith.addf %get3A_477, %get3A_106 : vector<16xf32>
        %add3A_479 = arith.constant 0 : i32
        %add3A_480 = arith.addi %mul3A_414, %add3A_479 : i32
        %get3A_481 = arith.constant 1 : i32
        %get3A_482 = arith.index_cast %get3A_481 : i32 to index
        %get3A_483 = arith.index_cast %add3A_480 : i32 to index
        %get3A_484 = arith.constant 32 : index
        %get3A_485 = tpu.vector_load %arg11[%get3A_482, %get3A_483, %get3A_484] {strides = array<i32>} : memref<3x128x128xf32, #tpu.memory_space<vmem>>, vector<1x1x16xf32>,
        %get3A_486 = vector.shape_cast %get3A_485 : vector<1x1x16xf32> to vector<16xf32>
        %mul3A_487 = arith.mulf %exp3A_132, %get3A_486 : vector<16xf32>
        %add3A_488 = arith.addf %add3A_478, %mul3A_487 : vector<16xf32>
        %add3A_489 = arith.constant 0 : i32
        %add3A_490 = arith.addi %mul3A_414, %add3A_489 : i32
        %swap3A_491 = arith.constant 1 : i32
        %swap3A_492 = arith.index_cast %swap3A_491 : i32 to index
        %swap3A_493 = arith.index_cast %add3A_490 : i32 to index
        %swap3A_494 = arith.constant 32 : index
        %swap3A_495 = tpu.vector_load %arg10[%swap3A_492, %swap3A_493, %swap3A_494] {strides = array<i32>} : memref<3x128x128xf32, #tpu.memory_space<vmem>>, vector<1x1x16xf32>,
        %swap3A_496 = vector.shape_cast %swap3A_495 : vector<1x1x16xf32> to vector<16xf32>
        %swap3A_497 = vector.shape_cast %add3A_488 : vector<16xf32> to vector<1x1x16xf32>
        tpu.vector_store %arg10[%swap3A_492, %swap3A_493, %swap3A_494], %swap3A_497 {strides = array<i32>} : memref<3x128x128xf32, #tpu.memory_space<vmem>>, vector<1x1x16xf32>,
        %add3A_498 = arith.constant 0 : i32
        %add3A_499 = arith.addi %mul3A_414, %add3A_498 : i32
        %get3A_500 = arith.constant 1 : i32
        %get3A_501 = arith.index_cast %get3A_500 : i32 to index
        %get3A_502 = arith.index_cast %add3A_499 : i32 to index
        %get3A_503 = arith.constant 48 : index
        %get3A_504 = tpu.vector_load %arg10[%get3A_501, %get3A_502, %get3A_503] {strides = array<i32>} : memref<3x128x128xf32, #tpu.memory_space<vmem>>, vector<1x1x16xf32>,
        %get3A_505 = vector.shape_cast %get3A_504 : vector<1x1x16xf32> to vector<16xf32>
        %add3A_506 = arith.addf %get3A_505, %get3A_109 : vector<16xf32>
        %add3A_507 = arith.constant 0 : i32
        %add3A_508 = arith.addi %mul3A_414, %add3A_507 : i32
        %get3A_509 = arith.constant 1 : i32
        %get3A_510 = arith.index_cast %get3A_509 : i32 to index
        %get3A_511 = arith.index_cast %add3A_508 : i32 to index
        %get3A_512 = arith.constant 48 : index
        %get3A_513 = tpu.vector_load %arg11[%get3A_510, %get3A_511, %get3A_512] {strides = array<i32>} : memref<3x128x128xf32, #tpu.memory_space<vmem>>, vector<1x1x16xf32>,
        %get3A_514 = vector.shape_cast %get3A_513 : vector<1x1x16xf32> to vector<16xf32>
        %mul3A_515 = arith.mulf %exp3A_136, %get3A_514 : vector<16xf32>
        %add3A_516 = arith.addf %add3A_506, %mul3A_515 : vector<16xf32>
        %add3A_517 = arith.constant 0 : i32
        %add3A_518 = arith.addi %mul3A_414, %add3A_517 : i32
        %swap3A_519 = arith.constant 1 : i32
        %swap3A_520 = arith.index_cast %swap3A_519 : i32 to index
        %swap3A_521 = arith.index_cast %add3A_518 : i32 to index
        %swap3A_522 = arith.constant 48 : index
        %swap3A_523 = tpu.vector_load %arg10[%swap3A_520, %swap3A_521, %swap3A_522] {strides = array<i32>} : memref<3x128x128xf32, #tpu.memory_space<vmem>>, vector<1x1x16xf32>,
        %swap3A_524 = vector.shape_cast %swap3A_523 : vector<1x1x16xf32> to vector<16xf32>
        %swap3A_525 = vector.shape_cast %add3A_516 : vector<16xf32> to vector<1x1x16xf32>
        tpu.vector_store %arg10[%swap3A_520, %swap3A_521, %swap3A_522], %swap3A_525 {strides = array<i32>} : memref<3x128x128xf32, #tpu.memory_space<vmem>>, vector<1x1x16xf32>,
        %add3A_526 = arith.constant 0 : i32
        %add3A_527 = arith.addi %mul3A_414, %add3A_526 : i32
        %get3A_528 = arith.constant 1 : i32
        %get3A_529 = arith.index_cast %get3A_528 : i32 to index
        %get3A_530 = arith.index_cast %add3A_527 : i32 to index
        %get3A_531 = arith.constant 64 : index
        %get3A_532 = tpu.vector_load %arg10[%get3A_529, %get3A_530, %get3A_531] {strides = array<i32>} : memref<3x128x128xf32, #tpu.memory_space<vmem>>, vector<1x1x16xf32>,
        %get3A_533 = vector.shape_cast %get3A_532 : vector<1x1x16xf32> to vector<16xf32>
        %add3A_534 = arith.addf %get3A_533, %get3A_112 : vector<16xf32>
        %add3A_535 = arith.constant 0 : i32
        %add3A_536 = arith.addi %mul3A_414, %add3A_535 : i32
        %get3A_537 = arith.constant 1 : i32
        %get3A_538 = arith.index_cast %get3A_537 : i32 to index
        %get3A_539 = arith.index_cast %add3A_536 : i32 to index
        %get3A_540 = arith.constant 64 : index
        %get3A_541 = tpu.vector_load %arg11[%get3A_538, %get3A_539, %get3A_540] {strides = array<i32>} : memref<3x128x128xf32, #tpu.memory_space<vmem>>, vector<1x1x16xf32>,
        %get3A_542 = vector.shape_cast %get3A_541 : vector<1x1x16xf32> to vector<16xf32>
        %mul3A_543 = arith.mulf %exp3A_140, %get3A_542 : vector<16xf32>
        %add3A_544 = arith.addf %add3A_534, %mul3A_543 : vector<16xf32>
        %add3A_545 = arith.constant 0 : i32
        %add3A_546 = arith.addi %mul3A_414, %add3A_545 : i32
        %swap3A_547 = arith.constant 1 : i32
        %swap3A_548 = arith.index_cast %swap3A_547 : i32 to index
        %swap3A_549 = arith.index_cast %add3A_546 : i32 to index
        %swap3A_550 = arith.constant 64 : index
        %swap3A_551 = tpu.vector_load %arg10[%swap3A_548, %swap3A_549, %swap3A_550] {strides = array<i32>} : memref<3x128x128xf32, #tpu.memory_space<vmem>>, vector<1x1x16xf32>,
        %swap3A_552 = vector.shape_cast %swap3A_551 : vector<1x1x16xf32> to vector<16xf32>
        %swap3A_553 = vector.shape_cast %add3A_544 : vector<16xf32> to vector<1x1x16xf32>
        tpu.vector_store %arg10[%swap3A_548, %swap3A_549, %swap3A_550], %swap3A_553 {strides = array<i32>} : memref<3x128x128xf32, #tpu.memory_space<vmem>>, vector<1x1x16xf32>,
        %add3A_554 = arith.constant 0 : i32
        %add3A_555 = arith.addi %mul3A_414, %add3A_554 : i32
        %get3A_556 = arith.constant 1 : i32
        %get3A_557 = arith.index_cast %get3A_556 : i32 to index
        %get3A_558 = arith.index_cast %add3A_555 : i32 to index
        %get3A_559 = arith.constant 80 : index
        %get3A_560 = tpu.vector_load %arg10[%get3A_557, %get3A_558, %get3A_559] {strides = array<i32>} : memref<3x128x128xf32, #tpu.memory_space<vmem>>, vector<1x1x16xf32>,
        %get3A_561 = vector.shape_cast %get3A_560 : vector<1x1x16xf32> to vector<16xf32>
        %add3A_562 = arith.addf %get3A_561, %get3A_115 : vector<16xf32>
        %add3A_563 = arith.constant 0 : i32
        %add3A_564 = arith.addi %mul3A_414, %add3A_563 : i32
        %get3A_565 = arith.constant 1 : i32
        %get3A_566 = arith.index_cast %get3A_565 : i32 to index
        %get3A_567 = arith.index_cast %add3A_564 : i32 to index
        %get3A_568 = arith.constant 80 : index
        %get3A_569 = tpu.vector_load %arg11[%get3A_566, %get3A_567, %get3A_568] {strides = array<i32>} : memref<3x128x128xf32, #tpu.memory_space<vmem>>, vector<1x1x16xf32>,
        %get3A_570 = vector.shape_cast %get3A_569 : vector<1x1x16xf32> to vector<16xf32>
        %mul3A_571 = arith.mulf %exp3A_144, %get3A_570 : vector<16xf32>
        %add3A_572 = arith.addf %add3A_562, %mul3A_571 : vector<16xf32>
        %add3A_573 = arith.constant 0 : i32
        %add3A_574 = arith.addi %mul3A_414, %add3A_573 : i32
        %swap3A_575 = arith.constant 1 : i32
        %swap3A_576 = arith.index_cast %swap3A_575 : i32 to index
        %swap3A_577 = arith.index_cast %add3A_574 : i32 to index
        %swap3A_578 = arith.constant 80 : index
        %swap3A_579 = tpu.vector_load %arg10[%swap3A_576, %swap3A_577, %swap3A_578] {strides = array<i32>} : memref<3x128x128xf32, #tpu.memory_space<vmem>>, vector<1x1x16xf32>,
        %swap3A_580 = vector.shape_cast %swap3A_579 : vector<1x1x16xf32> to vector<16xf32>
        %swap3A_581 = vector.shape_cast %add3A_572 : vector<16xf32> to vector<1x1x16xf32>
        tpu.vector_store %arg10[%swap3A_576, %swap3A_577, %swap3A_578], %swap3A_581 {strides = array<i32>} : memref<3x128x128xf32, #tpu.memory_space<vmem>>, vector<1x1x16xf32>,
        %add3A_582 = arith.constant 0 : i32
        %add3A_583 = arith.addi %mul3A_414, %add3A_582 : i32
        %get3A_584 = arith.constant 1 : i32
        %get3A_585 = arith.index_cast %get3A_584 : i32 to index
        %get3A_586 = arith.index_cast %add3A_583 : i32 to index
        %get3A_587 = arith.constant 96 : index
        %get3A_588 = tpu.vector_load %arg10[%get3A_585, %get3A_586, %get3A_587] {strides = array<i32>} : memref<3x128x128xf32, #tpu.memory_space<vmem>>, vector<1x1x16xf32>,
        %get3A_589 = vector.shape_cast %get3A_588 : vector<1x1x16xf32> to vector<16xf32>
        %add3A_590 = arith.addf %get3A_589, %get3A_118 : vector<16xf32>
        %add3A_591 = arith.constant 0 : i32
        %add3A_592 = arith.addi %mul3A_414, %add3A_591 : i32
        %get3A_593 = arith.constant 1 : i32
        %get3A_594 = arith.index_cast %get3A_593 : i32 to index
        %get3A_595 = arith.index_cast %add3A_592 : i32 to index
        %get3A_596 = arith.constant 96 : index
        %get3A_597 = tpu.vector_load %arg11[%get3A_594, %get3A_595, %get3A_596] {strides = array<i32>} : memref<3x128x128xf32, #tpu.memory_space<vmem>>, vector<1x1x16xf32>,
        %get3A_598 = vector.shape_cast %get3A_597 : vector<1x1x16xf32> to vector<16xf32>
        %mul3A_599 = arith.mulf %exp3A_148, %get3A_598 : vector<16xf32>
        %add3A_600 = arith.addf %add3A_590, %mul3A_599 : vector<16xf32>
        %add3A_601 = arith.constant 0 : i32
        %add3A_602 = arith.addi %mul3A_414, %add3A_601 : i32
        %swap3A_603 = arith.constant 1 : i32
        %swap3A_604 = arith.index_cast %swap3A_603 : i32 to index
        %swap3A_605 = arith.index_cast %add3A_602 : i32 to index
        %swap3A_606 = arith.constant 96 : index
        %swap3A_607 = tpu.vector_load %arg10[%swap3A_604, %swap3A_605, %swap3A_606] {strides = array<i32>} : memref<3x128x128xf32, #tpu.memory_space<vmem>>, vector<1x1x16xf32>,
        %swap3A_608 = vector.shape_cast %swap3A_607 : vector<1x1x16xf32> to vector<16xf32>
        %swap3A_609 = vector.shape_cast %add3A_600 : vector<16xf32> to vector<1x1x16xf32>
        tpu.vector_store %arg10[%swap3A_604, %swap3A_605, %swap3A_606], %swap3A_609 {strides = array<i32>} : memref<3x128x128xf32, #tpu.memory_space<vmem>>, vector<1x1x16xf32>,
        %add3A_610 = arith.constant 0 : i32
        %add3A_611 = arith.addi %mul3A_414, %add3A_610 : i32
        %get3A_612 = arith.constant 1 : i32
        %get3A_613 = arith.index_cast %get3A_612 : i32 to index
        %get3A_614 = arith.index_cast %add3A_611 : i32 to index
        %get3A_615 = arith.constant 112 : index
        %get3A_616 = tpu.vector_load %arg10[%get3A_613, %get3A_614, %get3A_615] {strides = array<i32>} : memref<3x128x128xf32, #tpu.memory_space<vmem>>, vector<1x1x16xf32>,
        %get3A_617 = vector.shape_cast %get3A_616 : vector<1x1x16xf32> to vector<16xf32>
        %add3A_618 = arith.addf %get3A_617, %get3A_121 : vector<16xf32>
        %add3A_619 = arith.constant 0 : i32
        %add3A_620 = arith.addi %mul3A_414, %add3A_619 : i32
        %get3A_621 = arith.constant 1 : i32
        %get3A_622 = arith.index_cast %get3A_621 : i32 to index
        %get3A_623 = arith.index_cast %add3A_620 : i32 to index
        %get3A_624 = arith.constant 112 : index
        %get3A_625 = tpu.vector_load %arg11[%get3A_622, %get3A_623, %get3A_624] {strides = array<i32>} : memref<3x128x128xf32, #tpu.memory_space<vmem>>, vector<1x1x16xf32>,
        %get3A_626 = vector.shape_cast %get3A_625 : vector<1x1x16xf32> to vector<16xf32>
        %mul3A_627 = arith.mulf %exp3A_152, %get3A_626 : vector<16xf32>
        %add3A_628 = arith.addf %add3A_618, %mul3A_627 : vector<16xf32>
        %add3A_629 = arith.constant 0 : i32
        %add3A_630 = arith.addi %mul3A_414, %add3A_629 : i32
        %swap3A_631 = arith.constant 1 : i32
        %swap3A_632 = arith.index_cast %swap3A_631 : i32 to index
        %swap3A_633 = arith.index_cast %add3A_630 : i32 to index
        %swap3A_634 = arith.constant 112 : index
        %swap3A_635 = tpu.vector_load %arg10[%swap3A_632, %swap3A_633, %swap3A_634] {strides = array<i32>} : memref<3x128x128xf32, #tpu.memory_space<vmem>>, vector<1x1x16xf32>,
        %swap3A_636 = vector.shape_cast %swap3A_635 : vector<1x1x16xf32> to vector<16xf32>
        %swap3A_637 = vector.shape_cast %add3A_628 : vector<16xf32> to vector<1x1x16xf32>
        tpu.vector_store %arg10[%swap3A_632, %swap3A_633, %swap3A_634], %swap3A_637 {strides = array<i32>} : memref<3x128x128xf32, #tpu.memory_space<vmem>>, vector<1x1x16xf32>,
        %add3A_638 = arith.constant 1 : i32
        %add3A_639 = arith.addi %mul3A_414, %add3A_638 : i32
        %get3A_640 = arith.constant 1 : i32
        %get3A_641 = arith.index_cast %get3A_640 : i32 to index
        %get3A_642 = arith.index_cast %add3A_639 : i32 to index
        %get3A_643 = arith.constant 0 : index
        %get3A_644 = tpu.vector_load %arg10[%get3A_641, %get3A_642, %get3A_643] {strides = array<i32>} : memref<3x128x128xf32, #tpu.memory_space<vmem>>, vector<1x1x16xf32>,
        %get3A_645 = vector.shape_cast %get3A_644 : vector<1x1x16xf32> to vector<16xf32>
        %add3A_646 = arith.addf %get3A_645, %get3A_100 : vector<16xf32>
        %add3A_647 = arith.constant 1 : i32
        %add3A_648 = arith.addi %mul3A_414, %add3A_647 : i32
        %get3A_649 = arith.constant 1 : i32
        %get3A_650 = arith.index_cast %get3A_649 : i32 to index
        %get3A_651 = arith.index_cast %add3A_648 : i32 to index
        %get3A_652 = arith.constant 0 : index
        %get3A_653 = tpu.vector_load %arg11[%get3A_650, %get3A_651, %get3A_652] {strides = array<i32>} : memref<3x128x128xf32, #tpu.memory_space<vmem>>, vector<1x1x16xf32>,
        %get3A_654 = vector.shape_cast %get3A_653 : vector<1x1x16xf32> to vector<16xf32>
        %mul3A_655 = arith.mulf %exp3A, %get3A_654 : vector<16xf32>
        %add3A_656 = arith.addf %add3A_646, %mul3A_655 : vector<16xf32>
        %add3A_657 = arith.constant 1 : i32
        %add3A_658 = arith.addi %mul3A_414, %add3A_657 : i32
        %swap3A_659 = arith.constant 1 : i32
        %swap3A_660 = arith.index_cast %swap3A_659 : i32 to index
        %swap3A_661 = arith.index_cast %add3A_658 : i32 to index
        %swap3A_662 = arith.constant 0 : index
        %swap3A_663 = tpu.vector_load %arg10[%swap3A_660, %swap3A_661, %swap3A_662] {strides = array<i32>} : memref<3x128x128xf32, #tpu.memory_space<vmem>>, vector<1x1x16xf32>,
        %swap3A_664 = vector.shape_cast %swap3A_663 : vector<1x1x16xf32> to vector<16xf32>
        %swap3A_665 = vector.shape_cast %add3A_656 : vector<16xf32> to vector<1x1x16xf32>
        tpu.vector_store %arg10[%swap3A_660, %swap3A_661, %swap3A_662], %swap3A_665 {strides = array<i32>} : memref<3x128x128xf32, #tpu.memory_space<vmem>>, vector<1x1x16xf32>,
        %add3A_666 = arith.constant 1 : i32
        %add3A_667 = arith.addi %mul3A_414, %add3A_666 : i32
        %get3A_668 = arith.constant 1 : i32
        %get3A_669 = arith.index_cast %get3A_668 : i32 to index
        %get3A_670 = arith.index_cast %add3A_667 : i32 to index
        %get3A_671 = arith.constant 16 : index
        %get3A_672 = tpu.vector_load %arg10[%get3A_669, %get3A_670, %get3A_671] {strides = array<i32>} : memref<3x128x128xf32, #tpu.memory_space<vmem>>, vector<1x1x16xf32>,
        %get3A_673 = vector.shape_cast %get3A_672 : vector<1x1x16xf32> to vector<16xf32>
        %add3A_674 = arith.addf %get3A_673, %get3A_103 : vector<16xf32>
        %add3A_675 = arith.constant 1 : i32
        %add3A_676 = arith.addi %mul3A_414, %add3A_675 : i32
        %get3A_677 = arith.constant 1 : i32
        %get3A_678 = arith.index_cast %get3A_677 : i32 to index
        %get3A_679 = arith.index_cast %add3A_676 : i32 to index
        %get3A_680 = arith.constant 16 : index
        %get3A_681 = tpu.vector_load %arg11[%get3A_678, %get3A_679, %get3A_680] {strides = array<i32>} : memref<3x128x128xf32, #tpu.memory_space<vmem>>, vector<1x1x16xf32>,
        %get3A_682 = vector.shape_cast %get3A_681 : vector<1x1x16xf32> to vector<16xf32>
        %mul3A_683 = arith.mulf %exp3A_128, %get3A_682 : vector<16xf32>
        %add3A_684 = arith.addf %add3A_674, %mul3A_683 : vector<16xf32>
        %add3A_685 = arith.constant 1 : i32
        %add3A_686 = arith.addi %mul3A_414, %add3A_685 : i32
        %swap3A_687 = arith.constant 1 : i32
        %swap3A_688 = arith.index_cast %swap3A_687 : i32 to index
        %swap3A_689 = arith.index_cast %add3A_686 : i32 to index
        %swap3A_690 = arith.constant 16 : index
        %swap3A_691 = tpu.vector_load %arg10[%swap3A_688, %swap3A_689, %swap3A_690] {strides = array<i32>} : memref<3x128x128xf32, #tpu.memory_space<vmem>>, vector<1x1x16xf32>,
        %swap3A_692 = vector.shape_cast %swap3A_691 : vector<1x1x16xf32> to vector<16xf32>
        %swap3A_693 = vector.shape_cast %add3A_684 : vector<16xf32> to vector<1x1x16xf32>
        tpu.vector_store %arg10[%swap3A_688, %swap3A_689, %swap3A_690], %swap3A_693 {strides = array<i32>} : memref<3x128x128xf32, #tpu.memory_space<vmem>>, vector<1x1x16xf32>,
        %add3A_694 = arith.constant 1 : i32
        %add3A_695 = arith.addi %mul3A_414, %add3A_694 : i32
        %get3A_696 = arith.constant 1 : i32
        %get3A_697 = arith.index_cast %get3A_696 : i32 to index
        %get3A_698 = arith.index_cast %add3A_695 : i32 to index
        %get3A_699 = arith.constant 32 : index
        %get3A_700 = tpu.vector_load %arg10[%get3A_697, %get3A_698, %get3A_699] {strides = array<i32>} : memref<3x128x128xf32, #tpu.memory_space<vmem>>, vector<1x1x16xf32>,
        %get3A_701 = vector.shape_cast %get3A_700 : vector<1x1x16xf32> to vector<16xf32>
        %add3A_702 = arith.addf %get3A_701, %get3A_106 : vector<16xf32>
        %add3A_703 = arith.constant 1 : i32
        %add3A_704 = arith.addi %mul3A_414, %add3A_703 : i32
        %get3A_705 = arith.constant 1 : i32
        %get3A_706 = arith.index_cast %get3A_705 : i32 to index
        %get3A_707 = arith.index_cast %add3A_704 : i32 to index
        %get3A_708 = arith.constant 32 : index
        %get3A_709 = tpu.vector_load %arg11[%get3A_706, %get3A_707, %get3A_708] {strides = array<i32>} : memref<3x128x128xf32, #tpu.memory_space<vmem>>, vector<1x1x16xf32>,
        %get3A_710 = vector.shape_cast %get3A_709 : vector<1x1x16xf32> to vector<16xf32>
        %mul3A_711 = arith.mulf %exp3A_132, %get3A_710 : vector<16xf32>
        %add3A_712 = arith.addf %add3A_702, %mul3A_711 : vector<16xf32>
        %add3A_713 = arith.constant 1 : i32
        %add3A_714 = arith.addi %mul3A_414, %add3A_713 : i32
        %swap3A_715 = arith.constant 1 : i32
        %swap3A_716 = arith.index_cast %swap3A_715 : i32 to index
        %swap3A_717 = arith.index_cast %add3A_714 : i32 to index
        %swap3A_718 = arith.constant 32 : index
        %swap3A_719 = tpu.vector_load %arg10[%swap3A_716, %swap3A_717, %swap3A_718] {strides = array<i32>} : memref<3x128x128xf32, #tpu.memory_space<vmem>>, vector<1x1x16xf32>,
        %swap3A_720 = vector.shape_cast %swap3A_719 : vector<1x1x16xf32> to vector<16xf32>
        %swap3A_721 = vector.shape_cast %add3A_712 : vector<16xf32> to vector<1x1x16xf32>
        tpu.vector_store %arg10[%swap3A_716, %swap3A_717, %swap3A_718], %swap3A_721 {strides = array<i32>} : memref<3x128x128xf32, #tpu.memory_space<vmem>>, vector<1x1x16xf32>,
        %add3A_722 = arith.constant 1 : i32
        %add3A_723 = arith.addi %mul3A_414, %add3A_722 : i32
        %get3A_724 = arith.constant 1 : i32
        %get3A_725 = arith.index_cast %get3A_724 : i32 to index
        %get3A_726 = arith.index_cast %add3A_723 : i32 to index
        %get3A_727 = arith.constant 48 : index
        %get3A_728 = tpu.vector_load %arg10[%get3A_725, %get3A_726, %get3A_727] {strides = array<i32>} : memref<3x128x128xf32, #tpu.memory_space<vmem>>, vector<1x1x16xf32>,
        %get3A_729 = vector.shape_cast %get3A_728 : vector<1x1x16xf32> to vector<16xf32>
        %add3A_730 = arith.addf %get3A_729, %get3A_109 : vector<16xf32>
        %add3A_731 = arith.constant 1 : i32
        %add3A_732 = arith.addi %mul3A_414, %add3A_731 : i32
        %get3A_733 = arith.constant 1 : i32
        %get3A_734 = arith.index_cast %get3A_733 : i32 to index
        %get3A_735 = arith.index_cast %add3A_732 : i32 to index
        %get3A_736 = arith.constant 48 : index
        %get3A_737 = tpu.vector_load %arg11[%get3A_734, %get3A_735, %get3A_736] {strides = array<i32>} : memref<3x128x128xf32, #tpu.memory_space<vmem>>, vector<1x1x16xf32>,
        %get3A_738 = vector.shape_cast %get3A_737 : vector<1x1x16xf32> to vector<16xf32>
        %mul3A_739 = arith.mulf %exp3A_136, %get3A_738 : vector<16xf32>
        %add3A_740 = arith.addf %add3A_730, %mul3A_739 : vector<16xf32>
        %add3A_741 = arith.constant 1 : i32
        %add3A_742 = arith.addi %mul3A_414, %add3A_741 : i32
        %swap3A_743 = arith.constant 1 : i32
        %swap3A_744 = arith.index_cast %swap3A_743 : i32 to index
        %swap3A_745 = arith.index_cast %add3A_742 : i32 to index
        %swap3A_746 = arith.constant 48 : index
        %swap3A_747 = tpu.vector_load %arg10[%swap3A_744, %swap3A_745, %swap3A_746] {strides = array<i32>} : memref<3x128x128xf32, #tpu.memory_space<vmem>>, vector<1x1x16xf32>,
        %swap3A_748 = vector.shape_cast %swap3A_747 : vector<1x1x16xf32> to vector<16xf32>
        %swap3A_749 = vector.shape_cast %add3A_740 : vector<16xf32> to vector<1x1x16xf32>
        tpu.vector_store %arg10[%swap3A_744, %swap3A_745, %swap3A_746], %swap3A_749 {strides = array<i32>} : memref<3x128x128xf32, #tpu.memory_space<vmem>>, vector<1x1x16xf32>,
        %add3A_750 = arith.constant 1 : i32
        %add3A_751 = arith.addi %mul3A_414, %add3A_750 : i32
        %get3A_752 = arith.constant 1 : i32
        %get3A_753 = arith.index_cast %get3A_752 : i32 to index
        %get3A_754 = arith.index_cast %add3A_751 : i32 to index
        %get3A_755 = arith.constant 64 : index
        %get3A_756 = tpu.vector_load %arg10[%get3A_753, %get3A_754, %get3A_755] {strides = array<i32>} : memref<3x128x128xf32, #tpu.memory_space<vmem>>, vector<1x1x16xf32>,
        %get3A_757 = vector.shape_cast %get3A_756 : vector<1x1x16xf32> to vector<16xf32>
        %add3A_758 = arith.addf %get3A_757, %get3A_112 : vector<16xf32>
        %add3A_759 = arith.constant 1 : i32
        %add3A_760 = arith.addi %mul3A_414, %add3A_759 : i32
        %get3A_761 = arith.constant 1 : i32
        %get3A_762 = arith.index_cast %get3A_761 : i32 to index
        %get3A_763 = arith.index_cast %add3A_760 : i32 to index
        %get3A_764 = arith.constant 64 : index
        %get3A_765 = tpu.vector_load %arg11[%get3A_762, %get3A_763, %get3A_764] {strides = array<i32>} : memref<3x128x128xf32, #tpu.memory_space<vmem>>, vector<1x1x16xf32>,
        %get3A_766 = vector.shape_cast %get3A_765 : vector<1x1x16xf32> to vector<16xf32>
        %mul3A_767 = arith.mulf %exp3A_140, %get3A_766 : vector<16xf32>
        %add3A_768 = arith.addf %add3A_758, %mul3A_767 : vector<16xf32>
        %add3A_769 = arith.constant 1 : i32
        %add3A_770 = arith.addi %mul3A_414, %add3A_769 : i32
        %swap3A_771 = arith.constant 1 : i32
        %swap3A_772 = arith.index_cast %swap3A_771 : i32 to index
        %swap3A_773 = arith.index_cast %add3A_770 : i32 to index
        %swap3A_774 = arith.constant 64 : index
        %swap3A_775 = tpu.vector_load %arg10[%swap3A_772, %swap3A_773, %swap3A_774] {strides = array<i32>} : memref<3x128x128xf32, #tpu.memory_space<vmem>>, vector<1x1x16xf32>,
        %swap3A_776 = vector.shape_cast %swap3A_775 : vector<1x1x16xf32> to vector<16xf32>
        %swap3A_777 = vector.shape_cast %add3A_768 : vector<16xf32> to vector<1x1x16xf32>
        tpu.vector_store %arg10[%swap3A_772, %swap3A_773, %swap3A_774], %swap3A_777 {strides = array<i32>} : memref<3x128x128xf32, #tpu.memory_space<vmem>>, vector<1x1x16xf32>,
        %add3A_778 = arith.constant 1 : i32
        %add3A_779 = arith.addi %mul3A_414, %add3A_778 : i32
        %get3A_780 = arith.constant 1 : i32
        %get3A_781 = arith.index_cast %get3A_780 : i32 to index
        %get3A_782 = arith.index_cast %add3A_779 : i32 to index
        %get3A_783 = arith.constant 80 : index
        %get3A_784 = tpu.vector_load %arg10[%get3A_781, %get3A_782, %get3A_783] {strides = array<i32>} : memref<3x128x128xf32, #tpu.memory_space<vmem>>, vector<1x1x16xf32>,
        %get3A_785 = vector.shape_cast %get3A_784 : vector<1x1x16xf32> to vector<16xf32>
        %add3A_786 = arith.addf %get3A_785, %get3A_115 : vector<16xf32>
        %add3A_787 = arith.constant 1 : i32
        %add3A_788 = arith.addi %mul3A_414, %add3A_787 : i32
        %get3A_789 = arith.constant 1 : i32
        %get3A_790 = arith.index_cast %get3A_789 : i32 to index
        %get3A_791 = arith.index_cast %add3A_788 : i32 to index
        %get3A_792 = arith.constant 80 : index
        %get3A_793 = tpu.vector_load %arg11[%get3A_790, %get3A_791, %get3A_792] {strides = array<i32>} : memref<3x128x128xf32, #tpu.memory_space<vmem>>, vector<1x1x16xf32>,
        %get3A_794 = vector.shape_cast %get3A_793 : vector<1x1x16xf32> to vector<16xf32>
        %mul3A_795 = arith.mulf %exp3A_144, %get3A_794 : vector<16xf32>
        %add3A_796 = arith.addf %add3A_786, %mul3A_795 : vector<16xf32>
        %add3A_797 = arith.constant 1 : i32
        %add3A_798 = arith.addi %mul3A_414, %add3A_797 : i32
        %swap3A_799 = arith.constant 1 : i32
        %swap3A_800 = arith.index_cast %swap3A_799 : i32 to index
        %swap3A_801 = arith.index_cast %add3A_798 : i32 to index
        %swap3A_802 = arith.constant 80 : index
        %swap3A_803 = tpu.vector_load %arg10[%swap3A_800, %swap3A_801, %swap3A_802] {strides = array<i32>} : memref<3x128x128xf32, #tpu.memory_space<vmem>>, vector<1x1x16xf32>,
        %swap3A_804 = vector.shape_cast %swap3A_803 : vector<1x1x16xf32> to vector<16xf32>
        %swap3A_805 = vector.shape_cast %add3A_796 : vector<16xf32> to vector<1x1x16xf32>
        tpu.vector_store %arg10[%swap3A_800, %swap3A_801, %swap3A_802], %swap3A_805 {strides = array<i32>} : memref<3x128x128xf32, #tpu.memory_space<vmem>>, vector<1x1x16xf32>,
        %add3A_806 = arith.constant 1 : i32
        %add3A_807 = arith.addi %mul3A_414, %add3A_806 : i32
        %get3A_808 = arith.constant 1 : i32
        %get3A_809 = arith.index_cast %get3A_808 : i32 to index
        %get3A_810 = arith.index_cast %add3A_807 : i32 to index
        %get3A_811 = arith.constant 96 : index
        %get3A_812 = tpu.vector_load %arg10[%get3A_809, %get3A_810, %get3A_811] {strides = array<i32>} : memref<3x128x128xf32, #tpu.memory_space<vmem>>, vector<1x1x16xf32>,
        %get3A_813 = vector.shape_cast %get3A_812 : vector<1x1x16xf32> to vector<16xf32>
        %add3A_814 = arith.addf %get3A_813, %get3A_118 : vector<16xf32>
        %add3A_815 = arith.constant 1 : i32
        %add3A_816 = arith.addi %mul3A_414, %add3A_815 : i32
        %get3A_817 = arith.constant 1 : i32
        %get3A_818 = arith.index_cast %get3A_817 : i32 to index
        %get3A_819 = arith.index_cast %add3A_816 : i32 to index
        %get3A_820 = arith.constant 96 : index
        %get3A_821 = tpu.vector_load %arg11[%get3A_818, %get3A_819, %get3A_820] {strides = array<i32>} : memref<3x128x128xf32, #tpu.memory_space<vmem>>, vector<1x1x16xf32>,
        %get3A_822 = vector.shape_cast %get3A_821 : vector<1x1x16xf32> to vector<16xf32>
        %mul3A_823 = arith.mulf %exp3A_148, %get3A_822 : vector<16xf32>
        %add3A_824 = arith.addf %add3A_814, %mul3A_823 : vector<16xf32>
        %add3A_825 = arith.constant 1 : i32
        %add3A_826 = arith.addi %mul3A_414, %add3A_825 : i32
        %swap3A_827 = arith.constant 1 : i32
        %swap3A_828 = arith.index_cast %swap3A_827 : i32 to index
        %swap3A_829 = arith.index_cast %add3A_826 : i32 to index
        %swap3A_830 = arith.constant 96 : index
        %swap3A_831 = tpu.vector_load %arg10[%swap3A_828, %swap3A_829, %swap3A_830] {strides = array<i32>} : memref<3x128x128xf32, #tpu.memory_space<vmem>>, vector<1x1x16xf32>,
        %swap3A_832 = vector.shape_cast %swap3A_831 : vector<1x1x16xf32> to vector<16xf32>
        %swap3A_833 = vector.shape_cast %add3A_824 : vector<16xf32> to vector<1x1x16xf32>
        tpu.vector_store %arg10[%swap3A_828, %swap3A_829, %swap3A_830], %swap3A_833 {strides = array<i32>} : memref<3x128x128xf32, #tpu.memory_space<vmem>>, vector<1x1x16xf32>,
        %add3A_834 = arith.constant 1 : i32
        %add3A_835 = arith.addi %mul3A_414, %add3A_834 : i32
        %get3A_836 = arith.constant 1 : i32
        %get3A_837 = arith.index_cast %get3A_836 : i32 to index
        %get3A_838 = arith.index_cast %add3A_835 : i32 to index
        %get3A_839 = arith.constant 112 : index
        %get3A_840 = tpu.vector_load %arg10[%get3A_837, %get3A_838, %get3A_839] {strides = array<i32>} : memref<3x128x128xf32, #tpu.memory_space<vmem>>, vector<1x1x16xf32>,
        %get3A_841 = vector.shape_cast %get3A_840 : vector<1x1x16xf32> to vector<16xf32>
        %add3A_842 = arith.addf %get3A_841, %get3A_121 : vector<16xf32>
        %add3A_843 = arith.constant 1 : i32
        %add3A_844 = arith.addi %mul3A_414, %add3A_843 : i32
        %get3A_845 = arith.constant 1 : i32
        %get3A_846 = arith.index_cast %get3A_845 : i32 to index
        %get3A_847 = arith.index_cast %add3A_844 : i32 to index
        %get3A_848 = arith.constant 112 : index
        %get3A_849 = tpu.vector_load %arg11[%get3A_846, %get3A_847, %get3A_848] {strides = array<i32>} : memref<3x128x128xf32, #tpu.memory_space<vmem>>, vector<1x1x16xf32>,
        %get3A_850 = vector.shape_cast %get3A_849 : vector<1x1x16xf32> to vector<16xf32>
        %mul3A_851 = arith.mulf %exp3A_152, %get3A_850 : vector<16xf32>
        %add3A_852 = arith.addf %add3A_842, %mul3A_851 : vector<16xf32>
        %add3A_853 = arith.constant 1 : i32
        %add3A_854 = arith.addi %mul3A_414, %add3A_853 : i32
        %swap3A_855 = arith.constant 1 : i32
        %swap3A_856 = arith.index_cast %swap3A_855 : i32 to index
        %swap3A_857 = arith.index_cast %add3A_854 : i32 to index
        %swap3A_858 = arith.constant 112 : index
        %swap3A_859 = tpu.vector_load %arg10[%swap3A_856, %swap3A_857, %swap3A_858] {strides = array<i32>} : memref<3x128x128xf32, #tpu.memory_space<vmem>>, vector<1x1x16xf32>,
        %swap3A_860 = vector.shape_cast %swap3A_859 : vector<1x1x16xf32> to vector<16xf32>
        %swap3A_861 = vector.shape_cast %add3A_852 : vector<16xf32> to vector<1x1x16xf32>
        tpu.vector_store %arg10[%swap3A_856, %swap3A_857, %swap3A_858], %swap3A_861 {strides = array<i32>} : memref<3x128x128xf32, #tpu.memory_space<vmem>>, vector<1x1x16xf32>,
      }
      %scan3A_338 = arith.constant 64 : i32
      %mul3A_339 = arith.constant 16 : i32
      %mul3A_340 = arith.muli %mul3A_339, %add3A_303 : i32
      %add3A_341 = arith.addi %add3A_5, %mul3A_340 : i32
      %mul3A_342 = arith.constant 8 : i32
      %mul3A_343 = arith.muli %mul3A_342, %add3A_341 : i32
      %dma_start3A_344 = arith.constant 1 : i32
      %dma_start3A_345 = arith.constant 0 : i32
      %dma_start3A_346 = arith.constant 0 : i32
      %dma_start3A_347 = tpu.memref_slice %arg10[%dma_start3A_344, %dma_start3A_345, %dma_start3A_346] : memref<3x128x128xf32, #tpu.memory_space<vmem>> -> memref<1x128x128xf32, #tpu.memory_space<vmem>>
      %dma_start3A_348 = tpu.memref_squeeze %dma_start3A_347 : memref<1x128x128xf32, #tpu.memory_space<vmem>> -> memref<128x128xf32, #tpu.memory_space<vmem>>
      %dma_start3A_349 = arith.constant 0 : i32
      %dma_start3A_350 = tpu.memref_slice %arg7[%mul3A_343, %dma_start3A_349] : memref<100000x128xf32, #tpu.memory_space<hbm>> -> memref<128x128xf32, #tpu.memory_space<hbm>>
      %dma_start3A_351 = arith.constant 0 : i32
      %dma_start3A_352 = tpu.memref_slice %arg7[%mul3A_343, %dma_start3A_351] : memref<100000x128xf32, #tpu.memory_space<hbm>> -> memref<128x128xf32, #tpu.memory_space<hbm>>
      %dma_start3A_353 = arith.constant 0 : i32
      %dma_start3A_354 = arith.constant 0 : i32
      %dma_start3A_355 = tpu.memref_slice %arg10[%dma_start3A_344, %dma_start3A_353, %dma_start3A_354] : memref<3x128x128xf32, #tpu.memory_space<vmem>> -> memref<1x128x128xf32, #tpu.memory_space<vmem>>
      %dma_start3A_356 = tpu.memref_squeeze %dma_start3A_355 : memref<1x128x128xf32, #tpu.memory_space<vmem>> -> memref<128x128xf32, #tpu.memory_space<vmem>>
      tpu.enqueue_dma source(%dma_start3A_356 : memref<128x128xf32, #tpu.memory_space<vmem>>) target(%dma_start3A_352 : memref<128x128xf32, #tpu.memory_space<hbm>>) target_semaphore(%arg23 : memref<!tpu.dma_semaphore, #tpu.memory_space<semaphore_mem>>)
      %add3A_357 = arith.constant 2 : i32
      %add3A_358 = arith.addi %mul3A_216, %add3A_357 : i32
      %dma_wait3A_359 = arith.constant 2 : i32
      %dma_wait3A_360 = arith.constant 0 : i32
      %dma_wait3A_361 = arith.constant 0 : i32
      %dma_wait3A_362 = tpu.memref_slice %arg10[%dma_wait3A_359, %dma_wait3A_360, %dma_wait3A_361] : memref<3x128x128xf32, #tpu.memory_space<vmem>> -> memref<1x128x128xf32, #tpu.memory_space<vmem>>
      %dma_wait3A_363 = tpu.memref_squeeze %dma_wait3A_362 : memref<1x128x128xf32, #tpu.memory_space<vmem>> -> memref<128x128xf32, #tpu.memory_space<vmem>>
      %dma_wait3A_364 = arith.constant 0 : i32
      %dma_wait3A_365 = tpu.memref_slice %arg8[%dma_wait3A_364] : memref<3128xi32, #tpu.memory_space<vmem>> -> memref<128xi32, #tpu.memory_space<vmem>>
      %dma_wait3A_366 = arith.constant 0 : i32
      %dma_wait3A_367 = arith.constant 0 : i32
      %dma_wait3A_368 = tpu.memref_slice %arg4[%dma_wait3A_366, %dma_wait3A_367] : memref<100000x128xf32, #tpu.memory_space<hbm>> -> memref<100000x128xf32, #tpu.memory_space<hbm>>
      tpu.wait_indirect_dma semaphore(%arg18 : memref<!tpu.dma_semaphore, #tpu.memory_space<semaphore_mem>>) src(%dma_wait3A_368 : memref<100000x128xf32, #tpu.memory_space<hbm>>) dst(%dma_wait3A_363 : memref<128x128xf32, #tpu.memory_space<vmem>>)
      %dma_wait3A_369 = arith.constant 2 : i32
      %dma_wait3A_370 = arith.constant 0 : i32
      %dma_wait3A_371 = arith.constant 0 : i32
      %dma_wait3A_372 = tpu.memref_slice %arg11[%dma_wait3A_369, %dma_wait3A_370, %dma_wait3A_371] : memref<3x128x128xf32, #tpu.memory_space<vmem>> -> memref<1x128x128xf32, #tpu.memory_space<vmem>>
      %dma_wait3A_373 = tpu.memref_squeeze %dma_wait3A_372 : memref<1x128x128xf32, #tpu.memory_space<vmem>> -> memref<128x128xf32, #tpu.memory_space<vmem>>
      %dma_wait3A_374 = arith.constant 0 : i32
      %dma_wait3A_375 = arith.constant 0 : i32
      %dma_wait3A_376 = tpu.memref_slice %arg3[%dma_wait3A_374, %dma_wait3A_375] : memref<100000x128xf32, #tpu.memory_space<hbm>> -> memref<128x128xf32, #tpu.memory_space<hbm>>
      %dma_wait3A_377 = arith.constant 0 : i32
      %dma_wait3A_378 = arith.constant 0 : i32
      %dma_wait3A_379 = tpu.memref_slice %arg11[%dma_wait3A_369, %dma_wait3A_377, %dma_wait3A_378] : memref<3x128x128xf32, #tpu.memory_space<vmem>> -> memref<1x128x128xf32, #tpu.memory_space<vmem>>
      %dma_wait3A_380 = tpu.memref_squeeze %dma_wait3A_379 : memref<1x128x128xf32, #tpu.memory_space<vmem>> -> memref<128x128xf32, #tpu.memory_space<vmem>>
      %dma_wait3A_381 = arith.constant 0 : i32
      %dma_wait3A_382 = arith.constant 0 : i32
      %dma_wait3A_383 = tpu.memref_slice %arg3[%dma_wait3A_381, %dma_wait3A_382] : memref<100000x128xf32, #tpu.memory_space<hbm>> -> memref<128x128xf32, #tpu.memory_space<hbm>>
      tpu.wait_dma2 semaphore(%arg21 : memref<!tpu.dma_semaphore, #tpu.memory_space<semaphore_mem>>) src(%dma_wait3A_383 : memref<128x128xf32, #tpu.memory_space<hbm>>) dst(%dma_wait3A_380 : memref<128x128xf32, #tpu.memory_space<vmem>>)
      %lt3A_384 = arith.constant 7 : i32
      %lt3A_385 = arith.cmpi slt, %add3A_214, %lt3A_384 : i32
      %convert_element_type3A_386 = arith.extui %lt3A_385 : i1 to i32
      %cond3A_387 = arith.constant 0 : i32
      %cond3A_388 = arith.cmpi ne, %convert_element_type3A_386, %cond3A_387 : i32
      scf.if %cond3A_388 {
        %dma_wait3A_412 = arith.constant 1 : i32
        %dma_wait3A_413 = arith.constant 0 : i32
        %dma_wait3A_414 = arith.constant 0 : i32
        %dma_wait3A_415 = tpu.memref_slice %arg10[%dma_wait3A_412, %dma_wait3A_413, %dma_wait3A_414] : memref<3x128x128xf32, #tpu.memory_space<vmem>> -> memref<1x128x128xf32, #tpu.memory_space<vmem>>
        %dma_wait3A_416 = tpu.memref_squeeze %dma_wait3A_415 : memref<1x128x128xf32, #tpu.memory_space<vmem>> -> memref<128x128xf32, #tpu.memory_space<vmem>>
        %dma_wait3A_417 = arith.constant 0 : i32
        %dma_wait3A_418 = arith.constant 0 : i32
        %dma_wait3A_419 = tpu.memref_slice %arg7[%dma_wait3A_417, %dma_wait3A_418] : memref<100000x128xf32, #tpu.memory_space<hbm>> -> memref<128x128xf32, #tpu.memory_space<hbm>>
        %dma_wait3A_420 = arith.constant 0 : i32
        %dma_wait3A_421 = arith.constant 0 : i32
        %dma_wait3A_422 = tpu.memref_slice %arg7[%dma_wait3A_420, %dma_wait3A_421] : memref<100000x128xf32, #tpu.memory_space<hbm>> -> memref<128x128xf32, #tpu.memory_space<hbm>>
        %dma_wait3A_423 = arith.constant 0 : i32
        %dma_wait3A_424 = arith.constant 0 : i32
        %dma_wait3A_425 = tpu.memref_slice %arg10[%dma_wait3A_412, %dma_wait3A_423, %dma_wait3A_424] : memref<3x128x128xf32, #tpu.memory_space<vmem>> -> memref<1x128x128xf32, #tpu.memory_space<vmem>>
        %dma_wait3A_426 = tpu.memref_squeeze %dma_wait3A_425 : memref<1x128x128xf32, #tpu.memory_space<vmem>> -> memref<128x128xf32, #tpu.memory_space<vmem>>
        tpu.wait_dma2 semaphore(%arg23 : memref<!tpu.dma_semaphore, #tpu.memory_space<semaphore_mem>>) src(%dma_wait3A_426 : memref<128x128xf32, #tpu.memory_space<vmem>>) dst(%dma_wait3A_422 : memref<128x128xf32, #tpu.memory_space<hbm>>)
        %add3A_427 = arith.constant 2 : i32
        %add3A_428 = arith.addi %add3A_358, %add3A_427 : i32
        %mul3A_429 = arith.constant 128 : i32
        %mul3A_430 = arith.muli %add3A_428, %mul3A_429 : i32
        %dma_start3A_431 = arith.constant 1 : i32
        %dma_start3A_432 = arith.constant 0 : i32
        %dma_start3A_433 = arith.constant 0 : i32
        %dma_start3A_434 = tpu.memref_slice %arg10[%dma_start3A_431, %dma_start3A_432, %dma_start3A_433] : memref<3x128x128xf32, #tpu.memory_space<vmem>> -> memref<1x128x128xf32, #tpu.memory_space<vmem>>
        %dma_start3A_435 = tpu.memref_squeeze %dma_start3A_434 : memref<1x128x128xf32, #tpu.memory_space<vmem>> -> memref<128x128xf32, #tpu.memory_space<vmem>>
        %dma_start3A_436 = tpu.memref_slice %arg8[%mul3A_430] : memref<3128xi32, #tpu.memory_space<vmem>> -> memref<128xi32, #tpu.memory_space<vmem>>
        %dma_start3A_437 = arith.constant 0 : i32
        %dma_start3A_438 = arith.constant 0 : i32
        %dma_start3A_439 = tpu.memref_slice %arg4[%dma_start3A_437, %dma_start3A_438] : memref<100000x128xf32, #tpu.memory_space<hbm>> -> memref<100000x128xf32, #tpu.memory_space<hbm>>
        tpu.enqueue_indirect_dma source(%dma_start3A_439 : memref<100000x128xf32, #tpu.memory_space<hbm>>) target(%dma_start3A_435 : memref<128x128xf32, #tpu.memory_space<vmem>>) offsets(%dma_start3A_436 : memref<128xi32, #tpu.memory_space<vmem>>) semaphore(%arg17 : memref<!tpu.dma_semaphore, #tpu.memory_space<semaphore_mem>>)
        %mul3A_440 = arith.constant 16 : i32
        %mul3A_441 = arith.muli %mul3A_440, %add3A_428 : i32
        %add3A_442 = arith.addi %add3A_5, %mul3A_441 : i32
        %mul3A_443 = arith.constant 8 : i32
        %mul3A_444 = arith.muli %mul3A_443, %add3A_442 : i32
        %dma_start3A_445 = arith.constant 1 : i32
        %dma_start3A_446 = arith.constant 0 : i32
        %dma_start3A_447 = arith.constant 0 : i32
        %dma_start3A_448 = tpu.memref_slice %arg11[%dma_start3A_445, %dma_start3A_446, %dma_start3A_447] : memref<3x128x128xf32, #tpu.memory_space<vmem>> -> memref<1x128x128xf32, #tpu.memory_space<vmem>>
        %dma_start3A_449 = tpu.memref_squeeze %dma_start3A_448 : memref<1x128x128xf32, #tpu.memory_space<vmem>> -> memref<128x128xf32, #tpu.memory_space<vmem>>
        %dma_start3A_450 = arith.constant 0 : i32
        %dma_start3A_451 = tpu.memref_slice %arg3[%mul3A_444, %dma_start3A_450] : memref<100000x128xf32, #tpu.memory_space<hbm>> -> memref<128x128xf32, #tpu.memory_space<hbm>>
        %dma_start3A_452 = arith.constant 0 : i32
        %dma_start3A_453 = arith.constant 0 : i32
        %dma_start3A_454 = tpu.memref_slice %arg11[%dma_start3A_445, %dma_start3A_452, %dma_start3A_453] : memref<3x128x128xf32, #tpu.memory_space<vmem>> -> memref<1x128x128xf32, #tpu.memory_space<vmem>>
        %dma_start3A_455 = tpu.memref_squeeze %dma_start3A_454 : memref<1x128x128xf32, #tpu.memory_space<vmem>> -> memref<128x128xf32, #tpu.memory_space<vmem>>
        %dma_start3A_456 = arith.constant 0 : i32
        %dma_start3A_457 = tpu.memref_slice %arg3[%mul3A_444, %dma_start3A_456] : memref<100000x128xf32, #tpu.memory_space<hbm>> -> memref<128x128xf32, #tpu.memory_space<hbm>>
        tpu.enqueue_dma source(%dma_start3A_457 : memref<128x128xf32, #tpu.memory_space<hbm>>) target(%dma_start3A_455 : memref<128x128xf32, #tpu.memory_space<vmem>>) target_semaphore(%arg20 : memref<!tpu.dma_semaphore, #tpu.memory_space<semaphore_mem>>)
      } else {
      }
      %scan3A_389 = arith.constant 0 : i32
      %scan3A_390 = arith.constant 64 : i32
      %scan3A_391 = arith.addi %scan3A_389, %scan3A_390 : i32
      %scan3A_392 = arith.constant 1 : i32
      scf.for %scan3A_412 = %scan3A_389 to %scan3A_391 step %scan3A_392  : i32 {
        %mul3A_413 = arith.constant 2 : i32
        %mul3A_414 = arith.muli %mul3A_413, %scan3A_412 : i32
        %add3A_415 = arith.constant 0 : i32
        %add3A_416 = arith.addi %mul3A_414, %add3A_415 : i32
        %get3A_417 = arith.constant 2 : i32
        %get3A_418 = arith.index_cast %get3A_417 : i32 to index
        %get3A_419 = arith.index_cast %add3A_416 : i32 to index
        %get3A_420 = arith.constant 0 : index
        %get3A_421 = tpu.vector_load %arg10[%get3A_418, %get3A_419, %get3A_420] {strides = array<i32>} : memref<3x128x128xf32, #tpu.memory_space<vmem>>, vector<1x1x16xf32>,
        %get3A_422 = vector.shape_cast %get3A_421 : vector<1x1x16xf32> to vector<16xf32>
        %add3A_423 = arith.addf %get3A_422, %get3A_100 : vector<16xf32>
        %add3A_424 = arith.constant 0 : i32
        %add3A_425 = arith.addi %mul3A_414, %add3A_424 : i32
        %get3A_426 = arith.constant 2 : i32
        %get3A_427 = arith.index_cast %get3A_426 : i32 to index
        %get3A_428 = arith.index_cast %add3A_425 : i32 to index
        %get3A_429 = arith.constant 0 : index
        %get3A_430 = tpu.vector_load %arg11[%get3A_427, %get3A_428, %get3A_429] {strides = array<i32>} : memref<3x128x128xf32, #tpu.memory_space<vmem>>, vector<1x1x16xf32>,
        %get3A_431 = vector.shape_cast %get3A_430 : vector<1x1x16xf32> to vector<16xf32>
        %mul3A_432 = arith.mulf %exp3A, %get3A_431 : vector<16xf32>
        %add3A_433 = arith.addf %add3A_423, %mul3A_432 : vector<16xf32>
        %add3A_434 = arith.constant 0 : i32
        %add3A_435 = arith.addi %mul3A_414, %add3A_434 : i32
        %swap3A = arith.constant 2 : i32
        %swap3A_436 = arith.index_cast %swap3A : i32 to index
        %swap3A_437 = arith.index_cast %add3A_435 : i32 to index
        %swap3A_438 = arith.constant 0 : index
        %swap3A_439 = tpu.vector_load %arg10[%swap3A_436, %swap3A_437, %swap3A_438] {strides = array<i32>} : memref<3x128x128xf32, #tpu.memory_space<vmem>>, vector<1x1x16xf32>,
        %swap3A_440 = vector.shape_cast %swap3A_439 : vector<1x1x16xf32> to vector<16xf32>
        %swap3A_441 = vector.shape_cast %add3A_433 : vector<16xf32> to vector<1x1x16xf32>
        tpu.vector_store %arg10[%swap3A_436, %swap3A_437, %swap3A_438], %swap3A_441 {strides = array<i32>} : memref<3x128x128xf32, #tpu.memory_space<vmem>>, vector<1x1x16xf32>,
        %add3A_442 = arith.constant 0 : i32
        %add3A_443 = arith.addi %mul3A_414, %add3A_442 : i32
        %get3A_444 = arith.constant 2 : i32
        %get3A_445 = arith.index_cast %get3A_444 : i32 to index
        %get3A_446 = arith.index_cast %add3A_443 : i32 to index
        %get3A_447 = arith.constant 16 : index
        %get3A_448 = tpu.vector_load %arg10[%get3A_445, %get3A_446, %get3A_447] {strides = array<i32>} : memref<3x128x128xf32, #tpu.memory_space<vmem>>, vector<1x1x16xf32>,
        %get3A_449 = vector.shape_cast %get3A_448 : vector<1x1x16xf32> to vector<16xf32>
        %add3A_450 = arith.addf %get3A_449, %get3A_103 : vector<16xf32>
        %add3A_451 = arith.constant 0 : i32
        %add3A_452 = arith.addi %mul3A_414, %add3A_451 : i32
        %get3A_453 = arith.constant 2 : i32
        %get3A_454 = arith.index_cast %get3A_453 : i32 to index
        %get3A_455 = arith.index_cast %add3A_452 : i32 to index
        %get3A_456 = arith.constant 16 : index
        %get3A_457 = tpu.vector_load %arg11[%get3A_454, %get3A_455, %get3A_456] {strides = array<i32>} : memref<3x128x128xf32, #tpu.memory_space<vmem>>, vector<1x1x16xf32>,
        %get3A_458 = vector.shape_cast %get3A_457 : vector<1x1x16xf32> to vector<16xf32>
        %mul3A_459 = arith.mulf %exp3A_128, %get3A_458 : vector<16xf32>
        %add3A_460 = arith.addf %add3A_450, %mul3A_459 : vector<16xf32>
        %add3A_461 = arith.constant 0 : i32
        %add3A_462 = arith.addi %mul3A_414, %add3A_461 : i32
        %swap3A_463 = arith.constant 2 : i32
        %swap3A_464 = arith.index_cast %swap3A_463 : i32 to index
        %swap3A_465 = arith.index_cast %add3A_462 : i32 to index
        %swap3A_466 = arith.constant 16 : index
        %swap3A_467 = tpu.vector_load %arg10[%swap3A_464, %swap3A_465, %swap3A_466] {strides = array<i32>} : memref<3x128x128xf32, #tpu.memory_space<vmem>>, vector<1x1x16xf32>,
        %swap3A_468 = vector.shape_cast %swap3A_467 : vector<1x1x16xf32> to vector<16xf32>
        %swap3A_469 = vector.shape_cast %add3A_460 : vector<16xf32> to vector<1x1x16xf32>
        tpu.vector_store %arg10[%swap3A_464, %swap3A_465, %swap3A_466], %swap3A_469 {strides = array<i32>} : memref<3x128x128xf32, #tpu.memory_space<vmem>>, vector<1x1x16xf32>,
        %add3A_470 = arith.constant 0 : i32
        %add3A_471 = arith.addi %mul3A_414, %add3A_470 : i32
        %get3A_472 = arith.constant 2 : i32
        %get3A_473 = arith.index_cast %get3A_472 : i32 to index
        %get3A_474 = arith.index_cast %add3A_471 : i32 to index
        %get3A_475 = arith.constant 32 : index
        %get3A_476 = tpu.vector_load %arg10[%get3A_473, %get3A_474, %get3A_475] {strides = array<i32>} : memref<3x128x128xf32, #tpu.memory_space<vmem>>, vector<1x1x16xf32>,
        %get3A_477 = vector.shape_cast %get3A_476 : vector<1x1x16xf32> to vector<16xf32>
        %add3A_478 = arith.addf %get3A_477, %get3A_106 : vector<16xf32>
        %add3A_479 = arith.constant 0 : i32
        %add3A_480 = arith.addi %mul3A_414, %add3A_479 : i32
        %get3A_481 = arith.constant 2 : i32
        %get3A_482 = arith.index_cast %get3A_481 : i32 to index
        %get3A_483 = arith.index_cast %add3A_480 : i32 to index
        %get3A_484 = arith.constant 32 : index
        %get3A_485 = tpu.vector_load %arg11[%get3A_482, %get3A_483, %get3A_484] {strides = array<i32>} : memref<3x128x128xf32, #tpu.memory_space<vmem>>, vector<1x1x16xf32>,
        %get3A_486 = vector.shape_cast %get3A_485 : vector<1x1x16xf32> to vector<16xf32>
        %mul3A_487 = arith.mulf %exp3A_132, %get3A_486 : vector<16xf32>
        %add3A_488 = arith.addf %add3A_478, %mul3A_487 : vector<16xf32>
        %add3A_489 = arith.constant 0 : i32
        %add3A_490 = arith.addi %mul3A_414, %add3A_489 : i32
        %swap3A_491 = arith.constant 2 : i32
        %swap3A_492 = arith.index_cast %swap3A_491 : i32 to index
        %swap3A_493 = arith.index_cast %add3A_490 : i32 to index
        %swap3A_494 = arith.constant 32 : index
        %swap3A_495 = tpu.vector_load %arg10[%swap3A_492, %swap3A_493, %swap3A_494] {strides = array<i32>} : memref<3x128x128xf32, #tpu.memory_space<vmem>>, vector<1x1x16xf32>,
        %swap3A_496 = vector.shape_cast %swap3A_495 : vector<1x1x16xf32> to vector<16xf32>
        %swap3A_497 = vector.shape_cast %add3A_488 : vector<16xf32> to vector<1x1x16xf32>
        tpu.vector_store %arg10[%swap3A_492, %swap3A_493, %swap3A_494], %swap3A_497 {strides = array<i32>} : memref<3x128x128xf32, #tpu.memory_space<vmem>>, vector<1x1x16xf32>,
        %add3A_498 = arith.constant 0 : i32
        %add3A_499 = arith.addi %mul3A_414, %add3A_498 : i32
        %get3A_500 = arith.constant 2 : i32
        %get3A_501 = arith.index_cast %get3A_500 : i32 to index
        %get3A_502 = arith.index_cast %add3A_499 : i32 to index
        %get3A_503 = arith.constant 48 : index
        %get3A_504 = tpu.vector_load %arg10[%get3A_501, %get3A_502, %get3A_503] {strides = array<i32>} : memref<3x128x128xf32, #tpu.memory_space<vmem>>, vector<1x1x16xf32>,
        %get3A_505 = vector.shape_cast %get3A_504 : vector<1x1x16xf32> to vector<16xf32>
        %add3A_506 = arith.addf %get3A_505, %get3A_109 : vector<16xf32>
        %add3A_507 = arith.constant 0 : i32
        %add3A_508 = arith.addi %mul3A_414, %add3A_507 : i32
        %get3A_509 = arith.constant 2 : i32
        %get3A_510 = arith.index_cast %get3A_509 : i32 to index
        %get3A_511 = arith.index_cast %add3A_508 : i32 to index
        %get3A_512 = arith.constant 48 : index
        %get3A_513 = tpu.vector_load %arg11[%get3A_510, %get3A_511, %get3A_512] {strides = array<i32>} : memref<3x128x128xf32, #tpu.memory_space<vmem>>, vector<1x1x16xf32>,
        %get3A_514 = vector.shape_cast %get3A_513 : vector<1x1x16xf32> to vector<16xf32>
        %mul3A_515 = arith.mulf %exp3A_136, %get3A_514 : vector<16xf32>
        %add3A_516 = arith.addf %add3A_506, %mul3A_515 : vector<16xf32>
        %add3A_517 = arith.constant 0 : i32
        %add3A_518 = arith.addi %mul3A_414, %add3A_517 : i32
        %swap3A_519 = arith.constant 2 : i32
        %swap3A_520 = arith.index_cast %swap3A_519 : i32 to index
        %swap3A_521 = arith.index_cast %add3A_518 : i32 to index
        %swap3A_522 = arith.constant 48 : index
        %swap3A_523 = tpu.vector_load %arg10[%swap3A_520, %swap3A_521, %swap3A_522] {strides = array<i32>} : memref<3x128x128xf32, #tpu.memory_space<vmem>>, vector<1x1x16xf32>,
        %swap3A_524 = vector.shape_cast %swap3A_523 : vector<1x1x16xf32> to vector<16xf32>
        %swap3A_525 = vector.shape_cast %add3A_516 : vector<16xf32> to vector<1x1x16xf32>
        tpu.vector_store %arg10[%swap3A_520, %swap3A_521, %swap3A_522], %swap3A_525 {strides = array<i32>} : memref<3x128x128xf32, #tpu.memory_space<vmem>>, vector<1x1x16xf32>,
        %add3A_526 = arith.constant 0 : i32
        %add3A_527 = arith.addi %mul3A_414, %add3A_526 : i32
        %get3A_528 = arith.constant 2 : i32
        %get3A_529 = arith.index_cast %get3A_528 : i32 to index
        %get3A_530 = arith.index_cast %add3A_527 : i32 to index
        %get3A_531 = arith.constant 64 : index
        %get3A_532 = tpu.vector_load %arg10[%get3A_529, %get3A_530, %get3A_531] {strides = array<i32>} : memref<3x128x128xf32, #tpu.memory_space<vmem>>, vector<1x1x16xf32>,
        %get3A_533 = vector.shape_cast %get3A_532 : vector<1x1x16xf32> to vector<16xf32>
        %add3A_534 = arith.addf %get3A_533, %get3A_112 : vector<16xf32>
        %add3A_535 = arith.constant 0 : i32
        %add3A_536 = arith.addi %mul3A_414, %add3A_535 : i32
        %get3A_537 = arith.constant 2 : i32
        %get3A_538 = arith.index_cast %get3A_537 : i32 to index
        %get3A_539 = arith.index_cast %add3A_536 : i32 to index
        %get3A_540 = arith.constant 64 : index
        %get3A_541 = tpu.vector_load %arg11[%get3A_538, %get3A_539, %get3A_540] {strides = array<i32>} : memref<3x128x128xf32, #tpu.memory_space<vmem>>, vector<1x1x16xf32>,
        %get3A_542 = vector.shape_cast %get3A_541 : vector<1x1x16xf32> to vector<16xf32>
        %mul3A_543 = arith.mulf %exp3A_140, %get3A_542 : vector<16xf32>
        %add3A_544 = arith.addf %add3A_534, %mul3A_543 : vector<16xf32>
        %add3A_545 = arith.constant 0 : i32
        %add3A_546 = arith.addi %mul3A_414, %add3A_545 : i32
        %swap3A_547 = arith.constant 2 : i32
        %swap3A_548 = arith.index_cast %swap3A_547 : i32 to index
        %swap3A_549 = arith.index_cast %add3A_546 : i32 to index
        %swap3A_550 = arith.constant 64 : index
        %swap3A_551 = tpu.vector_load %arg10[%swap3A_548, %swap3A_549, %swap3A_550] {strides = array<i32>} : memref<3x128x128xf32, #tpu.memory_space<vmem>>, vector<1x1x16xf32>,
        %swap3A_552 = vector.shape_cast %swap3A_551 : vector<1x1x16xf32> to vector<16xf32>
        %swap3A_553 = vector.shape_cast %add3A_544 : vector<16xf32> to vector<1x1x16xf32>
        tpu.vector_store %arg10[%swap3A_548, %swap3A_549, %swap3A_550], %swap3A_553 {strides = array<i32>} : memref<3x128x128xf32, #tpu.memory_space<vmem>>, vector<1x1x16xf32>,
        %add3A_554 = arith.constant 0 : i32
        %add3A_555 = arith.addi %mul3A_414, %add3A_554 : i32
        %get3A_556 = arith.constant 2 : i32
        %get3A_557 = arith.index_cast %get3A_556 : i32 to index
        %get3A_558 = arith.index_cast %add3A_555 : i32 to index
        %get3A_559 = arith.constant 80 : index
        %get3A_560 = tpu.vector_load %arg10[%get3A_557, %get3A_558, %get3A_559] {strides = array<i32>} : memref<3x128x128xf32, #tpu.memory_space<vmem>>, vector<1x1x16xf32>,
        %get3A_561 = vector.shape_cast %get3A_560 : vector<1x1x16xf32> to vector<16xf32>
        %add3A_562 = arith.addf %get3A_561, %get3A_115 : vector<16xf32>
        %add3A_563 = arith.constant 0 : i32
        %add3A_564 = arith.addi %mul3A_414, %add3A_563 : i32
        %get3A_565 = arith.constant 2 : i32
        %get3A_566 = arith.index_cast %get3A_565 : i32 to index
        %get3A_567 = arith.index_cast %add3A_564 : i32 to index
        %get3A_568 = arith.constant 80 : index
        %get3A_569 = tpu.vector_load %arg11[%get3A_566, %get3A_567, %get3A_568] {strides = array<i32>} : memref<3x128x128xf32, #tpu.memory_space<vmem>>, vector<1x1x16xf32>,
        %get3A_570 = vector.shape_cast %get3A_569 : vector<1x1x16xf32> to vector<16xf32>
        %mul3A_571 = arith.mulf %exp3A_144, %get3A_570 : vector<16xf32>
        %add3A_572 = arith.addf %add3A_562, %mul3A_571 : vector<16xf32>
        %add3A_573 = arith.constant 0 : i32
        %add3A_574 = arith.addi %mul3A_414, %add3A_573 : i32
        %swap3A_575 = arith.constant 2 : i32
        %swap3A_576 = arith.index_cast %swap3A_575 : i32 to index
        %swap3A_577 = arith.index_cast %add3A_574 : i32 to index
        %swap3A_578 = arith.constant 80 : index
        %swap3A_579 = tpu.vector_load %arg10[%swap3A_576, %swap3A_577, %swap3A_578] {strides = array<i32>} : memref<3x128x128xf32, #tpu.memory_space<vmem>>, vector<1x1x16xf32>,
        %swap3A_580 = vector.shape_cast %swap3A_579 : vector<1x1x16xf32> to vector<16xf32>
        %swap3A_581 = vector.shape_cast %add3A_572 : vector<16xf32> to vector<1x1x16xf32>
        tpu.vector_store %arg10[%swap3A_576, %swap3A_577, %swap3A_578], %swap3A_581 {strides = array<i32>} : memref<3x128x128xf32, #tpu.memory_space<vmem>>, vector<1x1x16xf32>,
        %add3A_582 = arith.constant 0 : i32
        %add3A_583 = arith.addi %mul3A_414, %add3A_582 : i32
        %get3A_584 = arith.constant 2 : i32
        %get3A_585 = arith.index_cast %get3A_584 : i32 to index
        %get3A_586 = arith.index_cast %add3A_583 : i32 to index
        %get3A_587 = arith.constant 96 : index
        %get3A_588 = tpu.vector_load %arg10[%get3A_585, %get3A_586, %get3A_587] {strides = array<i32>} : memref<3x128x128xf32, #tpu.memory_space<vmem>>, vector<1x1x16xf32>,
        %get3A_589 = vector.shape_cast %get3A_588 : vector<1x1x16xf32> to vector<16xf32>
        %add3A_590 = arith.addf %get3A_589, %get3A_118 : vector<16xf32>
        %add3A_591 = arith.constant 0 : i32
        %add3A_592 = arith.addi %mul3A_414, %add3A_591 : i32
        %get3A_593 = arith.constant 2 : i32
        %get3A_594 = arith.index_cast %get3A_593 : i32 to index
        %get3A_595 = arith.index_cast %add3A_592 : i32 to index
        %get3A_596 = arith.constant 96 : index
        %get3A_597 = tpu.vector_load %arg11[%get3A_594, %get3A_595, %get3A_596] {strides = array<i32>} : memref<3x128x128xf32, #tpu.memory_space<vmem>>, vector<1x1x16xf32>,
        %get3A_598 = vector.shape_cast %get3A_597 : vector<1x1x16xf32> to vector<16xf32>
        %mul3A_599 = arith.mulf %exp3A_148, %get3A_598 : vector<16xf32>
        %add3A_600 = arith.addf %add3A_590, %mul3A_599 : vector<16xf32>
        %add3A_601 = arith.constant 0 : i32
        %add3A_602 = arith.addi %mul3A_414, %add3A_601 : i32
        %swap3A_603 = arith.constant 2 : i32
        %swap3A_604 = arith.index_cast %swap3A_603 : i32 to index
        %swap3A_605 = arith.index_cast %add3A_602 : i32 to index
        %swap3A_606 = arith.constant 96 : index
        %swap3A_607 = tpu.vector_load %arg10[%swap3A_604, %swap3A_605, %swap3A_606] {strides = array<i32>} : memref<3x128x128xf32, #tpu.memory_space<vmem>>, vector<1x1x16xf32>,
        %swap3A_608 = vector.shape_cast %swap3A_607 : vector<1x1x16xf32> to vector<16xf32>
        %swap3A_609 = vector.shape_cast %add3A_600 : vector<16xf32> to vector<1x1x16xf32>
        tpu.vector_store %arg10[%swap3A_604, %swap3A_605, %swap3A_606], %swap3A_609 {strides = array<i32>} : memref<3x128x128xf32, #tpu.memory_space<vmem>>, vector<1x1x16xf32>,
        %add3A_610 = arith.constant 0 : i32
        %add3A_611 = arith.addi %mul3A_414, %add3A_610 : i32
        %get3A_612 = arith.constant 2 : i32
        %get3A_613 = arith.index_cast %get3A_612 : i32 to index
        %get3A_614 = arith.index_cast %add3A_611 : i32 to index
        %get3A_615 = arith.constant 112 : index
        %get3A_616 = tpu.vector_load %arg10[%get3A_613, %get3A_614, %get3A_615] {strides = array<i32>} : memref<3x128x128xf32, #tpu.memory_space<vmem>>, vector<1x1x16xf32>,
        %get3A_617 = vector.shape_cast %get3A_616 : vector<1x1x16xf32> to vector<16xf32>
        %add3A_618 = arith.addf %get3A_617, %get3A_121 : vector<16xf32>
        %add3A_619 = arith.constant 0 : i32
        %add3A_620 = arith.addi %mul3A_414, %add3A_619 : i32
        %get3A_621 = arith.constant 2 : i32
        %get3A_622 = arith.index_cast %get3A_621 : i32 to index
        %get3A_623 = arith.index_cast %add3A_620 : i32 to index
        %get3A_624 = arith.constant 112 : index
        %get3A_625 = tpu.vector_load %arg11[%get3A_622, %get3A_623, %get3A_624] {strides = array<i32>} : memref<3x128x128xf32, #tpu.memory_space<vmem>>, vector<1x1x16xf32>,
        %get3A_626 = vector.shape_cast %get3A_625 : vector<1x1x16xf32> to vector<16xf32>
        %mul3A_627 = arith.mulf %exp3A_152, %get3A_626 : vector<16xf32>
        %add3A_628 = arith.addf %add3A_618, %mul3A_627 : vector<16xf32>
        %add3A_629 = arith.constant 0 : i32
        %add3A_630 = arith.addi %mul3A_414, %add3A_629 : i32
        %swap3A_631 = arith.constant 2 : i32
        %swap3A_632 = arith.index_cast %swap3A_631 : i32 to index
        %swap3A_633 = arith.index_cast %add3A_630 : i32 to index
        %swap3A_634 = arith.constant 112 : index
        %swap3A_635 = tpu.vector_load %arg10[%swap3A_632, %swap3A_633, %swap3A_634] {strides = array<i32>} : memref<3x128x128xf32, #tpu.memory_space<vmem>>, vector<1x1x16xf32>,
        %swap3A_636 = vector.shape_cast %swap3A_635 : vector<1x1x16xf32> to vector<16xf32>
        %swap3A_637 = vector.shape_cast %add3A_628 : vector<16xf32> to vector<1x1x16xf32>
        tpu.vector_store %arg10[%swap3A_632, %swap3A_633, %swap3A_634], %swap3A_637 {strides = array<i32>} : memref<3x128x128xf32, #tpu.memory_space<vmem>>, vector<1x1x16xf32>,
        %add3A_638 = arith.constant 1 : i32
        %add3A_639 = arith.addi %mul3A_414, %add3A_638 : i32
        %get3A_640 = arith.constant 2 : i32
        %get3A_641 = arith.index_cast %get3A_640 : i32 to index
        %get3A_642 = arith.index_cast %add3A_639 : i32 to index
        %get3A_643 = arith.constant 0 : index
        %get3A_644 = tpu.vector_load %arg10[%get3A_641, %get3A_642, %get3A_643] {strides = array<i32>} : memref<3x128x128xf32, #tpu.memory_space<vmem>>, vector<1x1x16xf32>,
        %get3A_645 = vector.shape_cast %get3A_644 : vector<1x1x16xf32> to vector<16xf32>
        %add3A_646 = arith.addf %get3A_645, %get3A_100 : vector<16xf32>
        %add3A_647 = arith.constant 1 : i32
        %add3A_648 = arith.addi %mul3A_414, %add3A_647 : i32
        %get3A_649 = arith.constant 2 : i32
        %get3A_650 = arith.index_cast %get3A_649 : i32 to index
        %get3A_651 = arith.index_cast %add3A_648 : i32 to index
        %get3A_652 = arith.constant 0 : index
        %get3A_653 = tpu.vector_load %arg11[%get3A_650, %get3A_651, %get3A_652] {strides = array<i32>} : memref<3x128x128xf32, #tpu.memory_space<vmem>>, vector<1x1x16xf32>,
        %get3A_654 = vector.shape_cast %get3A_653 : vector<1x1x16xf32> to vector<16xf32>
        %mul3A_655 = arith.mulf %exp3A, %get3A_654 : vector<16xf32>
        %add3A_656 = arith.addf %add3A_646, %mul3A_655 : vector<16xf32>
        %add3A_657 = arith.constant 1 : i32
        %add3A_658 = arith.addi %mul3A_414, %add3A_657 : i32
        %swap3A_659 = arith.constant 2 : i32
        %swap3A_660 = arith.index_cast %swap3A_659 : i32 to index
        %swap3A_661 = arith.index_cast %add3A_658 : i32 to index
        %swap3A_662 = arith.constant 0 : index
        %swap3A_663 = tpu.vector_load %arg10[%swap3A_660, %swap3A_661, %swap3A_662] {strides = array<i32>} : memref<3x128x128xf32, #tpu.memory_space<vmem>>, vector<1x1x16xf32>,
        %swap3A_664 = vector.shape_cast %swap3A_663 : vector<1x1x16xf32> to vector<16xf32>
        %swap3A_665 = vector.shape_cast %add3A_656 : vector<16xf32> to vector<1x1x16xf32>
        tpu.vector_store %arg10[%swap3A_660, %swap3A_661, %swap3A_662], %swap3A_665 {strides = array<i32>} : memref<3x128x128xf32, #tpu.memory_space<vmem>>, vector<1x1x16xf32>,
        %add3A_666 = arith.constant 1 : i32
        %add3A_667 = arith.addi %mul3A_414, %add3A_666 : i32
        %get3A_668 = arith.constant 2 : i32
        %get3A_669 = arith.index_cast %get3A_668 : i32 to index
        %get3A_670 = arith.index_cast %add3A_667 : i32 to index
        %get3A_671 = arith.constant 16 : index
        %get3A_672 = tpu.vector_load %arg10[%get3A_669, %get3A_670, %get3A_671] {strides = array<i32>} : memref<3x128x128xf32, #tpu.memory_space<vmem>>, vector<1x1x16xf32>,
        %get3A_673 = vector.shape_cast %get3A_672 : vector<1x1x16xf32> to vector<16xf32>
        %add3A_674 = arith.addf %get3A_673, %get3A_103 : vector<16xf32>
        %add3A_675 = arith.constant 1 : i32
        %add3A_676 = arith.addi %mul3A_414, %add3A_675 : i32
        %get3A_677 = arith.constant 2 : i32
        %get3A_678 = arith.index_cast %get3A_677 : i32 to index
        %get3A_679 = arith.index_cast %add3A_676 : i32 to index
        %get3A_680 = arith.constant 16 : index
        %get3A_681 = tpu.vector_load %arg11[%get3A_678, %get3A_679, %get3A_680] {strides = array<i32>} : memref<3x128x128xf32, #tpu.memory_space<vmem>>, vector<1x1x16xf32>,
        %get3A_682 = vector.shape_cast %get3A_681 : vector<1x1x16xf32> to vector<16xf32>
        %mul3A_683 = arith.mulf %exp3A_128, %get3A_682 : vector<16xf32>
        %add3A_684 = arith.addf %add3A_674, %mul3A_683 : vector<16xf32>
        %add3A_685 = arith.constant 1 : i32
        %add3A_686 = arith.addi %mul3A_414, %add3A_685 : i32
        %swap3A_687 = arith.constant 2 : i32
        %swap3A_688 = arith.index_cast %swap3A_687 : i32 to index
        %swap3A_689 = arith.index_cast %add3A_686 : i32 to index
        %swap3A_690 = arith.constant 16 : index
        %swap3A_691 = tpu.vector_load %arg10[%swap3A_688, %swap3A_689, %swap3A_690] {strides = array<i32>} : memref<3x128x128xf32, #tpu.memory_space<vmem>>, vector<1x1x16xf32>,
        %swap3A_692 = vector.shape_cast %swap3A_691 : vector<1x1x16xf32> to vector<16xf32>
        %swap3A_693 = vector.shape_cast %add3A_684 : vector<16xf32> to vector<1x1x16xf32>
        tpu.vector_store %arg10[%swap3A_688, %swap3A_689, %swap3A_690], %swap3A_693 {strides = array<i32>} : memref<3x128x128xf32, #tpu.memory_space<vmem>>, vector<1x1x16xf32>,
        %add3A_694 = arith.constant 1 : i32
        %add3A_695 = arith.addi %mul3A_414, %add3A_694 : i32
        %get3A_696 = arith.constant 2 : i32
        %get3A_697 = arith.index_cast %get3A_696 : i32 to index
        %get3A_698 = arith.index_cast %add3A_695 : i32 to index
        %get3A_699 = arith.constant 32 : index
        %get3A_700 = tpu.vector_load %arg10[%get3A_697, %get3A_698, %get3A_699] {strides = array<i32>} : memref<3x128x128xf32, #tpu.memory_space<vmem>>, vector<1x1x16xf32>,
        %get3A_701 = vector.shape_cast %get3A_700 : vector<1x1x16xf32> to vector<16xf32>
        %add3A_702 = arith.addf %get3A_701, %get3A_106 : vector<16xf32>
        %add3A_703 = arith.constant 1 : i32
        %add3A_704 = arith.addi %mul3A_414, %add3A_703 : i32
        %get3A_705 = arith.constant 2 : i32
        %get3A_706 = arith.index_cast %get3A_705 : i32 to index
        %get3A_707 = arith.index_cast %add3A_704 : i32 to index
        %get3A_708 = arith.constant 32 : index
        %get3A_709 = tpu.vector_load %arg11[%get3A_706, %get3A_707, %get3A_708] {strides = array<i32>} : memref<3x128x128xf32, #tpu.memory_space<vmem>>, vector<1x1x16xf32>,
        %get3A_710 = vector.shape_cast %get3A_709 : vector<1x1x16xf32> to vector<16xf32>
        %mul3A_711 = arith.mulf %exp3A_132, %get3A_710 : vector<16xf32>
        %add3A_712 = arith.addf %add3A_702, %mul3A_711 : vector<16xf32>
        %add3A_713 = arith.constant 1 : i32
        %add3A_714 = arith.addi %mul3A_414, %add3A_713 : i32
        %swap3A_715 = arith.constant 2 : i32
        %swap3A_716 = arith.index_cast %swap3A_715 : i32 to index
        %swap3A_717 = arith.index_cast %add3A_714 : i32 to index
        %swap3A_718 = arith.constant 32 : index
        %swap3A_719 = tpu.vector_load %arg10[%swap3A_716, %swap3A_717, %swap3A_718] {strides = array<i32>} : memref<3x128x128xf32, #tpu.memory_space<vmem>>, vector<1x1x16xf32>,
        %swap3A_720 = vector.shape_cast %swap3A_719 : vector<1x1x16xf32> to vector<16xf32>
        %swap3A_721 = vector.shape_cast %add3A_712 : vector<16xf32> to vector<1x1x16xf32>
        tpu.vector_store %arg10[%swap3A_716, %swap3A_717, %swap3A_718], %swap3A_721 {strides = array<i32>} : memref<3x128x128xf32, #tpu.memory_space<vmem>>, vector<1x1x16xf32>,
        %add3A_722 = arith.constant 1 : i32
        %add3A_723 = arith.addi %mul3A_414, %add3A_722 : i32
        %get3A_724 = arith.constant 2 : i32
        %get3A_725 = arith.index_cast %get3A_724 : i32 to index
        %get3A_726 = arith.index_cast %add3A_723 : i32 to index
        %get3A_727 = arith.constant 48 : index
        %get3A_728 = tpu.vector_load %arg10[%get3A_725, %get3A_726, %get3A_727] {strides = array<i32>} : memref<3x128x128xf32, #tpu.memory_space<vmem>>, vector<1x1x16xf32>,
        %get3A_729 = vector.shape_cast %get3A_728 : vector<1x1x16xf32> to vector<16xf32>
        %add3A_730 = arith.addf %get3A_729, %get3A_109 : vector<16xf32>
        %add3A_731 = arith.constant 1 : i32
        %add3A_732 = arith.addi %mul3A_414, %add3A_731 : i32
        %get3A_733 = arith.constant 2 : i32
        %get3A_734 = arith.index_cast %get3A_733 : i32 to index
        %get3A_735 = arith.index_cast %add3A_732 : i32 to index
        %get3A_736 = arith.constant 48 : index
        %get3A_737 = tpu.vector_load %arg11[%get3A_734, %get3A_735, %get3A_736] {strides = array<i32>} : memref<3x128x128xf32, #tpu.memory_space<vmem>>, vector<1x1x16xf32>,
        %get3A_738 = vector.shape_cast %get3A_737 : vector<1x1x16xf32> to vector<16xf32>
        %mul3A_739 = arith.mulf %exp3A_136, %get3A_738 : vector<16xf32>
        %add3A_740 = arith.addf %add3A_730, %mul3A_739 : vector<16xf32>
        %add3A_741 = arith.constant 1 : i32
        %add3A_742 = arith.addi %mul3A_414, %add3A_741 : i32
        %swap3A_743 = arith.constant 2 : i32
        %swap3A_744 = arith.index_cast %swap3A_743 : i32 to index
        %swap3A_745 = arith.index_cast %add3A_742 : i32 to index
        %swap3A_746 = arith.constant 48 : index
        %swap3A_747 = tpu.vector_load %arg10[%swap3A_744, %swap3A_745, %swap3A_746] {strides = array<i32>} : memref<3x128x128xf32, #tpu.memory_space<vmem>>, vector<1x1x16xf32>,
        %swap3A_748 = vector.shape_cast %swap3A_747 : vector<1x1x16xf32> to vector<16xf32>
        %swap3A_749 = vector.shape_cast %add3A_740 : vector<16xf32> to vector<1x1x16xf32>
        tpu.vector_store %arg10[%swap3A_744, %swap3A_745, %swap3A_746], %swap3A_749 {strides = array<i32>} : memref<3x128x128xf32, #tpu.memory_space<vmem>>, vector<1x1x16xf32>,
        %add3A_750 = arith.constant 1 : i32
        %add3A_751 = arith.addi %mul3A_414, %add3A_750 : i32
        %get3A_752 = arith.constant 2 : i32
        %get3A_753 = arith.index_cast %get3A_752 : i32 to index
        %get3A_754 = arith.index_cast %add3A_751 : i32 to index
        %get3A_755 = arith.constant 64 : index
        %get3A_756 = tpu.vector_load %arg10[%get3A_753, %get3A_754, %get3A_755] {strides = array<i32>} : memref<3x128x128xf32, #tpu.memory_space<vmem>>, vector<1x1x16xf32>,
        %get3A_757 = vector.shape_cast %get3A_756 : vector<1x1x16xf32> to vector<16xf32>
        %add3A_758 = arith.addf %get3A_757, %get3A_112 : vector<16xf32>
        %add3A_759 = arith.constant 1 : i32
        %add3A_760 = arith.addi %mul3A_414, %add3A_759 : i32
        %get3A_761 = arith.constant 2 : i32
        %get3A_762 = arith.index_cast %get3A_761 : i32 to index
        %get3A_763 = arith.index_cast %add3A_760 : i32 to index
        %get3A_764 = arith.constant 64 : index
        %get3A_765 = tpu.vector_load %arg11[%get3A_762, %get3A_763, %get3A_764] {strides = array<i32>} : memref<3x128x128xf32, #tpu.memory_space<vmem>>, vector<1x1x16xf32>,
        %get3A_766 = vector.shape_cast %get3A_765 : vector<1x1x16xf32> to vector<16xf32>
        %mul3A_767 = arith.mulf %exp3A_140, %get3A_766 : vector<16xf32>
        %add3A_768 = arith.addf %add3A_758, %mul3A_767 : vector<16xf32>
        %add3A_769 = arith.constant 1 : i32
        %add3A_770 = arith.addi %mul3A_414, %add3A_769 : i32
        %swap3A_771 = arith.constant 2 : i32
        %swap3A_772 = arith.index_cast %swap3A_771 : i32 to index
        %swap3A_773 = arith.index_cast %add3A_770 : i32 to index
        %swap3A_774 = arith.constant 64 : index
        %swap3A_775 = tpu.vector_load %arg10[%swap3A_772, %swap3A_773, %swap3A_774] {strides = array<i32>} : memref<3x128x128xf32, #tpu.memory_space<vmem>>, vector<1x1x16xf32>,
        %swap3A_776 = vector.shape_cast %swap3A_775 : vector<1x1x16xf32> to vector<16xf32>
        %swap3A_777 = vector.shape_cast %add3A_768 : vector<16xf32> to vector<1x1x16xf32>
        tpu.vector_store %arg10[%swap3A_772, %swap3A_773, %swap3A_774], %swap3A_777 {strides = array<i32>} : memref<3x128x128xf32, #tpu.memory_space<vmem>>, vector<1x1x16xf32>,
        %add3A_778 = arith.constant 1 : i32
        %add3A_779 = arith.addi %mul3A_414, %add3A_778 : i32
        %get3A_780 = arith.constant 2 : i32
        %get3A_781 = arith.index_cast %get3A_780 : i32 to index
        %get3A_782 = arith.index_cast %add3A_779 : i32 to index
        %get3A_783 = arith.constant 80 : index
        %get3A_784 = tpu.vector_load %arg10[%get3A_781, %get3A_782, %get3A_783] {strides = array<i32>} : memref<3x128x128xf32, #tpu.memory_space<vmem>>, vector<1x1x16xf32>,
        %get3A_785 = vector.shape_cast %get3A_784 : vector<1x1x16xf32> to vector<16xf32>
        %add3A_786 = arith.addf %get3A_785, %get3A_115 : vector<16xf32>
        %add3A_787 = arith.constant 1 : i32
        %add3A_788 = arith.addi %mul3A_414, %add3A_787 : i32
        %get3A_789 = arith.constant 2 : i32
        %get3A_790 = arith.index_cast %get3A_789 : i32 to index
        %get3A_791 = arith.index_cast %add3A_788 : i32 to index
        %get3A_792 = arith.constant 80 : index
        %get3A_793 = tpu.vector_load %arg11[%get3A_790, %get3A_791, %get3A_792] {strides = array<i32>} : memref<3x128x128xf32, #tpu.memory_space<vmem>>, vector<1x1x16xf32>,
        %get3A_794 = vector.shape_cast %get3A_793 : vector<1x1x16xf32> to vector<16xf32>
        %mul3A_795 = arith.mulf %exp3A_144, %get3A_794 : vector<16xf32>
        %add3A_796 = arith.addf %add3A_786, %mul3A_795 : vector<16xf32>
        %add3A_797 = arith.constant 1 : i32
        %add3A_798 = arith.addi %mul3A_414, %add3A_797 : i32
        %swap3A_799 = arith.constant 2 : i32
        %swap3A_800 = arith.index_cast %swap3A_799 : i32 to index
        %swap3A_801 = arith.index_cast %add3A_798 : i32 to index
        %swap3A_802 = arith.constant 80 : index
        %swap3A_803 = tpu.vector_load %arg10[%swap3A_800, %swap3A_801, %swap3A_802] {strides = array<i32>} : memref<3x128x128xf32, #tpu.memory_space<vmem>>, vector<1x1x16xf32>,
        %swap3A_804 = vector.shape_cast %swap3A_803 : vector<1x1x16xf32> to vector<16xf32>
        %swap3A_805 = vector.shape_cast %add3A_796 : vector<16xf32> to vector<1x1x16xf32>
        tpu.vector_store %arg10[%swap3A_800, %swap3A_801, %swap3A_802], %swap3A_805 {strides = array<i32>} : memref<3x128x128xf32, #tpu.memory_space<vmem>>, vector<1x1x16xf32>,
        %add3A_806 = arith.constant 1 : i32
        %add3A_807 = arith.addi %mul3A_414, %add3A_806 : i32
        %get3A_808 = arith.constant 2 : i32
        %get3A_809 = arith.index_cast %get3A_808 : i32 to index
        %get3A_810 = arith.index_cast %add3A_807 : i32 to index
        %get3A_811 = arith.constant 96 : index
        %get3A_812 = tpu.vector_load %arg10[%get3A_809, %get3A_810, %get3A_811] {strides = array<i32>} : memref<3x128x128xf32, #tpu.memory_space<vmem>>, vector<1x1x16xf32>,
        %get3A_813 = vector.shape_cast %get3A_812 : vector<1x1x16xf32> to vector<16xf32>
        %add3A_814 = arith.addf %get3A_813, %get3A_118 : vector<16xf32>
        %add3A_815 = arith.constant 1 : i32
        %add3A_816 = arith.addi %mul3A_414, %add3A_815 : i32
        %get3A_817 = arith.constant 2 : i32
        %get3A_818 = arith.index_cast %get3A_817 : i32 to index
        %get3A_819 = arith.index_cast %add3A_816 : i32 to index
        %get3A_820 = arith.constant 96 : index
        %get3A_821 = tpu.vector_load %arg11[%get3A_818, %get3A_819, %get3A_820] {strides = array<i32>} : memref<3x128x128xf32, #tpu.memory_space<vmem>>, vector<1x1x16xf32>,
        %get3A_822 = vector.shape_cast %get3A_821 : vector<1x1x16xf32> to vector<16xf32>
        %mul3A_823 = arith.mulf %exp3A_148, %get3A_822 : vector<16xf32>
        %add3A_824 = arith.addf %add3A_814, %mul3A_823 : vector<16xf32>
        %add3A_825 = arith.constant 1 : i32
        %add3A_826 = arith.addi %mul3A_414, %add3A_825 : i32
        %swap3A_827 = arith.constant 2 : i32
        %swap3A_828 = arith.index_cast %swap3A_827 : i32 to index
        %swap3A_829 = arith.index_cast %add3A_826 : i32 to index
        %swap3A_830 = arith.constant 96 : index
        %swap3A_831 = tpu.vector_load %arg10[%swap3A_828, %swap3A_829, %swap3A_830] {strides = array<i32>} : memref<3x128x128xf32, #tpu.memory_space<vmem>>, vector<1x1x16xf32>,
        %swap3A_832 = vector.shape_cast %swap3A_831 : vector<1x1x16xf32> to vector<16xf32>
        %swap3A_833 = vector.shape_cast %add3A_824 : vector<16xf32> to vector<1x1x16xf32>
        tpu.vector_store %arg10[%swap3A_828, %swap3A_829, %swap3A_830], %swap3A_833 {strides = array<i32>} : memref<3x128x128xf32, #tpu.memory_space<vmem>>, vector<1x1x16xf32>,
        %add3A_834 = arith.constant 1 : i32
        %add3A_835 = arith.addi %mul3A_414, %add3A_834 : i32
        %get3A_836 = arith.constant 2 : i32
        %get3A_837 = arith.index_cast %get3A_836 : i32 to index
        %get3A_838 = arith.index_cast %add3A_835 : i32 to index
        %get3A_839 = arith.constant 112 : index
        %get3A_840 = tpu.vector_load %arg10[%get3A_837, %get3A_838, %get3A_839] {strides = array<i32>} : memref<3x128x128xf32, #tpu.memory_space<vmem>>, vector<1x1x16xf32>,
        %get3A_841 = vector.shape_cast %get3A_840 : vector<1x1x16xf32> to vector<16xf32>
        %add3A_842 = arith.addf %get3A_841, %get3A_121 : vector<16xf32>
        %add3A_843 = arith.constant 1 : i32
        %add3A_844 = arith.addi %mul3A_414, %add3A_843 : i32
        %get3A_845 = arith.constant 2 : i32
        %get3A_846 = arith.index_cast %get3A_845 : i32 to index
        %get3A_847 = arith.index_cast %add3A_844 : i32 to index
        %get3A_848 = arith.constant 112 : index
        %get3A_849 = tpu.vector_load %arg11[%get3A_846, %get3A_847, %get3A_848] {strides = array<i32>} : memref<3x128x128xf32, #tpu.memory_space<vmem>>, vector<1x1x16xf32>,
        %get3A_850 = vector.shape_cast %get3A_849 : vector<1x1x16xf32> to vector<16xf32>
        %mul3A_851 = arith.mulf %exp3A_152, %get3A_850 : vector<16xf32>
        %add3A_852 = arith.addf %add3A_842, %mul3A_851 : vector<16xf32>
        %add3A_853 = arith.constant 1 : i32
        %add3A_854 = arith.addi %mul3A_414, %add3A_853 : i32
        %swap3A_855 = arith.constant 2 : i32
        %swap3A_856 = arith.index_cast %swap3A_855 : i32 to index
        %swap3A_857 = arith.index_cast %add3A_854 : i32 to index
        %swap3A_858 = arith.constant 112 : index
        %swap3A_859 = tpu.vector_load %arg10[%swap3A_856, %swap3A_857, %swap3A_858] {strides = array<i32>} : memref<3x128x128xf32, #tpu.memory_space<vmem>>, vector<1x1x16xf32>,
        %swap3A_860 = vector.shape_cast %swap3A_859 : vector<1x1x16xf32> to vector<16xf32>
        %swap3A_861 = vector.shape_cast %add3A_852 : vector<16xf32> to vector<1x1x16xf32>
        tpu.vector_store %arg10[%swap3A_856, %swap3A_857, %swap3A_858], %swap3A_861 {strides = array<i32>} : memref<3x128x128xf32, #tpu.memory_space<vmem>>, vector<1x1x16xf32>,
      }
      %scan3A_393 = arith.constant 64 : i32
      %mul3A_394 = arith.constant 16 : i32
      %mul3A_395 = arith.muli %mul3A_394, %add3A_358 : i32
      %add3A_396 = arith.addi %add3A_5, %mul3A_395 : i32
      %mul3A_397 = arith.constant 8 : i32
      %mul3A_398 = arith.muli %mul3A_397, %add3A_396 : i32
      %dma_start3A_399 = arith.constant 2 : i32
      %dma_start3A_400 = arith.constant 0 : i32
      %dma_start3A_401 = arith.constant 0 : i32
      %dma_start3A_402 = tpu.memref_slice %arg10[%dma_start3A_399, %dma_start3A_400, %dma_start3A_401] : memref<3x128x128xf32, #tpu.memory_space<vmem>> -> memref<1x128x128xf32, #tpu.memory_space<vmem>>
      %dma_start3A_403 = tpu.memref_squeeze %dma_start3A_402 : memref<1x128x128xf32, #tpu.memory_space<vmem>> -> memref<128x128xf32, #tpu.memory_space<vmem>>
      %dma_start3A_404 = arith.constant 0 : i32
      %dma_start3A_405 = tpu.memref_slice %arg7[%mul3A_398, %dma_start3A_404] : memref<100000x128xf32, #tpu.memory_space<hbm>> -> memref<128x128xf32, #tpu.memory_space<hbm>>
      %dma_start3A_406 = arith.constant 0 : i32
      %dma_start3A_407 = tpu.memref_slice %arg7[%mul3A_398, %dma_start3A_406] : memref<100000x128xf32, #tpu.memory_space<hbm>> -> memref<128x128xf32, #tpu.memory_space<hbm>>
      %dma_start3A_408 = arith.constant 0 : i32
      %dma_start3A_409 = arith.constant 0 : i32
      %dma_start3A_410 = tpu.memref_slice %arg10[%dma_start3A_399, %dma_start3A_408, %dma_start3A_409] : memref<3x128x128xf32, #tpu.memory_space<vmem>> -> memref<1x128x128xf32, #tpu.memory_space<vmem>>
      %dma_start3A_411 = tpu.memref_squeeze %dma_start3A_410 : memref<1x128x128xf32, #tpu.memory_space<vmem>> -> memref<128x128xf32, #tpu.memory_space<vmem>>
      tpu.enqueue_dma source(%dma_start3A_411 : memref<128x128xf32, #tpu.memory_space<vmem>>) target(%dma_start3A_407 : memref<128x128xf32, #tpu.memory_space<hbm>>) target_semaphore(%arg24 : memref<!tpu.dma_semaphore, #tpu.memory_space<semaphore_mem>>)
    }
    %scan3A_156 = arith.constant 8 : i32
    %convert_element_type3A_157 = arith.extui %lt3A_1 : i1 to i32
    %cond3A_158 = arith.constant 0 : i32
    %cond3A_159 = arith.cmpi ne, %convert_element_type3A_157, %cond3A_158 : i32
    scf.if %cond3A_159 {
      %dma_wait3A_210 = arith.constant 0 : i32
      %dma_wait3A_211 = arith.constant 0 : i32
      %dma_wait3A_212 = tpu.memref_slice %arg12[%dma_wait3A_210, %dma_wait3A_211] : memref<56x128xf32, #tpu.memory_space<vmem>> -> memref<56x128xf32, #tpu.memory_space<vmem>>
      %dma_wait3A_213 = arith.constant 0 : i32
      %dma_wait3A_214 = tpu.memref_slice %arg8[%dma_wait3A_213] : memref<3128xi32, #tpu.memory_space<vmem>> -> memref<56xi32, #tpu.memory_space<vmem>>
      %dma_wait3A_215 = arith.constant 0 : i32
      %dma_wait3A_216 = arith.constant 0 : i32
      %dma_wait3A_217 = tpu.memref_slice %arg4[%dma_wait3A_215, %dma_wait3A_216] : memref<100000x128xf32, #tpu.memory_space<hbm>> -> memref<100000x128xf32, #tpu.memory_space<hbm>>
      tpu.wait_indirect_dma semaphore(%arg28 : memref<!tpu.dma_semaphore, #tpu.memory_space<semaphore_mem>>) src(%dma_wait3A_217 : memref<100000x128xf32, #tpu.memory_space<hbm>>) dst(%dma_wait3A_212 : memref<56x128xf32, #tpu.memory_space<vmem>>)
      %dma_wait3A_218 = arith.constant 0 : i32
      %dma_wait3A_219 = arith.constant 0 : i32
      %dma_wait3A_220 = tpu.memref_slice %arg13[%dma_wait3A_218, %dma_wait3A_219] : memref<56x128xf32, #tpu.memory_space<vmem>> -> memref<56x128xf32, #tpu.memory_space<vmem>>
      %dma_wait3A_221 = arith.constant 0 : i32
      %dma_wait3A_222 = arith.constant 0 : i32
      %dma_wait3A_223 = tpu.memref_slice %arg3[%dma_wait3A_221, %dma_wait3A_222] : memref<100000x128xf32, #tpu.memory_space<hbm>> -> memref<56x128xf32, #tpu.memory_space<hbm>>
      %dma_wait3A_224 = arith.constant 0 : i32
      %dma_wait3A_225 = arith.constant 0 : i32
      %dma_wait3A_226 = tpu.memref_slice %arg13[%dma_wait3A_224, %dma_wait3A_225] : memref<56x128xf32, #tpu.memory_space<vmem>> -> memref<56x128xf32, #tpu.memory_space<vmem>>
      %dma_wait3A_227 = arith.constant 0 : i32
      %dma_wait3A_228 = arith.constant 0 : i32
      %dma_wait3A_229 = tpu.memref_slice %arg3[%dma_wait3A_227, %dma_wait3A_228] : memref<100000x128xf32, #tpu.memory_space<hbm>> -> memref<56x128xf32, #tpu.memory_space<hbm>>
      tpu.wait_dma2 semaphore(%arg28 : memref<!tpu.dma_semaphore, #tpu.memory_space<semaphore_mem>>) src(%dma_wait3A_229 : memref<56x128xf32, #tpu.memory_space<hbm>>) dst(%dma_wait3A_226 : memref<56x128xf32, #tpu.memory_space<vmem>>)
      %scan3A_230 = arith.constant 0 : i32
      %scan3A_231 = arith.constant 56 : i32
      %scan3A_232 = arith.addi %scan3A_230, %scan3A_231 : i32
      %scan3A_233 = arith.constant 1 : i32
      scf.for %scan3A_257 = %scan3A_230 to %scan3A_232 step %scan3A_233  : i32 {
        %get3A_258 = arith.index_cast %scan3A_257 : i32 to index
        %get3A_259 = arith.constant 0 : index
        %get3A_260 = tpu.vector_load %arg12[%get3A_258, %get3A_259] {strides = array<i32>} : memref<56x128xf32, #tpu.memory_space<vmem>>, vector<1x16xf32>,
        %get3A_261 = vector.shape_cast %get3A_260 : vector<1x16xf32> to vector<16xf32>
        %add3A_262 = arith.addf %get3A_261, %get3A_100 : vector<16xf32>
        %get3A_263 = arith.index_cast %scan3A_257 : i32 to index
        %get3A_264 = arith.constant 0 : index
        %get3A_265 = tpu.vector_load %arg13[%get3A_263, %get3A_264] {strides = array<i32>} : memref<56x128xf32, #tpu.memory_space<vmem>>, vector<1x16xf32>,
        %get3A_266 = vector.shape_cast %get3A_265 : vector<1x16xf32> to vector<16xf32>
        %mul3A_267 = arith.mulf %exp3A, %get3A_266 : vector<16xf32>
        %add3A_268 = arith.addf %add3A_262, %mul3A_267 : vector<16xf32>
        %swap3A = arith.index_cast %scan3A_257 : i32 to index
        %swap3A_269 = arith.constant 0 : index
        %swap3A_270 = tpu.vector_load %arg12[%swap3A, %swap3A_269] {strides = array<i32>} : memref<56x128xf32, #tpu.memory_space<vmem>>, vector<1x16xf32>,
        %swap3A_271 = vector.shape_cast %swap3A_270 : vector<1x16xf32> to vector<16xf32>
        %swap3A_272 = vector.shape_cast %add3A_268 : vector<16xf32> to vector<1x16xf32>
        tpu.vector_store %arg12[%swap3A, %swap3A_269], %swap3A_272 {strides = array<i32>} : memref<56x128xf32, #tpu.memory_space<vmem>>, vector<1x16xf32>,
        %get3A_273 = arith.index_cast %scan3A_257 : i32 to index
        %get3A_274 = arith.constant 16 : index
        %get3A_275 = tpu.vector_load %arg12[%get3A_273, %get3A_274] {strides = array<i32>} : memref<56x128xf32, #tpu.memory_space<vmem>>, vector<1x16xf32>,
        %get3A_276 = vector.shape_cast %get3A_275 : vector<1x16xf32> to vector<16xf32>
        %add3A_277 = arith.addf %get3A_276, %get3A_103 : vector<16xf32>
        %get3A_278 = arith.index_cast %scan3A_257 : i32 to index
        %get3A_279 = arith.constant 16 : index
        %get3A_280 = tpu.vector_load %arg13[%get3A_278, %get3A_279] {strides = array<i32>} : memref<56x128xf32, #tpu.memory_space<vmem>>, vector<1x16xf32>,
        %get3A_281 = vector.shape_cast %get3A_280 : vector<1x16xf32> to vector<16xf32>
        %mul3A_282 = arith.mulf %exp3A_128, %get3A_281 : vector<16xf32>
        %add3A_283 = arith.addf %add3A_277, %mul3A_282 : vector<16xf32>
        %swap3A_284 = arith.index_cast %scan3A_257 : i32 to index
        %swap3A_285 = arith.constant 16 : index
        %swap3A_286 = tpu.vector_load %arg12[%swap3A_284, %swap3A_285] {strides = array<i32>} : memref<56x128xf32, #tpu.memory_space<vmem>>, vector<1x16xf32>,
        %swap3A_287 = vector.shape_cast %swap3A_286 : vector<1x16xf32> to vector<16xf32>
        %swap3A_288 = vector.shape_cast %add3A_283 : vector<16xf32> to vector<1x16xf32>
        tpu.vector_store %arg12[%swap3A_284, %swap3A_285], %swap3A_288 {strides = array<i32>} : memref<56x128xf32, #tpu.memory_space<vmem>>, vector<1x16xf32>,
        %get3A_289 = arith.index_cast %scan3A_257 : i32 to index
        %get3A_290 = arith.constant 32 : index
        %get3A_291 = tpu.vector_load %arg12[%get3A_289, %get3A_290] {strides = array<i32>} : memref<56x128xf32, #tpu.memory_space<vmem>>, vector<1x16xf32>,
        %get3A_292 = vector.shape_cast %get3A_291 : vector<1x16xf32> to vector<16xf32>
        %add3A_293 = arith.addf %get3A_292, %get3A_106 : vector<16xf32>
        %get3A_294 = arith.index_cast %scan3A_257 : i32 to index
        %get3A_295 = arith.constant 32 : index
        %get3A_296 = tpu.vector_load %arg13[%get3A_294, %get3A_295] {strides = array<i32>} : memref<56x128xf32, #tpu.memory_space<vmem>>, vector<1x16xf32>,
        %get3A_297 = vector.shape_cast %get3A_296 : vector<1x16xf32> to vector<16xf32>
        %mul3A_298 = arith.mulf %exp3A_132, %get3A_297 : vector<16xf32>
        %add3A_299 = arith.addf %add3A_293, %mul3A_298 : vector<16xf32>
        %swap3A_300 = arith.index_cast %scan3A_257 : i32 to index
        %swap3A_301 = arith.constant 32 : index
        %swap3A_302 = tpu.vector_load %arg12[%swap3A_300, %swap3A_301] {strides = array<i32>} : memref<56x128xf32, #tpu.memory_space<vmem>>, vector<1x16xf32>,
        %swap3A_303 = vector.shape_cast %swap3A_302 : vector<1x16xf32> to vector<16xf32>
        %swap3A_304 = vector.shape_cast %add3A_299 : vector<16xf32> to vector<1x16xf32>
        tpu.vector_store %arg12[%swap3A_300, %swap3A_301], %swap3A_304 {strides = array<i32>} : memref<56x128xf32, #tpu.memory_space<vmem>>, vector<1x16xf32>,
        %get3A_305 = arith.index_cast %scan3A_257 : i32 to index
        %get3A_306 = arith.constant 48 : index
        %get3A_307 = tpu.vector_load %arg12[%get3A_305, %get3A_306] {strides = array<i32>} : memref<56x128xf32, #tpu.memory_space<vmem>>, vector<1x16xf32>,
        %get3A_308 = vector.shape_cast %get3A_307 : vector<1x16xf32> to vector<16xf32>
        %add3A_309 = arith.addf %get3A_308, %get3A_109 : vector<16xf32>
        %get3A_310 = arith.index_cast %scan3A_257 : i32 to index
        %get3A_311 = arith.constant 48 : index
        %get3A_312 = tpu.vector_load %arg13[%get3A_310, %get3A_311] {strides = array<i32>} : memref<56x128xf32, #tpu.memory_space<vmem>>, vector<1x16xf32>,
        %get3A_313 = vector.shape_cast %get3A_312 : vector<1x16xf32> to vector<16xf32>
        %mul3A_314 = arith.mulf %exp3A_136, %get3A_313 : vector<16xf32>
        %add3A_315 = arith.addf %add3A_309, %mul3A_314 : vector<16xf32>
        %swap3A_316 = arith.index_cast %scan3A_257 : i32 to index
        %swap3A_317 = arith.constant 48 : index
        %swap3A_318 = tpu.vector_load %arg12[%swap3A_316, %swap3A_317] {strides = array<i32>} : memref<56x128xf32, #tpu.memory_space<vmem>>, vector<1x16xf32>,
        %swap3A_319 = vector.shape_cast %swap3A_318 : vector<1x16xf32> to vector<16xf32>
        %swap3A_320 = vector.shape_cast %add3A_315 : vector<16xf32> to vector<1x16xf32>
        tpu.vector_store %arg12[%swap3A_316, %swap3A_317], %swap3A_320 {strides = array<i32>} : memref<56x128xf32, #tpu.memory_space<vmem>>, vector<1x16xf32>,
        %get3A_321 = arith.index_cast %scan3A_257 : i32 to index
        %get3A_322 = arith.constant 64 : index
        %get3A_323 = tpu.vector_load %arg12[%get3A_321, %get3A_322] {strides = array<i32>} : memref<56x128xf32, #tpu.memory_space<vmem>>, vector<1x16xf32>,
        %get3A_324 = vector.shape_cast %get3A_323 : vector<1x16xf32> to vector<16xf32>
        %add3A_325 = arith.addf %get3A_324, %get3A_112 : vector<16xf32>
        %get3A_326 = arith.index_cast %scan3A_257 : i32 to index
        %get3A_327 = arith.constant 64 : index
        %get3A_328 = tpu.vector_load %arg13[%get3A_326, %get3A_327] {strides = array<i32>} : memref<56x128xf32, #tpu.memory_space<vmem>>, vector<1x16xf32>,
        %get3A_329 = vector.shape_cast %get3A_328 : vector<1x16xf32> to vector<16xf32>
        %mul3A_330 = arith.mulf %exp3A_140, %get3A_329 : vector<16xf32>
        %add3A_331 = arith.addf %add3A_325, %mul3A_330 : vector<16xf32>
        %swap3A_332 = arith.index_cast %scan3A_257 : i32 to index
        %swap3A_333 = arith.constant 64 : index
        %swap3A_334 = tpu.vector_load %arg12[%swap3A_332, %swap3A_333] {strides = array<i32>} : memref<56x128xf32, #tpu.memory_space<vmem>>, vector<1x16xf32>,
        %swap3A_335 = vector.shape_cast %swap3A_334 : vector<1x16xf32> to vector<16xf32>
        %swap3A_336 = vector.shape_cast %add3A_331 : vector<16xf32> to vector<1x16xf32>
        tpu.vector_store %arg12[%swap3A_332, %swap3A_333], %swap3A_336 {strides = array<i32>} : memref<56x128xf32, #tpu.memory_space<vmem>>, vector<1x16xf32>,
        %get3A_337 = arith.index_cast %scan3A_257 : i32 to index
        %get3A_338 = arith.constant 80 : index
        %get3A_339 = tpu.vector_load %arg12[%get3A_337, %get3A_338] {strides = array<i32>} : memref<56x128xf32, #tpu.memory_space<vmem>>, vector<1x16xf32>,
        %get3A_340 = vector.shape_cast %get3A_339 : vector<1x16xf32> to vector<16xf32>
        %add3A_341 = arith.addf %get3A_340, %get3A_115 : vector<16xf32>
        %get3A_342 = arith.index_cast %scan3A_257 : i32 to index
        %get3A_343 = arith.constant 80 : index
        %get3A_344 = tpu.vector_load %arg13[%get3A_342, %get3A_343] {strides = array<i32>} : memref<56x128xf32, #tpu.memory_space<vmem>>, vector<1x16xf32>,
        %get3A_345 = vector.shape_cast %get3A_344 : vector<1x16xf32> to vector<16xf32>
        %mul3A_346 = arith.mulf %exp3A_144, %get3A_345 : vector<16xf32>
        %add3A_347 = arith.addf %add3A_341, %mul3A_346 : vector<16xf32>
        %swap3A_348 = arith.index_cast %scan3A_257 : i32 to index
        %swap3A_349 = arith.constant 80 : index
        %swap3A_350 = tpu.vector_load %arg12[%swap3A_348, %swap3A_349] {strides = array<i32>} : memref<56x128xf32, #tpu.memory_space<vmem>>, vector<1x16xf32>,
        %swap3A_351 = vector.shape_cast %swap3A_350 : vector<1x16xf32> to vector<16xf32>
        %swap3A_352 = vector.shape_cast %add3A_347 : vector<16xf32> to vector<1x16xf32>
        tpu.vector_store %arg12[%swap3A_348, %swap3A_349], %swap3A_352 {strides = array<i32>} : memref<56x128xf32, #tpu.memory_space<vmem>>, vector<1x16xf32>,
        %get3A_353 = arith.index_cast %scan3A_257 : i32 to index
        %get3A_354 = arith.constant 96 : index
        %get3A_355 = tpu.vector_load %arg12[%get3A_353, %get3A_354] {strides = array<i32>} : memref<56x128xf32, #tpu.memory_space<vmem>>, vector<1x16xf32>,
        %get3A_356 = vector.shape_cast %get3A_355 : vector<1x16xf32> to vector<16xf32>
        %add3A_357 = arith.addf %get3A_356, %get3A_118 : vector<16xf32>
        %get3A_358 = arith.index_cast %scan3A_257 : i32 to index
        %get3A_359 = arith.constant 96 : index
        %get3A_360 = tpu.vector_load %arg13[%get3A_358, %get3A_359] {strides = array<i32>} : memref<56x128xf32, #tpu.memory_space<vmem>>, vector<1x16xf32>,
        %get3A_361 = vector.shape_cast %get3A_360 : vector<1x16xf32> to vector<16xf32>
        %mul3A_362 = arith.mulf %exp3A_148, %get3A_361 : vector<16xf32>
        %add3A_363 = arith.addf %add3A_357, %mul3A_362 : vector<16xf32>
        %swap3A_364 = arith.index_cast %scan3A_257 : i32 to index
        %swap3A_365 = arith.constant 96 : index
        %swap3A_366 = tpu.vector_load %arg12[%swap3A_364, %swap3A_365] {strides = array<i32>} : memref<56x128xf32, #tpu.memory_space<vmem>>, vector<1x16xf32>,
        %swap3A_367 = vector.shape_cast %swap3A_366 : vector<1x16xf32> to vector<16xf32>
        %swap3A_368 = vector.shape_cast %add3A_363 : vector<16xf32> to vector<1x16xf32>
        tpu.vector_store %arg12[%swap3A_364, %swap3A_365], %swap3A_368 {strides = array<i32>} : memref<56x128xf32, #tpu.memory_space<vmem>>, vector<1x16xf32>,
        %get3A_369 = arith.index_cast %scan3A_257 : i32 to index
        %get3A_370 = arith.constant 112 : index
        %get3A_371 = tpu.vector_load %arg12[%get3A_369, %get3A_370] {strides = array<i32>} : memref<56x128xf32, #tpu.memory_space<vmem>>, vector<1x16xf32>,
        %get3A_372 = vector.shape_cast %get3A_371 : vector<1x16xf32> to vector<16xf32>
        %add3A_373 = arith.addf %get3A_372, %get3A_121 : vector<16xf32>
        %get3A_374 = arith.index_cast %scan3A_257 : i32 to index
        %get3A_375 = arith.constant 112 : index
        %get3A_376 = tpu.vector_load %arg13[%get3A_374, %get3A_375] {strides = array<i32>} : memref<56x128xf32, #tpu.memory_space<vmem>>, vector<1x16xf32>,
        %get3A_377 = vector.shape_cast %get3A_376 : vector<1x16xf32> to vector<16xf32>
        %mul3A_378 = arith.mulf %exp3A_152, %get3A_377 : vector<16xf32>
        %add3A_379 = arith.addf %add3A_373, %mul3A_378 : vector<16xf32>
        %swap3A_380 = arith.index_cast %scan3A_257 : i32 to index
        %swap3A_381 = arith.constant 112 : index
        %swap3A_382 = tpu.vector_load %arg12[%swap3A_380, %swap3A_381] {strides = array<i32>} : memref<56x128xf32, #tpu.memory_space<vmem>>, vector<1x16xf32>,
        %swap3A_383 = vector.shape_cast %swap3A_382 : vector<1x16xf32> to vector<16xf32>
        %swap3A_384 = vector.shape_cast %add3A_379 : vector<16xf32> to vector<1x16xf32>
        tpu.vector_store %arg12[%swap3A_380, %swap3A_381], %swap3A_384 {strides = array<i32>} : memref<56x128xf32, #tpu.memory_space<vmem>>, vector<1x16xf32>,
      }
      %scan3A_234 = arith.constant 56 : i32
      %dma_start3A_235 = arith.constant 0 : i32
      %dma_start3A_236 = arith.constant 0 : i32
      %dma_start3A_237 = tpu.memref_slice %arg12[%dma_start3A_235, %dma_start3A_236] : memref<56x128xf32, #tpu.memory_space<vmem>> -> memref<56x128xf32, #tpu.memory_space<vmem>>
      %dma_start3A_238 = arith.constant 0 : i32
      %dma_start3A_239 = tpu.memref_slice %arg7[%add3A_9, %dma_start3A_238] : memref<100000x128xf32, #tpu.memory_space<hbm>> -> memref<56x128xf32, #tpu.memory_space<hbm>>
      %dma_start3A_240 = arith.constant 0 : i32
      %dma_start3A_241 = tpu.memref_slice %arg7[%add3A_9, %dma_start3A_240] : memref<100000x128xf32, #tpu.memory_space<hbm>> -> memref<56x128xf32, #tpu.memory_space<hbm>>
      %dma_start3A_242 = arith.constant 0 : i32
      %dma_start3A_243 = arith.constant 0 : i32
      %dma_start3A_244 = tpu.memref_slice %arg12[%dma_start3A_242, %dma_start3A_243] : memref<56x128xf32, #tpu.memory_space<vmem>> -> memref<56x128xf32, #tpu.memory_space<vmem>>
      tpu.enqueue_dma source(%dma_start3A_244 : memref<56x128xf32, #tpu.memory_space<vmem>>) target(%dma_start3A_241 : memref<56x128xf32, #tpu.memory_space<hbm>>) target_semaphore(%arg29 : memref<!tpu.dma_semaphore, #tpu.memory_space<semaphore_mem>>)
      %dma_wait3A_245 = arith.constant 0 : i32
      %dma_wait3A_246 = arith.constant 0 : i32
      %dma_wait3A_247 = tpu.memref_slice %arg12[%dma_wait3A_245, %dma_wait3A_246] : memref<56x128xf32, #tpu.memory_space<vmem>> -> memref<56x128xf32, #tpu.memory_space<vmem>>
      %dma_wait3A_248 = arith.constant 0 : i32
      %dma_wait3A_249 = arith.constant 0 : i32
      %dma_wait3A_250 = tpu.memref_slice %arg7[%dma_wait3A_248, %dma_wait3A_249] : memref<100000x128xf32, #tpu.memory_space<hbm>> -> memref<56x128xf32, #tpu.memory_space<hbm>>
      %dma_wait3A_251 = arith.constant 0 : i32
      %dma_wait3A_252 = arith.constant 0 : i32
      %dma_wait3A_253 = tpu.memref_slice %arg7[%dma_wait3A_251, %dma_wait3A_252] : memref<100000x128xf32, #tpu.memory_space<hbm>> -> memref<56x128xf32, #tpu.memory_space<hbm>>
      %dma_wait3A_254 = arith.constant 0 : i32
      %dma_wait3A_255 = arith.constant 0 : i32
      %dma_wait3A_256 = tpu.memref_slice %arg12[%dma_wait3A_254, %dma_wait3A_255] : memref<56x128xf32, #tpu.memory_space<vmem>> -> memref<56x128xf32, #tpu.memory_space<vmem>>
      tpu.wait_dma2 semaphore(%arg29 : memref<!tpu.dma_semaphore, #tpu.memory_space<semaphore_mem>>) src(%dma_wait3A_256 : memref<56x128xf32, #tpu.memory_space<vmem>>) dst(%dma_wait3A_253 : memref<56x128xf32, #tpu.memory_space<hbm>>)
    } else {
    }
    %not3A_160 = arith.constant true
    %not3A_161 = arith.xori %lt3A_1, %not3A_160 : i1
    %convert_element_type3A_162 = arith.extui %not3A_161 : i1 to i32
    %cond3A_163 = arith.constant 0 : i32
    %cond3A_164 = arith.cmpi ne, %convert_element_type3A_162, %cond3A_163 : i32
    scf.if %cond3A_164 {
      %dma_wait3A_210 = arith.constant 0 : i32
      %dma_wait3A_211 = arith.constant 0 : i32
      %dma_wait3A_212 = tpu.memref_slice %arg12[%dma_wait3A_210, %dma_wait3A_211] : memref<56x128xf32, #tpu.memory_space<vmem>> -> memref<48x128xf32, #tpu.memory_space<vmem>>
      %dma_wait3A_213 = arith.constant 0 : i32
      %dma_wait3A_214 = tpu.memref_slice %arg8[%dma_wait3A_213] : memref<3128xi32, #tpu.memory_space<vmem>> -> memref<48xi32, #tpu.memory_space<vmem>>
      %dma_wait3A_215 = arith.constant 0 : i32
      %dma_wait3A_216 = arith.constant 0 : i32
      %dma_wait3A_217 = tpu.memref_slice %arg4[%dma_wait3A_215, %dma_wait3A_216] : memref<100000x128xf32, #tpu.memory_space<hbm>> -> memref<100000x128xf32, #tpu.memory_space<hbm>>
      tpu.wait_indirect_dma semaphore(%arg28 : memref<!tpu.dma_semaphore, #tpu.memory_space<semaphore_mem>>) src(%dma_wait3A_217 : memref<100000x128xf32, #tpu.memory_space<hbm>>) dst(%dma_wait3A_212 : memref<48x128xf32, #tpu.memory_space<vmem>>)
      %dma_wait3A_218 = arith.constant 0 : i32
      %dma_wait3A_219 = arith.constant 0 : i32
      %dma_wait3A_220 = tpu.memref_slice %arg13[%dma_wait3A_218, %dma_wait3A_219] : memref<56x128xf32, #tpu.memory_space<vmem>> -> memref<48x128xf32, #tpu.memory_space<vmem>>
      %dma_wait3A_221 = arith.constant 0 : i32
      %dma_wait3A_222 = arith.constant 0 : i32
      %dma_wait3A_223 = tpu.memref_slice %arg3[%dma_wait3A_221, %dma_wait3A_222] : memref<100000x128xf32, #tpu.memory_space<hbm>> -> memref<48x128xf32, #tpu.memory_space<hbm>>
      %dma_wait3A_224 = arith.constant 0 : i32
      %dma_wait3A_225 = arith.constant 0 : i32
      %dma_wait3A_226 = tpu.memref_slice %arg13[%dma_wait3A_224, %dma_wait3A_225] : memref<56x128xf32, #tpu.memory_space<vmem>> -> memref<48x128xf32, #tpu.memory_space<vmem>>
      %dma_wait3A_227 = arith.constant 0 : i32
      %dma_wait3A_228 = arith.constant 0 : i32
      %dma_wait3A_229 = tpu.memref_slice %arg3[%dma_wait3A_227, %dma_wait3A_228] : memref<100000x128xf32, #tpu.memory_space<hbm>> -> memref<48x128xf32, #tpu.memory_space<hbm>>
      tpu.wait_dma2 semaphore(%arg28 : memref<!tpu.dma_semaphore, #tpu.memory_space<semaphore_mem>>) src(%dma_wait3A_229 : memref<48x128xf32, #tpu.memory_space<hbm>>) dst(%dma_wait3A_226 : memref<48x128xf32, #tpu.memory_space<vmem>>)
      %scan3A_230 = arith.constant 0 : i32
      %scan3A_231 = arith.constant 48 : i32
      %scan3A_232 = arith.addi %scan3A_230, %scan3A_231 : i32
      %scan3A_233 = arith.constant 1 : i32
      scf.for %scan3A_257 = %scan3A_230 to %scan3A_232 step %scan3A_233  : i32 {
        %get3A_258 = arith.index_cast %scan3A_257 : i32 to index
        %get3A_259 = arith.constant 0 : index
        %get3A_260 = tpu.vector_load %arg12[%get3A_258, %get3A_259] {strides = array<i32>} : memref<56x128xf32, #tpu.memory_space<vmem>>, vector<1x16xf32>,
        %get3A_261 = vector.shape_cast %get3A_260 : vector<1x16xf32> to vector<16xf32>
        %add3A_262 = arith.addf %get3A_261, %get3A_100 : vector<16xf32>
        %get3A_263 = arith.index_cast %scan3A_257 : i32 to index
        %get3A_264 = arith.constant 0 : index
        %get3A_265 = tpu.vector_load %arg13[%get3A_263, %get3A_264] {strides = array<i32>} : memref<56x128xf32, #tpu.memory_space<vmem>>, vector<1x16xf32>,
        %get3A_266 = vector.shape_cast %get3A_265 : vector<1x16xf32> to vector<16xf32>
        %mul3A_267 = arith.mulf %exp3A, %get3A_266 : vector<16xf32>
        %add3A_268 = arith.addf %add3A_262, %mul3A_267 : vector<16xf32>
        %swap3A = arith.index_cast %scan3A_257 : i32 to index
        %swap3A_269 = arith.constant 0 : index
        %swap3A_270 = tpu.vector_load %arg12[%swap3A, %swap3A_269] {strides = array<i32>} : memref<56x128xf32, #tpu.memory_space<vmem>>, vector<1x16xf32>,
        %swap3A_271 = vector.shape_cast %swap3A_270 : vector<1x16xf32> to vector<16xf32>
        %swap3A_272 = vector.shape_cast %add3A_268 : vector<16xf32> to vector<1x16xf32>
        tpu.vector_store %arg12[%swap3A, %swap3A_269], %swap3A_272 {strides = array<i32>} : memref<56x128xf32, #tpu.memory_space<vmem>>, vector<1x16xf32>,
        %get3A_273 = arith.index_cast %scan3A_257 : i32 to index
        %get3A_274 = arith.constant 16 : index
        %get3A_275 = tpu.vector_load %arg12[%get3A_273, %get3A_274] {strides = array<i32>} : memref<56x128xf32, #tpu.memory_space<vmem>>, vector<1x16xf32>,
        %get3A_276 = vector.shape_cast %get3A_275 : vector<1x16xf32> to vector<16xf32>
        %add3A_277 = arith.addf %get3A_276, %get3A_103 : vector<16xf32>
        %get3A_278 = arith.index_cast %scan3A_257 : i32 to index
        %get3A_279 = arith.constant 16 : index
        %get3A_280 = tpu.vector_load %arg13[%get3A_278, %get3A_279] {strides = array<i32>} : memref<56x128xf32, #tpu.memory_space<vmem>>, vector<1x16xf32>,
        %get3A_281 = vector.shape_cast %get3A_280 : vector<1x16xf32> to vector<16xf32>
        %mul3A_282 = arith.mulf %exp3A_128, %get3A_281 : vector<16xf32>
        %add3A_283 = arith.addf %add3A_277, %mul3A_282 : vector<16xf32>
        %swap3A_284 = arith.index_cast %scan3A_257 : i32 to index
        %swap3A_285 = arith.constant 16 : index
        %swap3A_286 = tpu.vector_load %arg12[%swap3A_284, %swap3A_285] {strides = array<i32>} : memref<56x128xf32, #tpu.memory_space<vmem>>, vector<1x16xf32>,
        %swap3A_287 = vector.shape_cast %swap3A_286 : vector<1x16xf32> to vector<16xf32>
        %swap3A_288 = vector.shape_cast %add3A_283 : vector<16xf32> to vector<1x16xf32>
        tpu.vector_store %arg12[%swap3A_284, %swap3A_285], %swap3A_288 {strides = array<i32>} : memref<56x128xf32, #tpu.memory_space<vmem>>, vector<1x16xf32>,
        %get3A_289 = arith.index_cast %scan3A_257 : i32 to index
        %get3A_290 = arith.constant 32 : index
        %get3A_291 = tpu.vector_load %arg12[%get3A_289, %get3A_290] {strides = array<i32>} : memref<56x128xf32, #tpu.memory_space<vmem>>, vector<1x16xf32>,
        %get3A_292 = vector.shape_cast %get3A_291 : vector<1x16xf32> to vector<16xf32>
        %add3A_293 = arith.addf %get3A_292, %get3A_106 : vector<16xf32>
        %get3A_294 = arith.index_cast %scan3A_257 : i32 to index
        %get3A_295 = arith.constant 32 : index
        %get3A_296 = tpu.vector_load %arg13[%get3A_294, %get3A_295] {strides = array<i32>} : memref<56x128xf32, #tpu.memory_space<vmem>>, vector<1x16xf32>,
        %get3A_297 = vector.shape_cast %get3A_296 : vector<1x16xf32> to vector<16xf32>
        %mul3A_298 = arith.mulf %exp3A_132, %get3A_297 : vector<16xf32>
        %add3A_299 = arith.addf %add3A_293, %mul3A_298 : vector<16xf32>
        %swap3A_300 = arith.index_cast %scan3A_257 : i32 to index
        %swap3A_301 = arith.constant 32 : index
        %swap3A_302 = tpu.vector_load %arg12[%swap3A_300, %swap3A_301] {strides = array<i32>} : memref<56x128xf32, #tpu.memory_space<vmem>>, vector<1x16xf32>,
        %swap3A_303 = vector.shape_cast %swap3A_302 : vector<1x16xf32> to vector<16xf32>
        %swap3A_304 = vector.shape_cast %add3A_299 : vector<16xf32> to vector<1x16xf32>
        tpu.vector_store %arg12[%swap3A_300, %swap3A_301], %swap3A_304 {strides = array<i32>} : memref<56x128xf32, #tpu.memory_space<vmem>>, vector<1x16xf32>,
        %get3A_305 = arith.index_cast %scan3A_257 : i32 to index
        %get3A_306 = arith.constant 48 : index
        %get3A_307 = tpu.vector_load %arg12[%get3A_305, %get3A_306] {strides = array<i32>} : memref<56x128xf32, #tpu.memory_space<vmem>>, vector<1x16xf32>,
        %get3A_308 = vector.shape_cast %get3A_307 : vector<1x16xf32> to vector<16xf32>
        %add3A_309 = arith.addf %get3A_308, %get3A_109 : vector<16xf32>
        %get3A_310 = arith.index_cast %scan3A_257 : i32 to index
        %get3A_311 = arith.constant 48 : index
        %get3A_312 = tpu.vector_load %arg13[%get3A_310, %get3A_311] {strides = array<i32>} : memref<56x128xf32, #tpu.memory_space<vmem>>, vector<1x16xf32>,
        %get3A_313 = vector.shape_cast %get3A_312 : vector<1x16xf32> to vector<16xf32>
        %mul3A_314 = arith.mulf %exp3A_136, %get3A_313 : vector<16xf32>
        %add3A_315 = arith.addf %add3A_309, %mul3A_314 : vector<16xf32>
        %swap3A_316 = arith.index_cast %scan3A_257 : i32 to index
        %swap3A_317 = arith.constant 48 : index
        %swap3A_318 = tpu.vector_load %arg12[%swap3A_316, %swap3A_317] {strides = array<i32>} : memref<56x128xf32, #tpu.memory_space<vmem>>, vector<1x16xf32>,
        %swap3A_319 = vector.shape_cast %swap3A_318 : vector<1x16xf32> to vector<16xf32>
        %swap3A_320 = vector.shape_cast %add3A_315 : vector<16xf32> to vector<1x16xf32>
        tpu.vector_store %arg12[%swap3A_316, %swap3A_317], %swap3A_320 {strides = array<i32>} : memref<56x128xf32, #tpu.memory_space<vmem>>, vector<1x16xf32>,
        %get3A_321 = arith.index_cast %scan3A_257 : i32 to index
        %get3A_322 = arith.constant 64 : index
        %get3A_323 = tpu.vector_load %arg12[%get3A_321, %get3A_322] {strides = array<i32>} : memref<56x128xf32, #tpu.memory_space<vmem>>, vector<1x16xf32>,
        %get3A_324 = vector.shape_cast %get3A_323 : vector<1x16xf32> to vector<16xf32>
        %add3A_325 = arith.addf %get3A_324, %get3A_112 : vector<16xf32>
        %get3A_326 = arith.index_cast %scan3A_257 : i32 to index
        %get3A_327 = arith.constant 64 : index
        %get3A_328 = tpu.vector_load %arg13[%get3A_326, %get3A_327] {strides = array<i32>} : memref<56x128xf32, #tpu.memory_space<vmem>>, vector<1x16xf32>,
        %get3A_329 = vector.shape_cast %get3A_328 : vector<1x16xf32> to vector<16xf32>
        %mul3A_330 = arith.mulf %exp3A_140, %get3A_329 : vector<16xf32>
        %add3A_331 = arith.addf %add3A_325, %mul3A_330 : vector<16xf32>
        %swap3A_332 = arith.index_cast %scan3A_257 : i32 to index
        %swap3A_333 = arith.constant 64 : index
        %swap3A_334 = tpu.vector_load %arg12[%swap3A_332, %swap3A_333] {strides = array<i32>} : memref<56x128xf32, #tpu.memory_space<vmem>>, vector<1x16xf32>,
        %swap3A_335 = vector.shape_cast %swap3A_334 : vector<1x16xf32> to vector<16xf32>
        %swap3A_336 = vector.shape_cast %add3A_331 : vector<16xf32> to vector<1x16xf32>
        tpu.vector_store %arg12[%swap3A_332, %swap3A_333], %swap3A_336 {strides = array<i32>} : memref<56x128xf32, #tpu.memory_space<vmem>>, vector<1x16xf32>,
        %get3A_337 = arith.index_cast %scan3A_257 : i32 to index
        %get3A_338 = arith.constant 80 : index
        %get3A_339 = tpu.vector_load %arg12[%get3A_337, %get3A_338] {strides = array<i32>} : memref<56x128xf32, #tpu.memory_space<vmem>>, vector<1x16xf32>,
        %get3A_340 = vector.shape_cast %get3A_339 : vector<1x16xf32> to vector<16xf32>
        %add3A_341 = arith.addf %get3A_340, %get3A_115 : vector<16xf32>
        %get3A_342 = arith.index_cast %scan3A_257 : i32 to index
        %get3A_343 = arith.constant 80 : index
        %get3A_344 = tpu.vector_load %arg13[%get3A_342, %get3A_343] {strides = array<i32>} : memref<56x128xf32, #tpu.memory_space<vmem>>, vector<1x16xf32>,
        %get3A_345 = vector.shape_cast %get3A_344 : vector<1x16xf32> to vector<16xf32>
        %mul3A_346 = arith.mulf %exp3A_144, %get3A_345 : vector<16xf32>
        %add3A_347 = arith.addf %add3A_341, %mul3A_346 : vector<16xf32>
        %swap3A_348 = arith.index_cast %scan3A_257 : i32 to index
        %swap3A_349 = arith.constant 80 : index
        %swap3A_350 = tpu.vector_load %arg12[%swap3A_348, %swap3A_349] {strides = array<i32>} : memref<56x128xf32, #tpu.memory_space<vmem>>, vector<1x16xf32>,
        %swap3A_351 = vector.shape_cast %swap3A_350 : vector<1x16xf32> to vector<16xf32>
        %swap3A_352 = vector.shape_cast %add3A_347 : vector<16xf32> to vector<1x16xf32>
        tpu.vector_store %arg12[%swap3A_348, %swap3A_349], %swap3A_352 {strides = array<i32>} : memref<56x128xf32, #tpu.memory_space<vmem>>, vector<1x16xf32>,
        %get3A_353 = arith.index_cast %scan3A_257 : i32 to index
        %get3A_354 = arith.constant 96 : index
        %get3A_355 = tpu.vector_load %arg12[%get3A_353, %get3A_354] {strides = array<i32>} : memref<56x128xf32, #tpu.memory_space<vmem>>, vector<1x16xf32>,
        %get3A_356 = vector.shape_cast %get3A_355 : vector<1x16xf32> to vector<16xf32>
        %add3A_357 = arith.addf %get3A_356, %get3A_118 : vector<16xf32>
        %get3A_358 = arith.index_cast %scan3A_257 : i32 to index
        %get3A_359 = arith.constant 96 : index
        %get3A_360 = tpu.vector_load %arg13[%get3A_358, %get3A_359] {strides = array<i32>} : memref<56x128xf32, #tpu.memory_space<vmem>>, vector<1x16xf32>,
        %get3A_361 = vector.shape_cast %get3A_360 : vector<1x16xf32> to vector<16xf32>
        %mul3A_362 = arith.mulf %exp3A_148, %get3A_361 : vector<16xf32>
        %add3A_363 = arith.addf %add3A_357, %mul3A_362 : vector<16xf32>
        %swap3A_364 = arith.index_cast %scan3A_257 : i32 to index
        %swap3A_365 = arith.constant 96 : index
        %swap3A_366 = tpu.vector_load %arg12[%swap3A_364, %swap3A_365] {strides = array<i32>} : memref<56x128xf32, #tpu.memory_space<vmem>>, vector<1x16xf32>,
        %swap3A_367 = vector.shape_cast %swap3A_366 : vector<1x16xf32> to vector<16xf32>
        %swap3A_368 = vector.shape_cast %add3A_363 : vector<16xf32> to vector<1x16xf32>
        tpu.vector_store %arg12[%swap3A_364, %swap3A_365], %swap3A_368 {strides = array<i32>} : memref<56x128xf32, #tpu.memory_space<vmem>>, vector<1x16xf32>,
        %get3A_369 = arith.index_cast %scan3A_257 : i32 to index
        %get3A_370 = arith.constant 112 : index
        %get3A_371 = tpu.vector_load %arg12[%get3A_369, %get3A_370] {strides = array<i32>} : memref<56x128xf32, #tpu.memory_space<vmem>>, vector<1x16xf32>,
        %get3A_372 = vector.shape_cast %get3A_371 : vector<1x16xf32> to vector<16xf32>
        %add3A_373 = arith.addf %get3A_372, %get3A_121 : vector<16xf32>
        %get3A_374 = arith.index_cast %scan3A_257 : i32 to index
        %get3A_375 = arith.constant 112 : index
        %get3A_376 = tpu.vector_load %arg13[%get3A_374, %get3A_375] {strides = array<i32>} : memref<56x128xf32, #tpu.memory_space<vmem>>, vector<1x16xf32>,
        %get3A_377 = vector.shape_cast %get3A_376 : vector<1x16xf32> to vector<16xf32>
        %mul3A_378 = arith.mulf %exp3A_152, %get3A_377 : vector<16xf32>
        %add3A_379 = arith.addf %add3A_373, %mul3A_378 : vector<16xf32>
        %swap3A_380 = arith.index_cast %scan3A_257 : i32 to index
        %swap3A_381 = arith.constant 112 : index
        %swap3A_382 = tpu.vector_load %arg12[%swap3A_380, %swap3A_381] {strides = array<i32>} : memref<56x128xf32, #tpu.memory_space<vmem>>, vector<1x16xf32>,
        %swap3A_383 = vector.shape_cast %swap3A_382 : vector<1x16xf32> to vector<16xf32>
        %swap3A_384 = vector.shape_cast %add3A_379 : vector<16xf32> to vector<1x16xf32>
        tpu.vector_store %arg12[%swap3A_380, %swap3A_381], %swap3A_384 {strides = array<i32>} : memref<56x128xf32, #tpu.memory_space<vmem>>, vector<1x16xf32>,
      }
      %scan3A_234 = arith.constant 48 : i32
      %dma_start3A_235 = arith.constant 0 : i32
      %dma_start3A_236 = arith.constant 0 : i32
      %dma_start3A_237 = tpu.memref_slice %arg12[%dma_start3A_235, %dma_start3A_236] : memref<56x128xf32, #tpu.memory_space<vmem>> -> memref<48x128xf32, #tpu.memory_space<vmem>>
      %dma_start3A_238 = arith.constant 0 : i32
      %dma_start3A_239 = tpu.memref_slice %arg7[%add3A_9, %dma_start3A_238] : memref<100000x128xf32, #tpu.memory_space<hbm>> -> memref<48x128xf32, #tpu.memory_space<hbm>>
      %dma_start3A_240 = arith.constant 0 : i32
      %dma_start3A_241 = tpu.memref_slice %arg7[%add3A_9, %dma_start3A_240] : memref<100000x128xf32, #tpu.memory_space<hbm>> -> memref<48x128xf32, #tpu.memory_space<hbm>>
      %dma_start3A_242 = arith.constant 0 : i32
      %dma_start3A_243 = arith.constant 0 : i32
      %dma_start3A_244 = tpu.memref_slice %arg12[%dma_start3A_242, %dma_start3A_243] : memref<56x128xf32, #tpu.memory_space<vmem>> -> memref<48x128xf32, #tpu.memory_space<vmem>>
      tpu.enqueue_dma source(%dma_start3A_244 : memref<48x128xf32, #tpu.memory_space<vmem>>) target(%dma_start3A_241 : memref<48x128xf32, #tpu.memory_space<hbm>>) target_semaphore(%arg29 : memref<!tpu.dma_semaphore, #tpu.memory_space<semaphore_mem>>)
      %dma_wait3A_245 = arith.constant 0 : i32
      %dma_wait3A_246 = arith.constant 0 : i32
      %dma_wait3A_247 = tpu.memref_slice %arg12[%dma_wait3A_245, %dma_wait3A_246] : memref<56x128xf32, #tpu.memory_space<vmem>> -> memref<48x128xf32, #tpu.memory_space<vmem>>
      %dma_wait3A_248 = arith.constant 0 : i32
      %dma_wait3A_249 = arith.constant 0 : i32
      %dma_wait3A_250 = tpu.memref_slice %arg7[%dma_wait3A_248, %dma_wait3A_249] : memref<100000x128xf32, #tpu.memory_space<hbm>> -> memref<48x128xf32, #tpu.memory_space<hbm>>
      %dma_wait3A_251 = arith.constant 0 : i32
      %dma_wait3A_252 = arith.constant 0 : i32
      %dma_wait3A_253 = tpu.memref_slice %arg7[%dma_wait3A_251, %dma_wait3A_252] : memref<100000x128xf32, #tpu.memory_space<hbm>> -> memref<48x128xf32, #tpu.memory_space<hbm>>
      %dma_wait3A_254 = arith.constant 0 : i32
      %dma_wait3A_255 = arith.constant 0 : i32
      %dma_wait3A_256 = tpu.memref_slice %arg12[%dma_wait3A_254, %dma_wait3A_255] : memref<56x128xf32, #tpu.memory_space<vmem>> -> memref<48x128xf32, #tpu.memory_space<vmem>>
      tpu.wait_dma2 semaphore(%arg29 : memref<!tpu.dma_semaphore, #tpu.memory_space<semaphore_mem>>) src(%dma_wait3A_256 : memref<48x128xf32, #tpu.memory_space<vmem>>) dst(%dma_wait3A_253 : memref<48x128xf32, #tpu.memory_space<hbm>>)
    } else {
    }
    %dma_wait3A_165 = arith.constant 0 : i32
    %dma_wait3A_166 = arith.constant 0 : i32
    %dma_wait3A_167 = arith.constant 0 : i32
    %dma_wait3A_168 = tpu.memref_slice %arg10[%dma_wait3A_165, %dma_wait3A_166, %dma_wait3A_167] : memref<3x128x128xf32, #tpu.memory_space<vmem>> -> memref<1x128x128xf32, #tpu.memory_space<vmem>>
    %dma_wait3A_169 = tpu.memref_squeeze %dma_wait3A_168 : memref<1x128x128xf32, #tpu.memory_space<vmem>> -> memref<128x128xf32, #tpu.memory_space<vmem>>
    %dma_wait3A_170 = arith.constant 0 : i32
    %dma_wait3A_171 = arith.constant 0 : i32
    %dma_wait3A_172 = tpu.memref_slice %arg7[%dma_wait3A_170, %dma_wait3A_171] : memref<100000x128xf32, #tpu.memory_space<hbm>> -> memref<128x128xf32, #tpu.memory_space<hbm>>
    %dma_wait3A_173 = arith.constant 0 : i32
    %dma_wait3A_174 = arith.constant 0 : i32
    %dma_wait3A_175 = tpu.memref_slice %arg7[%dma_wait3A_173, %dma_wait3A_174] : memref<100000x128xf32, #tpu.memory_space<hbm>> -> memref<128x128xf32, #tpu.memory_space<hbm>>
    %dma_wait3A_176 = arith.constant 0 : i32
    %dma_wait3A_177 = arith.constant 0 : i32
    %dma_wait3A_178 = tpu.memref_slice %arg10[%dma_wait3A_165, %dma_wait3A_176, %dma_wait3A_177] : memref<3x128x128xf32, #tpu.memory_space<vmem>> -> memref<1x128x128xf32, #tpu.memory_space<vmem>>
    %dma_wait3A_179 = tpu.memref_squeeze %dma_wait3A_178 : memref<1x128x128xf32, #tpu.memory_space<vmem>> -> memref<128x128xf32, #tpu.memory_space<vmem>>
    tpu.wait_dma2 semaphore(%arg22 : memref<!tpu.dma_semaphore, #tpu.memory_space<semaphore_mem>>) src(%dma_wait3A_179 : memref<128x128xf32, #tpu.memory_space<vmem>>) dst(%dma_wait3A_175 : memref<128x128xf32, #tpu.memory_space<hbm>>)
    %dma_wait3A_180 = arith.constant 1 : i32
    %dma_wait3A_181 = arith.constant 0 : i32
    %dma_wait3A_182 = arith.constant 0 : i32
    %dma_wait3A_183 = tpu.memref_slice %arg10[%dma_wait3A_180, %dma_wait3A_181, %dma_wait3A_182] : memref<3x128x128xf32, #tpu.memory_space<vmem>> -> memref<1x128x128xf32, #tpu.memory_space<vmem>>
    %dma_wait3A_184 = tpu.memref_squeeze %dma_wait3A_183 : memref<1x128x128xf32, #tpu.memory_space<vmem>> -> memref<128x128xf32, #tpu.memory_space<vmem>>
    %dma_wait3A_185 = arith.constant 0 : i32
    %dma_wait3A_186 = arith.constant 0 : i32
    %dma_wait3A_187 = tpu.memref_slice %arg7[%dma_wait3A_185, %dma_wait3A_186] : memref<100000x128xf32, #tpu.memory_space<hbm>> -> memref<128x128xf32, #tpu.memory_space<hbm>>
    %dma_wait3A_188 = arith.constant 0 : i32
    %dma_wait3A_189 = arith.constant 0 : i32
    %dma_wait3A_190 = tpu.memref_slice %arg7[%dma_wait3A_188, %dma_wait3A_189] : memref<100000x128xf32, #tpu.memory_space<hbm>> -> memref<128x128xf32, #tpu.memory_space<hbm>>
    %dma_wait3A_191 = arith.constant 0 : i32
    %dma_wait3A_192 = arith.constant 0 : i32
    %dma_wait3A_193 = tpu.memref_slice %arg10[%dma_wait3A_180, %dma_wait3A_191, %dma_wait3A_192] : memref<3x128x128xf32, #tpu.memory_space<vmem>> -> memref<1x128x128xf32, #tpu.memory_space<vmem>>
    %dma_wait3A_194 = tpu.memref_squeeze %dma_wait3A_193 : memref<1x128x128xf32, #tpu.memory_space<vmem>> -> memref<128x128xf32, #tpu.memory_space<vmem>>
    tpu.wait_dma2 semaphore(%arg23 : memref<!tpu.dma_semaphore, #tpu.memory_space<semaphore_mem>>) src(%dma_wait3A_194 : memref<128x128xf32, #tpu.memory_space<vmem>>) dst(%dma_wait3A_190 : memref<128x128xf32, #tpu.memory_space<hbm>>)
    %dma_wait3A_195 = arith.constant 2 : i32
    %dma_wait3A_196 = arith.constant 0 : i32
    %dma_wait3A_197 = arith.constant 0 : i32
    %dma_wait3A_198 = tpu.memref_slice %arg10[%dma_wait3A_195, %dma_wait3A_196, %dma_wait3A_197] : memref<3x128x128xf32, #tpu.memory_space<vmem>> -> memref<1x128x128xf32, #tpu.memory_space<vmem>>
    %dma_wait3A_199 = tpu.memref_squeeze %dma_wait3A_198 : memref<1x128x128xf32, #tpu.memory_space<vmem>> -> memref<128x128xf32, #tpu.memory_space<vmem>>
    %dma_wait3A_200 = arith.constant 0 : i32
    %dma_wait3A_201 = arith.constant 0 : i32
    %dma_wait3A_202 = tpu.memref_slice %arg7[%dma_wait3A_200, %dma_wait3A_201] : memref<100000x128xf32, #tpu.memory_space<hbm>> -> memref<128x128xf32, #tpu.memory_space<hbm>>
    %dma_wait3A_203 = arith.constant 0 : i32
    %dma_wait3A_204 = arith.constant 0 : i32
    %dma_wait3A_205 = tpu.memref_slice %arg7[%dma_wait3A_203, %dma_wait3A_204] : memref<100000x128xf32, #tpu.memory_space<hbm>> -> memref<128x128xf32, #tpu.memory_space<hbm>>
    %dma_wait3A_206 = arith.constant 0 : i32
    %dma_wait3A_207 = arith.constant 0 : i32
    %dma_wait3A_208 = tpu.memref_slice %arg10[%dma_wait3A_195, %dma_wait3A_206, %dma_wait3A_207] : memref<3x128x128xf32, #tpu.memory_space<vmem>> -> memref<1x128x128xf32, #tpu.memory_space<vmem>>
    %dma_wait3A_209 = tpu.memref_squeeze %dma_wait3A_208 : memref<1x128x128xf32, #tpu.memory_space<vmem>> -> memref<128x128xf32, #tpu.memory_space<vmem>>
    tpu.wait_dma2 semaphore(%arg24 : memref<!tpu.dma_semaphore, #tpu.memory_space<semaphore_mem>>) src(%dma_wait3A_209 : memref<128x128xf32, #tpu.memory_space<vmem>>) dst(%dma_wait3A_205 : memref<128x128xf32, #tpu.memory_space<hbm>>)
    return
  }
}

</mosaic_0001>

<sc_bundles>
// kernel: _run.3.cloned.1.call-start
scs
__scs_entry_jumppad:
0x0: {  	(pc) =	sbr.rel $0x88, $3  }
0x1: {  	(tag) =	ssettag $0x0;
	lr =	simm.s32 $0x1  }
0x2: {  	[smem:$0x3F9C] =	sst lr;
	_ =	strace $0xD0000000  }
0x3: {  	_ = 	snop  }
0x4: {  	_ = 	snop  }
0x5: {  	_ = 	snop  }
0x6: {  	_ = 	snop  }
0x7: {  	_ = 	snop  }
__scs_overlays_trampoline_lowered:
0x8: {  	[smem:$0x3FAB] =	sst s0  }
0x9: {  	[smem:$0x3FAC] =	sst s1  }
0xa: {  	[smem:$0x3FAD] =	sst s2  }
0xb: {  	[smem:$0x3FAE] =	sst s3  }
0xc: {  	[smem:$0x3FAF] =	sst s4  }
0xd: {  	[smem:$0x3FB0] =	sst s5  }
0xe: {  	[smem:$0x3FB1] =	sst s6  }
0xf: {  	[smem:$0x3FB2] =	sst s7  }
0x10: {  	[smem:$0x3FB3] =	sst s8  }
0x11: {  	[smem:$0x3FB4] =	sst s9;
	s0 =	simm.s32 @!p0 $0x0  }
0x12: {  	s1 =	sld [smem:$0x3F9A];
	s0 =	simm.s32 @p0 $0x1  }
0x13: {  	[smem:$0x3FB5] =	sst s0;
	s0 =	simm.s32 @!p1 $0x0  }
0x14: {  	s2 =	sld [smem:$0x3F99];
	s0 =	simm.s32 @p1 $0x1  }
0x15: {  	[smem:$0x3FB6] =	sst s0;
	s0 =	simm.s32 @!p2 $0x0  }
0x16: {  	s3 =	sld [smem:$0x3FDB];
	s0 =	simm.s32 @p2 $0x1  }
0x17: {  	s4 =	simm.s32 $0x1BF5;
	[smem:$0x3FB8] =	sst s0  }
0x18: {  	s0 =	sld [smem:$0x3F9B];
	_ =	swait.ge [sflag:s4], $0x0  }
0x19: {  	s7 =	sld [smem:$0x3F9C]  }
0x1a: {  	s8 =	sadd.s32 $0xFFFFE003, lr  }
0x1b: {  	s9 =	sadd.s32 $0xFFFFFEF7, lr;
	s5 =	simm.s32 $0xFFFFFFFF;
	p2 =	slt.u32 s8, $0xFFFFF086  }
0x1c: {  	p1 =	slt.u32 s9, $0xF7A;
	s5 =	simm.s32 @!p2 $0x0  }
0x1d: {  	s5 =	simm.s32 @p1 $0x1;
	p0 =	seq.s32 s7, s2  }
0x1e: {  	s7 =	smul.u32 @!p0 $0xF7A, s2;
	p2 =	seq.s32 @!p0 s5, $0x0  }
0x1f: {  	s9 =	smul.u32 $0xF7A, s1;
	s8 =	simm.s32 @!p0 $0x1BF5;
	p2 =	por !p2, p0  }
0x20: {  	[sflag:s8] =	ssyncset.s32 @!p0 $0xFFFFF086;
	s6 =	sadd.s32 @!p0 s3, s7;
	s7 =	simm.s32 @!p0 $0x108  }
0x21: {  	s3 =	sadd.s32 s3, s9;
	s6 =	sadd.s32 @!p0 $0x88, s6;
	s7 =	simm.s32 @p2 $0x1082  }
0x22: {  	[simem:s7], [sflag:s8] =	dma.local @!p0 [hbm:s6], $0xF7A  }
0x23: {  	s9 =	sor.u32 $0xD0000000, s2;
	s6 =	simm.s32 $0x108;
	_ =	swait.ge @!p0 [sflag:s8], $0x0  }
0x24: {  	s3 =	sadd.s32 $0x88, s3;
	s6 =	simm.s32 @!p1 $0x1082;
	[sflag:s4] =	ssyncset.s32 $0xFFFFF086  }
0x25: {  	[simem:s6], [sflag:s4] =	dma.local [hbm:s3], $0xF7A  }
0x26: {  	[smem:$0x3F9C] =	sst s1;
	(tag) =	ssettag s2;
	_ =	strace s9  }
0x27: {  	s1 =	sld [smem:$0x3FAC]  }
0x28: {  	s2 =	sld [smem:$0x3FAD]  }
0x29: {  	s4 =	sld [smem:$0x3FAF]  }
0x2a: {  	p0 =	seq.s32 s5, $0x0;
	s5 =	sld [smem:$0x3FB0]  }
0x2b: {  	s6 =	sld [smem:$0x3FB1]  }
0x2c: {  	s7 =	sld [smem:$0x3FB2]  }
0x2d: {  	s3 =	simm.s32 $0x108;
	s8 =	sld [smem:$0x3FB3]  }
0x2e: {  	s3 =	simm.s32 @!p0 $0x1082;
	s9 =	sld [smem:$0x3FB4]  }
0x2f: {  	lr =	sadd.s32 s0, s3;
	s0 =	sld [smem:$0x3FAB]  }
0x30: {  	s3 =	sld [smem:$0x3FAE]  }
0x31: {  	[smem:$0x3FB7] =	sst s10  }
0x32: {  	s10 =	sld [smem:$0x3FB5];
	_ =	sdelay $0x3  }
0x33: {  	p0 =	seq.s32 s10, $0x1;
	s10 =	sld [smem:$0x3FB7];
	_ =	sdelay $0x3  }
0x34: {  	[smem:$0x3FB7] =	sst s10  }
0x35: {  	s10 =	sld [smem:$0x3FB6];
	_ =	sdelay $0x3  }
0x36: {  	p1 =	seq.s32 s10, $0x1;
	s10 =	sld [smem:$0x3FB7];
	_ =	sdelay $0x3  }
0x37: {  	[smem:$0x3FB7] =	sst s10  }
0x38: {  	s10 =	sld [smem:$0x3FB8]  }
0x39: {  	_ = 	snop;
	(pc) =	sbr.ind lr, $3  }
0x3a: {  	_ = 	snop  }
0x3b: {  	_ = 	snop  }
0x3c: {  	p2 =	seq.s32 s10, $0x1;
	s10 =	sld [smem:$0x3FB7]  }
0x3d: {  	_ =	shalt  }
0x3e: {  	_ =	shalt  }
0x3f: {  	_ =	shalt  }
0x40: {  	_ =	shalt  }
0x41: {  	_ =	shalt  }
0x42: {  	_ =	shalt  }
0x43: {  	_ =	shalt  }
0x44: {  	_ =	shalt  }
0x45: {  	_ =	shalt  }
0x46: {  	_ =	shalt  }
0x47: {  	_ =	shalt  }
0x48: {  	_ =	shalt  }
0x49: {  	_ =	shalt  }
0x4a: {  	_ =	shalt  }
0x4b: {  	_ =	shalt  }
0x4c: {  	_ =	shalt  }
0x4d: {  	_ =	shalt  }
0x4e: {  	_ =	shalt  }
0x4f: {  	_ =	shalt  }
0x50: {  	_ =	shalt  }
0x51: {  	_ =	shalt  }
0x52: {  	_ =	shalt  }
0x53: {  	_ =	shalt  }
0x54: {  	_ =	shalt  }
0x55: {  	_ =	shalt  }
0x56: {  	_ =	shalt  }
0x57: {  	_ =	shalt  }
0x58: {  	_ =	shalt  }
0x59: {  	_ =	shalt  }
0x5a: {  	_ =	shalt  }
0x5b: {  	_ =	shalt  }
0x5c: {  	_ =	shalt  }
0x5d: {  	_ =	shalt  }
0x5e: {  	_ =	shalt  }
0x5f: {  	_ =	shalt  }
0x60: {  	_ =	shalt  }
0x61: {  	_ =	shalt  }
0x62: {  	_ =	shalt  }
0x63: {  	_ =	shalt  }
0x64: {  	_ =	shalt  }
0x65: {  	_ =	shalt  }
0x66: {  	_ =	shalt  }
0x67: {  	_ =	shalt  }
0x68: {  	_ =	shalt  }
0x69: {  	_ =	shalt  }
0x6a: {  	_ =	shalt  }
0x6b: {  	_ =	shalt  }
0x6c: {  	_ =	shalt  }
0x6d: {  	_ =	shalt  }
0x6e: {  	_ =	shalt  }
0x6f: {  	_ =	shalt  }
0x70: {  	_ =	shalt  }
0x71: {  	_ =	shalt  }
0x72: {  	_ =	shalt  }
0x73: {  	_ =	shalt  }
0x74: {  	_ =	shalt  }
0x75: {  	_ =	shalt  }
0x76: {  	_ =	shalt  }
0x77: {  	_ =	shalt  }
0x78: {  	_ =	shalt  }
0x79: {  	_ =	shalt  }
0x7a: {  	_ =	shalt  }
0x7b: {  	_ =	shalt  }
0x7c: {  	_ =	shalt  }
0x7d: {  	_ =	shalt  }
0x7e: {  	_ =	shalt  }
0x7f: {  	_ =	shalt  }
0x80: {  	_ =	shalt  }
0x81: {  	_ =	shalt  }
0x82: {  	_ =	shalt  }
0x83: {  	_ =	shalt  }
0x84: {  	_ =	shalt  }
0x85: {  	_ =	shalt  }
0x86: {  	_ =	shalt  }
0x87: {  	_ =	shalt  }
.Lfunc_end0:
.L_simem_size_0:
called_computation_lowered:
.L_overlay_start_0:
0x88: {  	s2 =	sld [smem:$0x3FD9]  }
0x89: {  	s3 =	sld [smem:$0x3FFE];
	_ =	sdelay $0x1  }
0x8a: {  	s1 =	srdreg.scid  }
0x8b: {  	s0 =	sand.u32 $0x1, s1  }
0x8c: {  	s18 =	sshll.u32 s0, $0xA;
	s2 =	sadd.s32 s3, s2  }
0x8d: {  	s2 =	sadd.s32 s2, s18  }
0x8e: {  	[smem:$0x3FC3] =	sst s2  }
0x8f: {  	_ = 	snop  }
0x90: {  	s2 =	sld [smem:$0x3FC9]  }
0x91: {  	s19 =	sld [smem:$0x3FC8]  }
0x92: {  	s4 =	sld [smem:$0x3FC7]  }
0x93: {  	s5 =	sld [smem:$0x3FC6]  }
0x94: {  	s6 =	sld [smem:$0x3FC5]  }
0x95: {  	s7 =	sld [smem:$0x3FD0];
	(tm) =	ssettm $0x1  }
0x96: {  	s8 =	sld [smem:$0x3FFB];
	_ =	sdelay $0x3  }
0x97: {  	_ =	strace s8  }
0x98: {  	s8 =	sld [smem:$0x3FFC];
	_ =	sdelay $0x3  }
0x99: {  	_ =	strace s8  }
0x9a: {  	s8 =	sld [smem:$0x3FFD];
	_ =	sdelay $0x3  }
0x9b: {  	_ =	strace s8  }
0x9c: {  	_ =	strace $0x8FFFFFFF  }
0x9d: {  	s20 =	sld [smem:$0x3FDB];
	_ =	sdelay $0x1  }
0x9e: {  	s9 =	simm.s32 $_scs_section_size  }
0x9f: {  	s10 =	simm.s32 $_size__tile_overlayer_lowered;
	s11 =	simm.s32 $_tile_overlayer_lowered  }
0xa0: {  	s23 =	simm.s32 $0x1BFF;
	s22 =	sshll.u32 s11, $0x1;
	s8 =	sadd.s32 s9, s20  }
0xa1: {  	s12 =	simm.s32 $0x0;
	s21 =	sshll.u32 s10, $0x1;
	s10 =	sadd.s32 s22, s8  }
0xa2: {  	[timem:s12], [sflag:s23] =	dma.local [hbm:s10], s21  }
0xa3: {  	_ =	swait.ge [sflag:s23], s21  }
0xa4: {  	s9 =	ssub.s32 $0x0, s21;
	[sflag:s23] =	ssyncset.done $0x0  }
0xa5: {  	[sflag:s23] =	ssyncadd.s32 s9;
	_ =	sdelay $0x1  }
0xa6: {  	s24 =	simm.s32 $0x1B8B  }
0xa7: {  	_ =	swait.ge [sflag:s24], $0x1  }
0xa8: {  	[sflag:s24] =	ssyncset.done $0x0  }
0xa9: {  	s25 =	simm.s32 $0x1B8E;
	[sflag:s24] =	ssyncadd.s32 $0xFFFFFFFF  }
0xaa: {  	s26 =	simm.s32 $execute0_lowered;
	[smem:$0x3FD2] =	sst s25  }
0xab: {  	s9 =	sshll.u32 s26, $0x1;
	_ =	strace $0x80000046;
	[dreg:$0x1] =	wrdreg $0xFFFFFFFF  }
0xac: {  	s28 =	simm.s32 $_size_execute0_lowered;
	s8 =	sadd.s32 s8, s9;
	[dreg:$0x0] =	wrdreg $0x0  }
0xad: {  	s9 =	sshll.u32 s28, $0x1;
	[dreg:$0x2] =	wrdreg s8  }
0xae: {  	[dreg:$0x3] =	wrdreg s9  }
0xaf: {  	[dreg:$0x4] =	wrdreg $0xC0  }
0xb0: {  	_ =	task [dreg:s12], $0x5FFFF  }
0xb1: {  	[dreg:$0x1] =	wrdreg $0xFFFFFFFF  }
0xb2: {  	[dreg:$0x0] =	wrdreg $0x60  }
0xb3: {  	[dreg:$0x2] =	wrdreg s2  }
0xb4: {  	[dreg:$0x3] =	wrdreg s19  }
0xb5: {  	[dreg:$0x4] =	wrdreg s4  }
0xb6: {  	[dreg:$0x5] =	wrdreg s5  }
0xb7: {  	[dreg:$0x6] =	wrdreg s6  }
0xb8: {  	[dreg:$0x7] =	wrdreg s7  }
0xb9: {  	[dreg:$0x8] =	wrdreg $0x9  }
0xba: {  	_ =	task.clear_ibuf [dreg:s12], $0x9FFFF;
	_ =	strace $0x90000046  }
0xbb: {  	s29 =	simm.s32 $0x9;
	_ =	strace $0x80000048  }
0xbc: {  	_ =	swait.ge [sflag:s29], $0x1  }
0xbd: {  	[sflag:s29] =	ssyncadd.s32 $0xFFFFFFFF  }
0xbe: {  	_ =	strace $0x90000048  }
0xbf: {  	_ =	sfence  }
0xc0: {  	s30 =	sld [smem:$0x0];
	_ =	sdelay $0x2  }
0xc1: {  	s31 =	sshll.u32 s1, $0xD;
	s1 =	sshrl.u32 s1, $0x2  }
0xc2: {  	s3 =	sand.u32 $0x4000, s31;
	s1 =	sadd.s32 s1, s30  }
0xc3: {  	s0 =	sor.u32 s3, s0;
	s1 =	sshll.u32 s1, $0x11  }
0xc4: {  	s0 =	sor.u32 s1, s0  }
0xc5: {  	s0 =	sadd.s32 $0x8F2B, s0  }
0xc6: {  	[sflag:s0] =	ssyncadd.remote.s32 $0x1  }
0xc7: {  	_ =	sfence.sel $0xFFFF  }
0xc8: {  	[dreg:$0x0] =	wrdreg $0xFFFFFFFF;
	(pc) =	sbr.abs _section_cstart, $3  }
0xc9: {  	[dreg:$0x1] =	wrdreg $0xFFFFFFFF  }
0xca: {  	_ =	task.clear_ibuf [dreg:s12], $0x2FFFF;
	_ =	strace $0x9FFFFFFF  }
0xcb: {  	(tm) =	ssettm $0x7FFFFFFF  }
tec
execute0_lowered:
.L_overlay_start_1:
0x0: {  	(tag) =	ssettag $0x1  }
0x1: {  	s0 =	rddreg [dreg:$0x0]  }
0x2: {  	s1 =	rddreg [dreg:$0x1]  }
0x3: {  	s2 =	rddreg [dreg:$0x2];
	s3 =	srdreg.scid  }
0x4: {  	s12 =	stileid.u32;
	s6 =	rddreg [dreg:$0x5];
	s7 =	simm.s32 $0x0  }
0x5: {  	s20 =	simm.s32 $0x80;
	s28 =	simm.s32 $0x14D00;
	s29 =	simm.s32 $0x2  }
0x6: {  	s30 =	simm.s32 $0x5;
	s31 =	simm.s32 $0x4D00;
	s17 =	simm.s32 $0x0  }
0x7: {  	s3 =	sand.u32 $0x1, s3;
	s4 =	sshll.u32 s12, $0x1;
	[smem:$0x7FF] =	sst s7  }
0x8: {  	p0 =	sgt.u32 s12, $0x9;
	s4 =	sor.u32 s3, s4;
	s3 =	ssub.s32 $0x2, s3  }
0x9: {  	_ =	strace $0x80000047;
	s5 =	smul.u32 $0x186, s4;
	s21 =	sshrl.u32 s3, $0x1  }
0xa: {  	s4 =	smin.u32 s4, $0x14;
	s3 =	ssub.s32 s3, s21;
	s21 =	simm.s32 $0xD00  }
0xb: {  	s8 =	sadd.s32 s4, s5;
	s26 =	smax.u32 s3, $0x1;
	s4 =	simm.s32 $0x3  }
0xc: {  	s9 =	sshll.u32 s8, $0x7;
	s10 =	sadd.s32 s0, s8;
	[dreg:$0xb] =	wrdreg s26  }
0xd: {  	s11 =	sadd.s32 s1, s9;
	s22 =	sadd.s32 $0xC000, s9;
	s23 =	sadd.s32 $0x186, s10  }
.Ltmp0:
0xe: {  	[dreg:$0x7] =	wrdreg s23;
	s24 =	sadd.s32 $0x800, s11;
	(pc) =	sbr.rel .LBB2_1-.Ltmp0, $4  }
0xf: {  	s3 =	simm.s32 $0xD;
	s25 =	sadd.s32 s1, s22;
	[dreg:$0x8] =	wrdreg s24  }
0x10: {  	s15 =	sadd.s32 $0x10, s8;
	s0 =	sadd.s32 s6, s22;
	[dreg:$0x9] =	wrdreg s25  }
0x11: {  	s26 =	simm.s32 $0x8D00;
	s23 =	simm.s32 $0xC;
	[dreg:$0xa] =	wrdreg s0  }
0x12: {  	s24 =	simm.s32 $0x1;
	s25 =	simm.s32 $0x4;
	s0 =	simm.s32 $0x6  }
.LBB2_16:
0x13: {  	s5 =	simm.s32 $0x7  }
0x14: {  	_ =	swait.ge [sflag:s5], $0x4000  }
0x15: {  	[sflag:s5] =	ssyncset.done $0x0  }
0x16: {  	s19 =	simm.s32 $0x8;
	[sflag:s5] =	ssyncadd.s32 $0xFFFFC000  }
0x17: {  	_ =	swait.ge [sflag:s19], $0x4000  }
0x18: {  	[sflag:s19] =	ssyncset.done $0x0  }
0x19: {  	s12 =	simm.s32 $0x9;
	[sflag:s19] =	ssyncadd.s32 $0xFFFFC000  }
0x1a: {  	_ =	swait.ge [sflag:s12], $0x4000  }
0x1b: {  	s17 =	sadd.s32 $0x1, s17;
	s22 =	rddreg [dreg:$0xb]  }
0x1c: {  	p1 =	sne.s32 s17, s22  }
.Ltmp1:
0x1d: {  	_ = 	snop;
	(pc) =	sbr.rel @!p1 .LBB2_17-.Ltmp1, $3  }
0x1e: {  	_ =	sdelay $0x1  }
0x1f: {  	[sflag:s12] =	ssyncset.done $0x0  }
0x20: {  	[sflag:s12] =	ssyncadd.s32 $0xFFFFC000  }
.LBB2_1:
0x21: {  	s22 =	simm.s32 $0xC80  }
0x22: {  	[tilespmem:s22], [sflag:$0xB] =	stream.linear.gather [hbm4b:s10+s7], $0x80, $0x38;
	[tilespmem:$0x1C600] =	vst v63  }
0x23: {  	_ = 	snop  }
0x24: {  	[tilespmem:s7], [sflag:$0xA] =	stream.linear.gather [hbm4b:s10+s7], $0xC30, $0x38;
	[tilespmem:$0x1C600] =	vst v63  }
0x25: {  	s5 =	simm.s32 @p0 $0x0;
	s12 =	simm.s32 @p0 $0xCD00  }
0x26: {  	[tilespmem:s12], [sflag:$0x4] =	stream.linear.gather @p0 [hbm4b:s11+s5], $0x4000, $0x38;
	[tilespmem:$0x1C600] =	vst v63  }
0x27: {  	s18 =	rddreg [dreg:$0x8];
	s12 =	simm.s32 @p0 $0x10D00  }
0x28: {  	[tilespmem:s12], [sflag:$0x5] =	stream.linear.gather @p0 [hbm4b:s18+s5], $0x4000, $0x38;
	[tilespmem:$0x1C600] =	vst v63  }
0x29: {  	s13 =	rddreg [dreg:$0x3];
	s12 =	simm.s32 @p0 $0x1C500  }
0x2a: {  	[tilespmem:s12], [sflag:$0xC] =	stream.linear.gather @p0 [hbm4b:s13+s5], $0x80, $0x38;
	[tilespmem:$0x1C600] =	vst v63  }
0x2b: {  	s14 =	rddreg [dreg:$0x4];
	s12 =	simm.s32 @p0 $0x1C580  }
0x2c: {  	[tilespmem:s12], [sflag:$0xC] =	stream.linear.gather @p0 [hbm4b:s14+s5], $0x80, $0x38;
	[tilespmem:$0x1C600] =	vst v63  }
0x2d: {  	s19 =	rddreg [dreg:$0x9];
	s12 =	simm.s32 @p0 $0x1A900  }
0x2e: {  	[tilespmem:s12], [sflag:$0xD] =	stream.linear.gather @p0 [hbm4b:s19+s5], $0x1800, $0x38;
	[tilespmem:$0x1C600] =	vst v63  }
0x2f: {  	s16 =	rddreg [dreg:$0x7];
	s5 =	simm.s32 @!p0 $0x0;
	s12 =	simm.s32 @!p0 $0xC30  }
0x30: {  	[tilespmem:s12], [sflag:$0xA] =	stream.linear.gather @!p0 [hbm4b:s16+s5], $0x8, $0x38;
	[tilespmem:$0x1C600] =	vst v63  }
0x31: {  	s12 =	simm.s32 @!p0 $0xCD00  }
0x32: {  	[tilespmem:s12], [sflag:$0x4] =	stream.linear.gather @!p0 [hbm4b:s11+s5], $0x4000, $0x38;
	[tilespmem:$0x1C600] =	vst v63  }
0x33: {  	s12 =	simm.s32 @!p0 $0x10D00  }
0x34: {  	[tilespmem:s12], [sflag:$0x5] =	stream.linear.gather @!p0 [hbm4b:s18+s5], $0x4000, $0x38;
	[tilespmem:$0x1C600] =	vst v63  }
0x35: {  	s12 =	simm.s32 @!p0 $0x1C500  }
0x36: {  	[tilespmem:s12], [sflag:$0xC] =	stream.linear.gather @!p0 [hbm4b:s13+s5], $0x80, $0x38;
	[tilespmem:$0x1C600] =	vst v63  }
0x37: {  	s12 =	simm.s32 @!p0 $0x1C580  }
0x38: {  	[tilespmem:s12], [sflag:$0xC] =	stream.linear.gather @!p0 [hbm4b:s14+s5], $0x80, $0x38;
	[tilespmem:$0x1C600] =	vst v63  }
0x39: {  	s12 =	simm.s32 @!p0 $0x1A900  }
0x3a: {  	[tilespmem:s12], [sflag:$0xD] =	stream.linear.gather @!p0 [hbm4b:s19+s5], $0x1C00, $0x38;
	[tilespmem:$0x1C600] =	vst v63  }
0x3b: {  	s19 =	simm.s32 $0xB  }
0x3c: {  	_ =	swait.ge [sflag:s19], $0x80  }
0x3d: {  	[sflag:s19] =	ssyncset.done $0x0  }
0x3e: {  	[sflag:s19] =	ssyncadd.s32 $0xFFFFFF80  }
0x3f: {  	[tilespmem:s21], [sflag:$0x1] =	stream.indirect.gather [hbm4b:s2+s20], $0x80, s22, s20, $0xb8;
	[tilespmem:$0x1C600] =	vst v63  }
0x40: {  	s22 =	simm.s32 $0xA  }
0x41: {  	_ =	swait.ge [sflag:s22], $0xC30  }
0x42: {  	[sflag:s22] =	ssyncset.done $0x0  }
0x43: {  	s5 =	simm.s32 @p0 $0x80;
	s12 =	simm.s32 @p0 $0x4D00;
	[sflag:s22] =	ssyncadd.s32 $0xFFFFF3D0  }
0x44: {  	[tilespmem:s12], [sflag:$0x2] =	stream.indirect.gather @p0 [hbm4b:s2+s5], $0x80, s5, s5, $0xb8;
	[tilespmem:$0x1C600] =	vst v63  }
0x45: {  	s16 =	simm.s32 @p0 $0x18D00;
	s5 =	simm.s32 @p0 $0x30;
	s12 =	simm.s32 @p0 $0xC00  }
0x46: {  	[tilespmem:s16], [sflag:$0xD] =	stream.indirect.gather @p0 [hbm4b:s2+s5], $0x80, s12, s5, $0xb8;
	[tilespmem:$0x1C600] =	vst v63  }
0x47: {  	s5 =	simm.s32 @!p0 $0xA  }
0x48: {  	_ =	swait.ge @!p0 [sflag:s5], $0x8  }
0x49: {  	[sflag:s5] =	ssyncset.done @!p0 $0x0  }
0x4a: {  	s12 =	simm.s32 @!p0 $0x4D00;
	[sflag:s5] =	ssyncadd.s32 @!p0 $0xFFFFFFF8;
	s5 =	simm.s32 @!p0 $0x80  }
0x4b: {  	[tilespmem:s12], [sflag:$0x2] =	stream.indirect.gather @!p0 [hbm4b:s2+s5], $0x80, s5, s5, $0xb8;
	[tilespmem:$0x1C600] =	vst v63  }
0x4c: {  	s16 =	simm.s32 @!p0 $0x18D00;
	s5 =	simm.s32 @!p0 $0x38;
	s12 =	simm.s32 @!p0 $0xC00  }
0x4d: {  	[tilespmem:s16], [sflag:$0xD] =	stream.indirect.gather @!p0 [hbm4b:s2+s5], $0x80, s12, s5, $0xb8;
	[tilespmem:$0x1C600] =	vst v63  }
0x4e: {  	_ =	swait.ge [sflag:s23], $0x80  }
0x4f: {  	[sflag:s23] =	ssyncset.done $0x0  }
0x50: {  	[sflag:s23] =	ssyncadd.s32 $0xFFFFFF80  }
0x51: {  	_ =	swait.ge [sflag:s23], $0x80  }
0x52: {  	[sflag:s23] =	ssyncset.done $0x0  }
0x53: {  	[sflag:s23] =	ssyncadd.s32 $0xFFFFFF80  }
0x54: {  	v0 =	vld [tilespmem:$0x1C580]  }
0x55: {  	v1 =	vld [tilespmem:$0x1C590]  }
0x56: {  	v2 =	vld [tilespmem:$0x1C5A0]  }
0x57: {  	v3 =	vld [tilespmem:$0x1C5B0]  }
0x58: {  	v4 =	vld [tilespmem:$0x1C5C0]  }
0x59: {  	v5 =	vld [tilespmem:$0x1C5D0];
	v0 =	vmul.f32 $1.442695020e+00, v0  }
0x5a: {  	v6 =	vld [tilespmem:$0x1C5E0];
	v1 =	vmul.f32 $1.442695020e+00, v1  }
0x5b: {  	(erf) = vpow2.f32 v0;
	v0 =	vmul.f32 $1.442695020e+00, v2;
	v2 =	vld [tilespmem:$0x1C5F0]  }
0x5c: {  	(erf) = vpow2.f32 v1;
	v1 =	vmul.f32 $1.442695020e+00, v3  }
0x5d: {  	(erf) = vpow2.f32 v0;
	v0 =	vmul.f32 $1.442695020e+00, v4  }
0x5e: {  	(erf) = vpow2.f32 v1;
	v1 =	vmul.f32 $1.442695020e+00, v5  }
0x5f: {  	(erf) = vpow2.f32 v0;
	v0 =	vmul.f32 $1.442695020e+00, v6  }
0x60: {  	(erf) = vpow2.f32 v1;
	v1 =	vmul.f32 $1.442695020e+00, v2  }
0x61: {  	(erf) = vpow2.f32 v0  }
0x62: {  	(erf) = vpow2.f32 v1;
	_ =	sdelay $0x1  }
0x63: {  	v13 =	vld [tilespmem:$0x1C500];
	v11 =	vpop (erf)  }
0x64: {  	v15 =	vld [tilespmem:$0x1C510];
	v14 =	vpop (erf)  }
0x65: {  	v12 =	vld [tilespmem:$0x1C520];
	v10 =	vpop (erf)  }
0x66: {  	v9 =	vld [tilespmem:$0x1C530];
	v8 =	vpop (erf)  }
0x67: {  	v7 =	vld [tilespmem:$0x1C540];
	v6 =	vpop (erf)  }
0x68: {  	v3 =	vld [tilespmem:$0x1C560];
	v4 =	vpop (erf)  }
0x69: {  	v5 =	vld [tilespmem:$0x1C550];
	v2 =	vpop (erf)  }
0x6a: {  	s19 =	simm.s32 $0x0;
	v1 =	vld [tilespmem:$0x1C570];
	v0 =	vpop (erf)  }
.LBB2_2:
0x6b: {  	_ =	swait.ge [sflag:s24], $0x4000  }
0x6c: {  	[sflag:s24] =	ssyncset.done $0x0  }
0x6d: {  	[sflag:s24] =	ssyncadd.s32 $0xFFFFC000  }
0x6e: {  	_ =	swait.ge [sflag:s25], $0x4000  }
0x6f: {  	s5 =	smul.u32 $0x3, s19;
	p1 =	seq.s32 s19, $0x0;
	[sflag:s25] =	ssyncset.done $0x0  }
0x70: {  	s12 =	simm.s32 @!p1 $0x9;
	[sflag:s25] =	ssyncadd.s32 $0xFFFFC000  }
0x71: {  	s16 =	sadd.s32 $0x2, s5;
	_ =	swait.ge @!p1 [sflag:s12], $0x4000  }
0x72: {  	s18 =	sshll.u32 s16, $0x7;
	s16 =	sshll.u32 s16, $0xB;
	[sflag:s12] =	ssyncset.done @!p1 $0x0  }
0x73: {  	s14 =	sand.u32 $0x3FFFFF80, s18;
	s22 =	sadd.s32 s9, s16;
	[sflag:s12] =	ssyncadd.s32 @!p1 $0xFFFFC000  }
0x74: {  	[tilespmem:s26], [sflag:$0x3] =	stream.indirect.gather [hbm4b:s2+s20], $0x80, s14, s20, $0xb8;
	[tilespmem:$0x1C600] =	vst v63  }
0x75: {  	s18 =	simm.s32 $0x0;
	s12 =	sadd.s32 s1, s22  }
0x76: {  	[tilespmem:s28], [sflag:$0x6] =	stream.linear.gather [hbm4b:s12+s18], $0x4000, $0x38;
	[tilespmem:$0x1C600] =	vst v63  }
0x77: {  	s12 =	simm.s32 $0x0  }
0x78: {  	v22 =	vld [tilespmem:s12+$0xCD00]  }
0x79: {  	v23 =	vld [tilespmem:s12+$0xCD10]  }
0x7a: {  	v24 =	vld [tilespmem:s12+$0xCD20]  }
0x7b: {  	v25 =	vld [tilespmem:s12+$0xCD30]  }
0x7c: {  	v26 =	vld [tilespmem:s12+$0xCD40]  }
0x7d: {  	v27 =	vld [tilespmem:s12+$0xCD50]  }
0x7e: {  	v28 =	vld [tilespmem:s12+$0xCD60]  }
0x7f: {  	v29 =	vld [tilespmem:s12+$0xCD70]  }
0x80: {  	v31 =	vld [tilespmem:s12+$0xCD80]  }
0x81: {  	v33 =	vld [tilespmem:s12+$0xCD90]  }
0x82: {  	v21 =	vld [tilespmem:s12+$0xCDA0]  }
0x83: {  	v20 =	vld [tilespmem:s12+$0xCDB0]  }
0x84: {  	v19 =	vld [tilespmem:s12+$0xCDC0]  }
0x85: {  	v18 =	vld [tilespmem:s12+$0xCDD0]  }
0x86: {  	v17 =	vld [tilespmem:s12+$0xCDE0]  }
0x87: {  	v16 =	vld [tilespmem:s12+$0xCDF0]  }
0x88: {  	v30 =	vld [tilespmem:s12+$0xD00]  }
0x89: {  	v32 =	vld [tilespmem:s12+$0xD10]  }
0x8a: {  	v34 =	vld [tilespmem:s12+$0xD20]  }
0x8b: {  	v36 =	vld [tilespmem:s12+$0xD40]  }
0x8c: {  	v35 =	vld [tilespmem:s12+$0xD30]  }
0x8d: {  	v37 =	vld [tilespmem:s12+$0xD50];
	v30 =	vadd.f32 v30, v13;
	v22 =	vmul.f32 v22, v11  }
0x8e: {  	v38 =	vld [tilespmem:s12+$0xD60];
	v32 =	vadd.f32 v32, v15;
	v23 =	vmul.f32 v23, v14  }
0x8f: {  	v58 =	vadd.f32 v34, v12;
	v24 =	vmul.f32 v24, v10;
	v22 =	vadd.f32 v22, v30;
	v30 =	vld [tilespmem:s12+$0xD70]  }
0x90: {  	v39 =	vld [tilespmem:s12+$0xD80];
	v60 =	vadd.f32 v36, v7;
	v26 =	vmul.f32 v26, v6;
	v23 =	vadd.f32 v23, v32  }
0x91: {  	v59 =	vld [tilespmem:s12+$0xD90];
	v25 =	vmul.f32 v25, v8;
	v24 =	vadd.f32 v24, v58;
	[tilespmem:s12+$0xD00] =	vst v22;
	v22 =	vadd.f32 v35, v9  }
0x92: {  	v61 =	vadd.f32 v37, v5;
	v27 =	vmul.f32 v27, v4;
	v26 =	vadd.f32 v26, v60;
	[tilespmem:s12+$0xD10] =	vst v23;
	v23 =	vld [tilespmem:s12+$0xDA0]  }
0x93: {  	v62 =	vadd.f32 v38, v3;
	v28 =	vmul.f32 v28, v2;
	[tilespmem:s12+$0xD20] =	vst v24;
	v25 =	vadd.f32 v25, v22;
	v22 =	vld [tilespmem:s12+$0xDB0]  }
0x94: {  	v63 =	vmul.f32 v29, v0;
	v27 =	vadd.f32 v27, v61;
	v24 =	vld [tilespmem:s12+$0xDC0];
	[tilespmem:s12+$0xD40] =	vst v26;
	v26 =	vadd.f32 v30, v1  }
0x95: {  	v29 =	vadd.f32 v28, v62;
	v32 =	vmul.f32 v31, v11;
	v30 =	vadd.f32 v39, v13;
	[tilespmem:s12+$0xD30] =	vst v25;
	v25 =	vld [tilespmem:s12+$0xDD0]  }
0x96: {  	s18 =	simm.s32 $0x400;
	v28 =	vadd.f32 v59, v15;
	v31 =	vmul.f32 v33, v14;
	[tilespmem:s12+$0xD50] =	vst v27;
	v27 =	vadd.f32 v63, v26;
	v26 =	vld [tilespmem:s12+$0xDE0]  }
.LBB2_3:
0x97: {  	s16 =	sshra.s32 s18, $0x2;
	p1 =	sne.s32 s18, $0xFC00;
	[tilespmem:s12+$0xD60] =	vst v29;
	v29 =	vadd.f32 v32, v30;
	v23 =	vadd.f32 v23, v12;
	v21 =	vmul.f32 v21, v10;
	v30 =	vld [tilespmem:s12+$0xDF0]  }
0x98: {  	v20 =	vmul.f32 v20, v8;
	v32 =	vld [tilespmem:s16+$0xCD00];
	[tilespmem:s12+$0xD70] =	vst v27;
	v27 =	vadd.f32 v31, v28;
	v22 =	vadd.f32 v22, v9  }
0x99: {  	v19 =	vmul.f32 v19, v6;
	v28 =	vld [tilespmem:s16+$0xCD10];
	[tilespmem:s12+$0xD80] =	vst v29;
	v21 =	vadd.f32 v21, v23;
	v23 =	vadd.f32 v24, v7  }
0x9a: {  	v18 =	vmul.f32 v18, v4;
	v24 =	vld [tilespmem:s16+$0xCD20];
	[tilespmem:s12+$0xD90] =	vst v27;
	v20 =	vadd.f32 v20, v22;
	v22 =	vadd.f32 v25, v5  }
0x9b: {  	v17 =	vmul.f32 v17, v2;
	v25 =	vld [tilespmem:s16+$0xCD30];
	[tilespmem:s12+$0xDA0] =	vst v21;
	v19 =	vadd.f32 v19, v23;
	v21 =	vadd.f32 v26, v3  }
0x9c: {  	v16 =	vmul.f32 v16, v0;
	v23 =	vld [tilespmem:s16+$0xCD40];
	[tilespmem:s12+$0xDB0] =	vst v20;
	v18 =	vadd.f32 v18, v22;
	v20 =	vadd.f32 v30, v1  }
0x9d: {  	v22 =	vld [tilespmem:s16+$0xCD50];
	[tilespmem:s12+$0xDC0] =	vst v19;
	v17 =	vadd.f32 v17, v21  }
0x9e: {  	v26 =	vld [tilespmem:s16+$0xCD60];
	[tilespmem:s12+$0xDD0] =	vst v18;
	v16 =	vadd.f32 v16, v20  }
0x9f: {  	v27 =	vld [tilespmem:s16+$0xCD70];
	[tilespmem:s12+$0xDE0] =	vst v17  }
0xa0: {  	v31 =	vld [tilespmem:s16+$0xCD80];
	[tilespmem:s12+$0xDF0] =	vst v16;
	s12 =	smov.u32 s16  }
0xa1: {  	v33 =	vld [tilespmem:s12+$0xCD90]  }
0xa2: {  	v21 =	vld [tilespmem:s12+$0xCDA0]  }
0xa3: {  	v20 =	vld [tilespmem:s12+$0xCDB0]  }
0xa4: {  	v19 =	vld [tilespmem:s12+$0xCDC0]  }
0xa5: {  	v18 =	vld [tilespmem:s12+$0xCDD0]  }
0xa6: {  	v17 =	vld [tilespmem:s12+$0xCDE0]  }
0xa7: {  	v16 =	vld [tilespmem:s12+$0xCDF0]  }
0xa8: {  	v29 =	vld [tilespmem:s12+$0xD00]  }
0xa9: {  	v30 =	vld [tilespmem:s12+$0xD10]  }
0xaa: {  	v34 =	vld [tilespmem:s12+$0xD20]  }
0xab: {  	v35 =	vld [tilespmem:s12+$0xD30]  }
0xac: {  	v36 =	vld [tilespmem:s12+$0xD40]  }
0xad: {  	v32 =	vmul.f32 v32, v11;
	v29 =	vadd.f32 v29, v13;
	v37 =	vld [tilespmem:s12+$0xD50]  }
0xae: {  	v28 =	vmul.f32 v28, v14;
	v30 =	vadd.f32 v30, v15;
	v38 =	vld [tilespmem:s12+$0xD60]  }
0xaf: {  	v24 =	vmul.f32 v24, v10;
	v29 =	vadd.f32 v32, v29;
	v32 =	vadd.f32 v34, v12;
	v34 =	vld [tilespmem:s12+$0xD70]  }
0xb0: {  	v25 =	vmul.f32 v25, v8;
	v28 =	vadd.f32 v28, v30;
	v30 =	vadd.f32 v35, v9;
	v35 =	vld [tilespmem:s12+$0xD80]  }
0xb1: {  	[tilespmem:s12+$0xD00] =	vst v29;
	v24 =	vadd.f32 v24, v32;
	v29 =	vadd.f32 v36, v7;
	v32 =	vmul.f32 v23, v6;
	v36 =	vld [tilespmem:s12+$0xD90]  }
.Ltmp2:
0xb2: {  	[tilespmem:s12+$0xD10] =	vst v28;
	v25 =	vadd.f32 v25, v30;
	v28 =	vadd.f32 v37, v5;
	v30 =	vmul.f32 v22, v4;
	v23 =	vld [tilespmem:s12+$0xDA0];
	(pc) =	sbr.rel @p1 .LBB2_3-.Ltmp2, $4  }
0xb3: {  	v26 =	vmul.f32 v26, v2;
	[tilespmem:s12+$0xD20] =	vst v24;
	v29 =	vadd.f32 v32, v29;
	v32 =	vadd.f32 v38, v3;
	v22 =	vld [tilespmem:s12+$0xDB0]  }
0xb4: {  	v27 =	vmul.f32 v27, v0;
	[tilespmem:s12+$0xD30] =	vst v25;
	v28 =	vadd.f32 v30, v28;
	v34 =	vadd.f32 v34, v1;
	v24 =	vld [tilespmem:s12+$0xDC0]  }
0xb5: {  	[tilespmem:s12+$0xD40] =	vst v29;
	v29 =	vadd.f32 v26, v32;
	v30 =	vadd.f32 v35, v13;
	v32 =	vmul.f32 v31, v11;
	v25 =	vld [tilespmem:s12+$0xDD0]  }
0xb6: {  	s18 =	sadd.s32 $0x400, s18;
	v31 =	vmul.f32 v33, v14;
	[tilespmem:s12+$0xD50] =	vst v28;
	v27 =	vadd.f32 v27, v34;
	v28 =	vadd.f32 v36, v15;
	v26 =	vld [tilespmem:s12+$0xDE0]  }
0xb7: {  	[tilespmem:s12+$0xD60] =	vst v29;
	v29 =	vadd.f32 v32, v30;
	v23 =	vadd.f32 v23, v12;
	v21 =	vmul.f32 v21, v10;
	v30 =	vld [tilespmem:s12+$0xDF0]  }
0xb8: {  	v20 =	vmul.f32 v20, v8;
	[tilespmem:s12+$0xD70] =	vst v27;
	v27 =	vadd.f32 v31, v28;
	v22 =	vadd.f32 v22, v9  }
0xb9: {  	v19 =	vmul.f32 v19, v6;
	[tilespmem:s12+$0xD80] =	vst v29;
	v21 =	vadd.f32 v21, v23;
	v23 =	vadd.f32 v24, v7  }
0xba: {  	v18 =	vmul.f32 v18, v4;
	[tilespmem:s12+$0xD90] =	vst v27;
	v20 =	vadd.f32 v20, v22;
	v22 =	vadd.f32 v25, v5  }
0xbb: {  	v17 =	vmul.f32 v17, v2;
	s18 =	smul.u32 $0x30, s19;
	[tilespmem:s12+$0xDA0] =	vst v21;
	v19 =	vadd.f32 v19, v23;
	v21 =	vadd.f32 v26, v3  }
0xbc: {  	v16 =	vmul.f32 v16, v0;
	[tilespmem:s12+$0xDB0] =	vst v20;
	v18 =	vadd.f32 v18, v22;
	v20 =	vadd.f32 v30, v1  }
0xbd: {  	s16 =	sadd.s32 s8, s18;
	[tilespmem:s12+$0xDC0] =	vst v19;
	v17 =	vadd.f32 v17, v21  }
0xbe: {  	s16 =	sshll.u32 s16, $0x7;
	[tilespmem:s12+$0xDD0] =	vst v18;
	v16 =	vadd.f32 v16, v20  }
0xbf: {  	s16 =	sand.u32 $0x1FFFFF80, s16;
	[tilespmem:s12+$0xDE0] =	vst v17  }
0xc0: {  	s16 =	sadd.s32 s6, s16;
	[tilespmem:s12+$0xDF0] =	vst v16  }
0xc1: {  	[hbm4b:s16+s7] =	stream.linear.scatter [tilespmem:s21], [sflag:$0x7], $0x4000, $0x38;
	[tilespmem:$0x1C600] =	vst v63  }
0xc2: {  	_ =	swait.ge [sflag:s29], $0x4000  }
0xc3: {  	[sflag:s29] =	ssyncset.done $0x0  }
0xc4: {  	[sflag:s29] =	ssyncadd.s32 $0xFFFFC000  }
0xc5: {  	_ =	swait.ge [sflag:s30], $0x4000  }
0xc6: {  	p1 =	seq.s32 s19, $0x7;
	[sflag:s30] =	ssyncset.done $0x0  }
0xc7: {  	s12 =	simm.s32 @!p1 $0x7;
	[sflag:s30] =	ssyncadd.s32 $0xFFFFC000  }
0xc8: {  	_ =	swait.ge @!p1 [sflag:s12], $0x4000  }
0xc9: {  	s16 =	sadd.s32 @!p1 $0x3, s5;
	[sflag:s12] =	ssyncset.done @!p1 $0x0  }
0xca: {  	[sflag:s12] =	ssyncadd.s32 @!p1 $0xFFFFC000;
	s12 =	sshll.u32 @!p1 s16, $0x7  }
0xcb: {  	s13 =	simm.s32 @!p1 $0x80;
	s14 =	simm.s32 @!p1 $0xD00;
	s12 =	sand.u32 @!p1 $0x3FFFFF80, s12  }
0xcc: {  	[tilespmem:s14], [sflag:$0x1] =	stream.indirect.gather @!p1 [hbm4b:s2+s13], $0x80, s12, s13, $0xb8;
	[tilespmem:$0x1C600] =	vst v63  }
0xcd: {  	s12 =	sshll.u32 @!p1 s16, $0xB  }
0xce: {  	s13 =	simm.s32 @!p1 $0x0;
	s14 =	simm.s32 @!p1 $0xCD00;
	s12 =	sadd.s32 @!p1 s12, s11  }
0xcf: {  	[tilespmem:s14], [sflag:$0x4] =	stream.linear.gather @!p1 [hbm4b:s12+s13], $0x4000, $0x38;
	[tilespmem:$0x1C600] =	vst v63  }
0xd0: {  	s12 =	simm.s32 $0x0  }
0xd1: {  	v22 =	vld [tilespmem:s12+$0x10D00]  }
0xd2: {  	v23 =	vld [tilespmem:s12+$0x10D10]  }
0xd3: {  	v24 =	vld [tilespmem:s12+$0x10D20]  }
0xd4: {  	v25 =	vld [tilespmem:s12+$0x10D30]  }
0xd5: {  	v26 =	vld [tilespmem:s12+$0x10D40]  }
0xd6: {  	v27 =	vld [tilespmem:s12+$0x10D50]  }
0xd7: {  	v28 =	vld [tilespmem:s12+$0x10D60]  }
0xd8: {  	v29 =	vld [tilespmem:s12+$0x10D70]  }
0xd9: {  	v31 =	vld [tilespmem:s12+$0x10D80]  }
0xda: {  	v33 =	vld [tilespmem:s12+$0x10D90]  }
0xdb: {  	v21 =	vld [tilespmem:s12+$0x10DA0]  }
0xdc: {  	v20 =	vld [tilespmem:s12+$0x10DB0]  }
0xdd: {  	v19 =	vld [tilespmem:s12+$0x10DC0]  }
0xde: {  	v18 =	vld [tilespmem:s12+$0x10DD0]  }
0xdf: {  	v17 =	vld [tilespmem:s12+$0x10DE0]  }
0xe0: {  	v16 =	vld [tilespmem:s12+$0x10DF0]  }
0xe1: {  	v30 =	vld [tilespmem:s12+$0x4D00]  }
0xe2: {  	v57 =	vld [tilespmem:s12+$0x4D10]  }
0xe3: {  	v34 =	vld [tilespmem:s12+$0x4D20]  }
0xe4: {  	v36 =	vld [tilespmem:s12+$0x4D40]  }
0xe5: {  	v35 =	vld [tilespmem:s12+$0x4D30]  }
0xe6: {  	v37 =	vld [tilespmem:s12+$0x4D50];
	v30 =	vadd.f32 v30, v13;
	v22 =	vmul.f32 v22, v11  }
0xe7: {  	v38 =	vld [tilespmem:s12+$0x4D60];
	v32 =	vadd.f32 v57, v15;
	v23 =	vmul.f32 v23, v14  }
0xe8: {  	v58 =	vadd.f32 v34, v12;
	v24 =	vmul.f32 v24, v10;
	v22 =	vadd.f32 v22, v30;
	v30 =	vld [tilespmem:s12+$0x4D70]  }
0xe9: {  	v39 =	vld [tilespmem:s12+$0x4D80];
	v60 =	vadd.f32 v36, v7;
	v26 =	vmul.f32 v26, v6;
	v23 =	vadd.f32 v23, v32  }
0xea: {  	v59 =	vld [tilespmem:s12+$0x4D90];
	v25 =	vmul.f32 v25, v8;
	v24 =	vadd.f32 v24, v58;
	[tilespmem:s12+$0x4D00] =	vst v22;
	v22 =	vadd.f32 v35, v9  }
0xeb: {  	v61 =	vadd.f32 v37, v5;
	v27 =	vmul.f32 v27, v4;
	v26 =	vadd.f32 v26, v60;
	[tilespmem:s12+$0x4D10] =	vst v23;
	v23 =	vld [tilespmem:s12+$0x4DA0]  }
0xec: {  	v62 =	vadd.f32 v38, v3;
	v28 =	vmul.f32 v28, v2;
	[tilespmem:s12+$0x4D20] =	vst v24;
	v25 =	vadd.f32 v25, v22;
	v22 =	vld [tilespmem:s12+$0x4DB0]  }
0xed: {  	v63 =	vmul.f32 v29, v0;
	v27 =	vadd.f32 v27, v61;
	v24 =	vld [tilespmem:s12+$0x4DC0];
	[tilespmem:s12+$0x4D40] =	vst v26;
	v26 =	vadd.f32 v30, v1  }
0xee: {  	v29 =	vadd.f32 v28, v62;
	v32 =	vmul.f32 v31, v11;
	v30 =	vadd.f32 v39, v13;
	[tilespmem:s12+$0x4D30] =	vst v25;
	v25 =	vld [tilespmem:s12+$0x4DD0]  }
0xef: {  	s16 =	simm.s32 $0x400;
	v28 =	vadd.f32 v59, v15;
	v31 =	vmul.f32 v33, v14;
	[tilespmem:s12+$0x4D50] =	vst v27;
	v27 =	vadd.f32 v63, v26;
	v26 =	vld [tilespmem:s12+$0x4DE0]  }
.LBB2_5:
0xf0: {  	s13 =	sshra.s32 s16, $0x2;
	p2 =	sne.s32 s16, $0xFC00;
	[tilespmem:s12+$0x4D60] =	vst v29;
	v29 =	vadd.f32 v32, v30;
	v23 =	vadd.f32 v23, v12;
	v21 =	vmul.f32 v21, v10;
	v30 =	vld [tilespmem:s12+$0x4DF0]  }
0xf1: {  	v20 =	vmul.f32 v20, v8;
	v32 =	vld [tilespmem:s13+$0x10D00];
	[tilespmem:s12+$0x4D70] =	vst v27;
	v27 =	vadd.f32 v31, v28;
	v22 =	vadd.f32 v22, v9  }
0xf2: {  	v19 =	vmul.f32 v19, v6;
	v28 =	vld [tilespmem:s13+$0x10D10];
	[tilespmem:s12+$0x4D80] =	vst v29;
	v21 =	vadd.f32 v21, v23;
	v23 =	vadd.f32 v24, v7  }
0xf3: {  	v18 =	vmul.f32 v18, v4;
	v24 =	vld [tilespmem:s13+$0x10D20];
	[tilespmem:s12+$0x4D90] =	vst v27;
	v20 =	vadd.f32 v20, v22;
	v22 =	vadd.f32 v25, v5  }
0xf4: {  	v17 =	vmul.f32 v17, v2;
	v25 =	vld [tilespmem:s13+$0x10D30];
	[tilespmem:s12+$0x4DA0] =	vst v21;
	v19 =	vadd.f32 v19, v23;
	v21 =	vadd.f32 v26, v3  }
0xf5: {  	v16 =	vmul.f32 v16, v0;
	v23 =	vld [tilespmem:s13+$0x10D40];
	[tilespmem:s12+$0x4DB0] =	vst v20;
	v18 =	vadd.f32 v18, v22;
	v20 =	vadd.f32 v30, v1  }
0xf6: {  	v22 =	vld [tilespmem:s13+$0x10D50];
	[tilespmem:s12+$0x4DC0] =	vst v19;
	v17 =	vadd.f32 v17, v21  }
0xf7: {  	v26 =	vld [tilespmem:s13+$0x10D60];
	[tilespmem:s12+$0x4DD0] =	vst v18;
	v16 =	vadd.f32 v16, v20  }
0xf8: {  	v27 =	vld [tilespmem:s13+$0x10D70];
	[tilespmem:s12+$0x4DE0] =	vst v17  }
0xf9: {  	v31 =	vld [tilespmem:s13+$0x10D80];
	[tilespmem:s12+$0x4DF0] =	vst v16;
	s12 =	smov.u32 s13  }
0xfa: {  	v33 =	vld [tilespmem:s12+$0x10D90]  }
0xfb: {  	v21 =	vld [tilespmem:s12+$0x10DA0]  }
0xfc: {  	v20 =	vld [tilespmem:s12+$0x10DB0]  }
0xfd: {  	v19 =	vld [tilespmem:s12+$0x10DC0]  }
0xfe: {  	v18 =	vld [tilespmem:s12+$0x10DD0]  }
0xff: {  	v17 =	vld [tilespmem:s12+$0x10DE0]  }
0x100: {  	v16 =	vld [tilespmem:s12+$0x10DF0]  }
0x101: {  	v29 =	vld [tilespmem:s12+$0x4D00]  }
0x102: {  	v30 =	vld [tilespmem:s12+$0x4D10]  }
0x103: {  	v34 =	vld [tilespmem:s12+$0x4D20]  }
0x104: {  	v35 =	vld [tilespmem:s12+$0x4D30]  }
0x105: {  	v36 =	vld [tilespmem:s12+$0x4D40]  }
0x106: {  	v32 =	vmul.f32 v32, v11;
	v29 =	vadd.f32 v29, v13;
	v37 =	vld [tilespmem:s12+$0x4D50]  }
0x107: {  	v28 =	vmul.f32 v28, v14;
	v30 =	vadd.f32 v30, v15;
	v38 =	vld [tilespmem:s12+$0x4D60]  }
0x108: {  	v24 =	vmul.f32 v24, v10;
	v29 =	vadd.f32 v32, v29;
	v32 =	vadd.f32 v34, v12;
	v34 =	vld [tilespmem:s12+$0x4D70]  }
0x109: {  	v25 =	vmul.f32 v25, v8;
	v28 =	vadd.f32 v28, v30;
	v30 =	vadd.f32 v35, v9;
	v35 =	vld [tilespmem:s12+$0x4D80]  }
0x10a: {  	[tilespmem:s12+$0x4D00] =	vst v29;
	v24 =	vadd.f32 v24, v32;
	v29 =	vadd.f32 v36, v7;
	v32 =	vmul.f32 v23, v6;
	v36 =	vld [tilespmem:s12+$0x4D90]  }
.Ltmp3:
0x10b: {  	[tilespmem:s12+$0x4D10] =	vst v28;
	v25 =	vadd.f32 v25, v30;
	v28 =	vadd.f32 v37, v5;
	v30 =	vmul.f32 v22, v4;
	v23 =	vld [tilespmem:s12+$0x4DA0];
	(pc) =	sbr.rel @p2 .LBB2_5-.Ltmp3, $4  }
0x10c: {  	v26 =	vmul.f32 v26, v2;
	[tilespmem:s12+$0x4D20] =	vst v24;
	v29 =	vadd.f32 v32, v29;
	v32 =	vadd.f32 v38, v3;
	v22 =	vld [tilespmem:s12+$0x4DB0]  }
0x10d: {  	v27 =	vmul.f32 v27, v0;
	[tilespmem:s12+$0x4D30] =	vst v25;
	v28 =	vadd.f32 v30, v28;
	v34 =	vadd.f32 v34, v1;
	v24 =	vld [tilespmem:s12+$0x4DC0]  }
0x10e: {  	[tilespmem:s12+$0x4D40] =	vst v29;
	v29 =	vadd.f32 v26, v32;
	v30 =	vadd.f32 v35, v13;
	v32 =	vmul.f32 v31, v11;
	v25 =	vld [tilespmem:s12+$0x4DD0]  }
0x10f: {  	s16 =	sadd.s32 $0x400, s16;
	v31 =	vmul.f32 v33, v14;
	[tilespmem:s12+$0x4D50] =	vst v28;
	v27 =	vadd.f32 v27, v34;
	v28 =	vadd.f32 v36, v15;
	v26 =	vld [tilespmem:s12+$0x4DE0]  }
0x110: {  	[tilespmem:s12+$0x4D60] =	vst v29;
	v29 =	vadd.f32 v32, v30;
	v23 =	vadd.f32 v23, v12;
	v21 =	vmul.f32 v21, v10;
	v30 =	vld [tilespmem:s12+$0x4DF0]  }
0x111: {  	v20 =	vmul.f32 v20, v8;
	[tilespmem:s12+$0x4D70] =	vst v27;
	v27 =	vadd.f32 v31, v28;
	v22 =	vadd.f32 v22, v9  }
0x112: {  	v19 =	vmul.f32 v19, v6;
	[tilespmem:s12+$0x4D80] =	vst v29;
	v21 =	vadd.f32 v21, v23;
	v23 =	vadd.f32 v24, v7  }
0x113: {  	v18 =	vmul.f32 v18, v4;
	[tilespmem:s12+$0x4D90] =	vst v27;
	v20 =	vadd.f32 v20, v22;
	v22 =	vadd.f32 v25, v5  }
0x114: {  	v17 =	vmul.f32 v17, v2;
	[tilespmem:s12+$0x4DA0] =	vst v21;
	v19 =	vadd.f32 v19, v23;
	v21 =	vadd.f32 v26, v3  }
0x115: {  	v16 =	vmul.f32 v16, v0;
	[tilespmem:s12+$0x4DB0] =	vst v20;
	v18 =	vadd.f32 v18, v22;
	v20 =	vadd.f32 v30, v1  }
0x116: {  	s13 =	sadd.s32 s18, s15;
	[tilespmem:s12+$0x4DC0] =	vst v19;
	v17 =	vadd.f32 v17, v21  }
0x117: {  	s13 =	sshll.u32 s13, $0x7;
	[tilespmem:s12+$0x4DD0] =	vst v18;
	v16 =	vadd.f32 v16, v20  }
0x118: {  	s13 =	sand.u32 $0x1FFFFF80, s13;
	[tilespmem:s12+$0x4DE0] =	vst v17  }
0x119: {  	s18 =	sadd.s32 s6, s13;
	[tilespmem:s12+$0x4DF0] =	vst v16  }
0x11a: {  	[hbm4b:s18+s7] =	stream.linear.scatter [tilespmem:s31], [sflag:$0x8], $0x4000, $0x38;
	[tilespmem:$0x1C600] =	vst v63  }
0x11b: {  	_ =	swait.ge [sflag:s4], $0x4000  }
0x11c: {  	[sflag:s4] =	ssyncset.done $0x0  }
0x11d: {  	[sflag:s4] =	ssyncadd.s32 $0xFFFFC000  }
0x11e: {  	_ =	swait.ge [sflag:s0], $0x4000  }
0x11f: {  	[sflag:s0] =	ssyncset.done $0x0  }
0x120: {  	s12 =	simm.s32 @!p1 $0x8;
	[sflag:s0] =	ssyncadd.s32 $0xFFFFC000  }
0x121: {  	_ =	swait.ge @!p1 [sflag:s12], $0x4000  }
0x122: {  	s5 =	sadd.s32 @!p1 $0x4, s5;
	[sflag:s12] =	ssyncset.done @!p1 $0x0  }
0x123: {  	s14 =	simm.s32 @!p1 $0x4D00;
	[sflag:s12] =	ssyncadd.s32 @!p1 $0xFFFFC000;
	s12 =	sshll.u32 @!p1 s5, $0x7  }
0x124: {  	s13 =	simm.s32 @!p1 $0x80;
	s5 =	sshll.u32 @!p1 s5, $0xB;
	s12 =	sand.u32 @!p1 $0x3FFFFF80, s12  }
0x125: {  	[tilespmem:s14], [sflag:$0x2] =	stream.indirect.gather @!p1 [hbm4b:s2+s13], $0x80, s12, s13, $0xb8;
	[tilespmem:$0x1C600] =	vst v63  }
0x126: {  	s5 =	sadd.s32 @!p1 s5, s11;
	s12 =	simm.s32 @!p1 $0x0;
	s13 =	simm.s32 @!p1 $0x10D00  }
0x127: {  	[tilespmem:s13], [sflag:$0x5] =	stream.linear.gather @!p1 [hbm4b:s5+s12], $0x4000, $0x38;
	[tilespmem:$0x1C600] =	vst v63  }
0x128: {  	s5 =	simm.s32 $0x0  }
0x129: {  	v22 =	vld [tilespmem:s5+$0x14D00]  }
0x12a: {  	v23 =	vld [tilespmem:s5+$0x14D10]  }
0x12b: {  	v24 =	vld [tilespmem:s5+$0x14D20]  }
0x12c: {  	v25 =	vld [tilespmem:s5+$0x14D30]  }
0x12d: {  	v26 =	vld [tilespmem:s5+$0x14D40]  }
0x12e: {  	v27 =	vld [tilespmem:s5+$0x14D50]  }
0x12f: {  	v28 =	vld [tilespmem:s5+$0x14D60]  }
0x130: {  	v29 =	vld [tilespmem:s5+$0x14D70]  }
0x131: {  	v31 =	vld [tilespmem:s5+$0x14D80]  }
0x132: {  	v33 =	vld [tilespmem:s5+$0x14D90]  }
0x133: {  	v21 =	vld [tilespmem:s5+$0x14DA0]  }
0x134: {  	v20 =	vld [tilespmem:s5+$0x14DB0]  }
0x135: {  	v19 =	vld [tilespmem:s5+$0x14DC0]  }
0x136: {  	v18 =	vld [tilespmem:s5+$0x14DD0]  }
0x137: {  	v17 =	vld [tilespmem:s5+$0x14DE0]  }
0x138: {  	v16 =	vld [tilespmem:s5+$0x14DF0]  }
0x139: {  	v30 =	vld [tilespmem:s5+$0x8D00]  }
0x13a: {  	v57 =	vld [tilespmem:s5+$0x8D10]  }
0x13b: {  	v34 =	vld [tilespmem:s5+$0x8D20]  }
0x13c: {  	v36 =	vld [tilespmem:s5+$0x8D40]  }
0x13d: {  	v35 =	vld [tilespmem:s5+$0x8D30]  }
0x13e: {  	v37 =	vld [tilespmem:s5+$0x8D50];
	v30 =	vadd.f32 v30, v13;
	v22 =	vmul.f32 v22, v11  }
0x13f: {  	v38 =	vld [tilespmem:s5+$0x8D60];
	v32 =	vadd.f32 v57, v15;
	v23 =	vmul.f32 v23, v14  }
0x140: {  	v58 =	vadd.f32 v34, v12;
	v24 =	vmul.f32 v24, v10;
	v22 =	vadd.f32 v22, v30;
	v30 =	vld [tilespmem:s5+$0x8D70]  }
0x141: {  	v39 =	vld [tilespmem:s5+$0x8D80];
	v60 =	vadd.f32 v36, v7;
	v26 =	vmul.f32 v26, v6;
	v23 =	vadd.f32 v23, v32  }
0x142: {  	v59 =	vld [tilespmem:s5+$0x8D90];
	v25 =	vmul.f32 v25, v8;
	v24 =	vadd.f32 v24, v58;
	[tilespmem:s5+$0x8D00] =	vst v22;
	v22 =	vadd.f32 v35, v9  }
0x143: {  	v61 =	vadd.f32 v37, v5;
	v27 =	vmul.f32 v27, v4;
	v26 =	vadd.f32 v26, v60;
	[tilespmem:s5+$0x8D10] =	vst v23;
	v23 =	vld [tilespmem:s5+$0x8DA0]  }
0x144: {  	v62 =	vadd.f32 v38, v3;
	v28 =	vmul.f32 v28, v2;
	[tilespmem:s5+$0x8D20] =	vst v24;
	v25 =	vadd.f32 v25, v22;
	v22 =	vld [tilespmem:s5+$0x8DB0]  }
0x145: {  	v63 =	vmul.f32 v29, v0;
	v27 =	vadd.f32 v27, v61;
	v24 =	vld [tilespmem:s5+$0x8DC0];
	[tilespmem:s5+$0x8D40] =	vst v26;
	v26 =	vadd.f32 v30, v1  }
0x146: {  	v29 =	vadd.f32 v28, v62;
	v32 =	vmul.f32 v31, v11;
	v30 =	vadd.f32 v39, v13;
	[tilespmem:s5+$0x8D30] =	vst v25;
	v25 =	vld [tilespmem:s5+$0x8DD0]  }
0x147: {  	s12 =	simm.s32 $0x400;
	v28 =	vadd.f32 v59, v15;
	v31 =	vmul.f32 v33, v14;
	[tilespmem:s5+$0x8D50] =	vst v27;
	v27 =	vadd.f32 v63, v26;
	v26 =	vld [tilespmem:s5+$0x8DE0]  }
.LBB2_7:
0x148: {  	s13 =	sshra.s32 s12, $0x2;
	p1 =	sne.s32 s12, $0xFC00;
	[tilespmem:s5+$0x8D60] =	vst v29;
	v29 =	vadd.f32 v32, v30;
	v23 =	vadd.f32 v23, v12;
	v21 =	vmul.f32 v21, v10;
	v30 =	vld [tilespmem:s5+$0x8DF0]  }
0x149: {  	v20 =	vmul.f32 v20, v8;
	v32 =	vld [tilespmem:s13+$0x14D00];
	[tilespmem:s5+$0x8D70] =	vst v27;
	v27 =	vadd.f32 v31, v28;
	v22 =	vadd.f32 v22, v9  }
0x14a: {  	v19 =	vmul.f32 v19, v6;
	v28 =	vld [tilespmem:s13+$0x14D10];
	[tilespmem:s5+$0x8D80] =	vst v29;
	v21 =	vadd.f32 v21, v23;
	v23 =	vadd.f32 v24, v7  }
0x14b: {  	v18 =	vmul.f32 v18, v4;
	v24 =	vld [tilespmem:s13+$0x14D20];
	[tilespmem:s5+$0x8D90] =	vst v27;
	v20 =	vadd.f32 v20, v22;
	v22 =	vadd.f32 v25, v5  }
0x14c: {  	v17 =	vmul.f32 v17, v2;
	v25 =	vld [tilespmem:s13+$0x14D30];
	[tilespmem:s5+$0x8DA0] =	vst v21;
	v19 =	vadd.f32 v19, v23;
	v21 =	vadd.f32 v26, v3  }
0x14d: {  	v16 =	vmul.f32 v16, v0;
	v23 =	vld [tilespmem:s13+$0x14D40];
	[tilespmem:s5+$0x8DB0] =	vst v20;
	v18 =	vadd.f32 v18, v22;
	v20 =	vadd.f32 v30, v1  }
0x14e: {  	v22 =	vld [tilespmem:s13+$0x14D50];
	[tilespmem:s5+$0x8DC0] =	vst v19;
	v17 =	vadd.f32 v17, v21  }
0x14f: {  	v26 =	vld [tilespmem:s13+$0x14D60];
	[tilespmem:s5+$0x8DD0] =	vst v18;
	v16 =	vadd.f32 v16, v20  }
0x150: {  	v27 =	vld [tilespmem:s13+$0x14D70];
	[tilespmem:s5+$0x8DE0] =	vst v17  }
0x151: {  	v31 =	vld [tilespmem:s13+$0x14D80];
	[tilespmem:s5+$0x8DF0] =	vst v16;
	s5 =	smov.u32 s13  }
0x152: {  	v33 =	vld [tilespmem:s5+$0x14D90]  }
0x153: {  	v21 =	vld [tilespmem:s5+$0x14DA0]  }
0x154: {  	v20 =	vld [tilespmem:s5+$0x14DB0]  }
0x155: {  	v19 =	vld [tilespmem:s5+$0x14DC0]  }
0x156: {  	v18 =	vld [tilespmem:s5+$0x14DD0]  }
0x157: {  	v17 =	vld [tilespmem:s5+$0x14DE0]  }
0x158: {  	v16 =	vld [tilespmem:s5+$0x14DF0]  }
0x159: {  	v29 =	vld [tilespmem:s5+$0x8D00]  }
0x15a: {  	v30 =	vld [tilespmem:s5+$0x8D10]  }
0x15b: {  	v34 =	vld [tilespmem:s5+$0x8D20]  }
0x15c: {  	v35 =	vld [tilespmem:s5+$0x8D30]  }
0x15d: {  	v36 =	vld [tilespmem:s5+$0x8D40]  }
0x15e: {  	v32 =	vmul.f32 v32, v11;
	v29 =	vadd.f32 v29, v13;
	v37 =	vld [tilespmem:s5+$0x8D50]  }
0x15f: {  	v28 =	vmul.f32 v28, v14;
	v30 =	vadd.f32 v30, v15;
	v38 =	vld [tilespmem:s5+$0x8D60]  }
0x160: {  	v24 =	vmul.f32 v24, v10;
	v29 =	vadd.f32 v32, v29;
	v32 =	vadd.f32 v34, v12;
	v34 =	vld [tilespmem:s5+$0x8D70]  }
0x161: {  	v25 =	vmul.f32 v25, v8;
	v28 =	vadd.f32 v28, v30;
	v30 =	vadd.f32 v35, v9;
	v35 =	vld [tilespmem:s5+$0x8D80]  }
0x162: {  	[tilespmem:s5+$0x8D00] =	vst v29;
	v24 =	vadd.f32 v24, v32;
	v29 =	vadd.f32 v36, v7;
	v32 =	vmul.f32 v23, v6;
	v36 =	vld [tilespmem:s5+$0x8D90]  }
.Ltmp4:
0x163: {  	[tilespmem:s5+$0x8D10] =	vst v28;
	v25 =	vadd.f32 v25, v30;
	v28 =	vadd.f32 v37, v5;
	v30 =	vmul.f32 v22, v4;
	v23 =	vld [tilespmem:s5+$0x8DA0];
	(pc) =	sbr.rel @p1 .LBB2_7-.Ltmp4, $4  }
0x164: {  	v26 =	vmul.f32 v26, v2;
	[tilespmem:s5+$0x8D20] =	vst v24;
	v29 =	vadd.f32 v32, v29;
	v32 =	vadd.f32 v38, v3;
	v22 =	vld [tilespmem:s5+$0x8DB0]  }
0x165: {  	v27 =	vmul.f32 v27, v0;
	[tilespmem:s5+$0x8D30] =	vst v25;
	v28 =	vadd.f32 v30, v28;
	v34 =	vadd.f32 v34, v1;
	v24 =	vld [tilespmem:s5+$0x8DC0]  }
0x166: {  	[tilespmem:s5+$0x8D40] =	vst v29;
	v29 =	vadd.f32 v26, v32;
	v30 =	vadd.f32 v35, v13;
	v32 =	vmul.f32 v31, v11;
	v25 =	vld [tilespmem:s5+$0x8DD0]  }
0x167: {  	s12 =	sadd.s32 $0x400, s12;
	v31 =	vmul.f32 v33, v14;
	[tilespmem:s5+$0x8D50] =	vst v28;
	v27 =	vadd.f32 v27, v34;
	v28 =	vadd.f32 v36, v15;
	v26 =	vld [tilespmem:s5+$0x8DE0]  }
0x168: {  	[tilespmem:s5+$0x8D60] =	vst v29;
	v57 =	vadd.f32 v32, v30;
	v23 =	vadd.f32 v23, v12;
	v21 =	vmul.f32 v21, v10;
	v58 =	vld [tilespmem:s5+$0x8DF0]  }
0x169: {  	v20 =	vmul.f32 v20, v8;
	[tilespmem:s5+$0x8D70] =	vst v27;
	v59 =	vadd.f32 v31, v28;
	v22 =	vadd.f32 v22, v9  }
0x16a: {  	v19 =	vmul.f32 v19, v6;
	[tilespmem:s5+$0x8D80] =	vst v57;
	v21 =	vadd.f32 v21, v23;
	v60 =	vadd.f32 v24, v7  }
0x16b: {  	v18 =	vmul.f32 v18, v4;
	[tilespmem:s5+$0x8D90] =	vst v59;
	v20 =	vadd.f32 v20, v22;
	v61 =	vadd.f32 v25, v5  }
0x16c: {  	v17 =	vmul.f32 v17, v2;
	s19 =	sadd.s32 $0x1, s19;
	[tilespmem:s5+$0x8DA0] =	vst v21;
	v19 =	vadd.f32 v19, v60;
	v62 =	vadd.f32 v26, v3  }
0x16d: {  	v16 =	vmul.f32 v16, v0;
	p1 =	sne.s32 s19, $0x8;
	[tilespmem:s5+$0x8DB0] =	vst v20;
	v18 =	vadd.f32 v18, v61;
	v63 =	vadd.f32 v58, v1  }
.Ltmp5:
0x16e: {  	[tilespmem:s5+$0x8DC0] =	vst v19;
	v17 =	vadd.f32 v17, v62;
	(pc) =	sbr.rel @p1 .LBB2_2-.Ltmp5, $4  }
0x16f: {  	[tilespmem:s5+$0x8DD0] =	vst v18;
	v16 =	vadd.f32 v16, v63  }
0x170: {  	[tilespmem:s5+$0x8DE0] =	vst v17  }
0x171: {  	s22 =	sadd.s32 s6, s22;
	[tilespmem:s5+$0x8DF0] =	vst v16  }
0x172: {  	[hbm4b:s22+s7] =	stream.linear.scatter [tilespmem:s26], [sflag:$0x9], $0x4000, $0x38;
	[tilespmem:$0x1C600] =	vst v63  }
.Ltmp6:
0x173: {  	(pc) =	sbr.rel @!p0 .LBB2_10-.Ltmp6, $1  }
0x174: {  	_ =	sdelay $0x3  }
0x175: {  	_ =	swait.ge [sflag:s3], $0x1800  }
0x176: {  	[sflag:s3] =	ssyncset.done $0x0  }
0x177: {  	[sflag:s3] =	ssyncadd.s32 $0xFFFFE800  }
0x178: {  	_ =	swait.ge [sflag:s3], $0x1800  }
0x179: {  	[sflag:s3] =	ssyncset.done $0x0  }
0x17a: {  	s5 =	simm.s32 $0x0;
	[sflag:s3] =	ssyncadd.s32 $0xFFFFE800  }
0x17b: {  	v22 =	vld [tilespmem:s5+$0x1A900]  }
0x17c: {  	v28 =	vld [tilespmem:s5+$0x1A910]  }
0x17d: {  	v21 =	vld [tilespmem:s5+$0x1A920]  }
0x17e: {  	v20 =	vld [tilespmem:s5+$0x1A930]  }
0x17f: {  	v19 =	vld [tilespmem:s5+$0x1A940]  }
0x180: {  	v18 =	vld [tilespmem:s5+$0x1A950]  }
0x181: {  	v17 =	vld [tilespmem:s5+$0x1A960]  }
0x182: {  	v16 =	vld [tilespmem:s5+$0x1A970]  }
0x183: {  	v23 =	vld [tilespmem:s5+$0x18D00]  }
0x184: {  	v27 =	vld [tilespmem:s5+$0x18D10]  }
0x185: {  	v26 =	vld [tilespmem:s5+$0x18D20]  }
0x186: {  	v25 =	vld [tilespmem:s5+$0x18D30]  }
0x187: {  	v24 =	vld [tilespmem:s5+$0x18D40]  }
0x188: {  	v29 =	vadd.f32 v23, v13;
	v23 =	vld [tilespmem:s5+$0x18D50];
	v30 =	vmul.f32 v22, v11  }
0x189: {  	s12 =	simm.s32 $0x200;
	v27 =	vadd.f32 v27, v15;
	v28 =	vmul.f32 v28, v14;
	v22 =	vld [tilespmem:s5+$0x18D60]  }
.LBB2_14:
0x18a: {  	s13 =	sshra.s32 s12, $0x2;
	p1 =	sne.s32 s12, $0x5E00;
	v29 =	vadd.f32 v30, v29;
	v26 =	vadd.f32 v26, v12;
	v21 =	vmul.f32 v21, v10;
	v30 =	vld [tilespmem:s5+$0x18D70]  }
0x18b: {  	v20 =	vmul.f32 v20, v8;
	v31 =	vld [tilespmem:s13+$0x1A900];
	v27 =	vadd.f32 v28, v27;
	v25 =	vadd.f32 v25, v9  }
0x18c: {  	v19 =	vmul.f32 v19, v6;
	v28 =	vld [tilespmem:s13+$0x1A910];
	[tilespmem:s5+$0x18D00] =	vst v29;
	v26 =	vadd.f32 v21, v26;
	v24 =	vadd.f32 v24, v7  }
0x18d: {  	v18 =	vmul.f32 v18, v4;
	v21 =	vld [tilespmem:s13+$0x1A920];
	[tilespmem:s5+$0x18D10] =	vst v27;
	v25 =	vadd.f32 v20, v25;
	v23 =	vadd.f32 v23, v5  }
0x18e: {  	v17 =	vmul.f32 v17, v2;
	v20 =	vld [tilespmem:s13+$0x1A930];
	[tilespmem:s5+$0x18D20] =	vst v26;
	v24 =	vadd.f32 v19, v24;
	v22 =	vadd.f32 v22, v3  }
0x18f: {  	v16 =	vmul.f32 v16, v0;
	v19 =	vld [tilespmem:s13+$0x1A940];
	[tilespmem:s5+$0x18D30] =	vst v25;
	v23 =	vadd.f32 v18, v23;
	v25 =	vadd.f32 v30, v1  }
0x190: {  	v18 =	vld [tilespmem:s13+$0x1A950];
	[tilespmem:s5+$0x18D40] =	vst v24;
	v22 =	vadd.f32 v17, v22  }
0x191: {  	v17 =	vld [tilespmem:s13+$0x1A960];
	[tilespmem:s5+$0x18D50] =	vst v23;
	v23 =	vadd.f32 v16, v25  }
0x192: {  	v16 =	vld [tilespmem:s13+$0x1A970];
	[tilespmem:s5+$0x18D60] =	vst v22  }
0x193: {  	v22 =	vld [tilespmem:s13+$0x18D00];
	[tilespmem:s5+$0x18D70] =	vst v23;
	s5 =	smov.u32 s13  }
0x194: {  	v27 =	vld [tilespmem:s5+$0x18D10]  }
.Ltmp7:
0x195: {  	v26 =	vld [tilespmem:s5+$0x18D20];
	(pc) =	sbr.rel @p1 .LBB2_14-.Ltmp7, $4  }
0x196: {  	v25 =	vld [tilespmem:s5+$0x18D30]  }
0x197: {  	v24 =	vld [tilespmem:s5+$0x18D40]  }
0x198: {  	v30 =	vmul.f32 v31, v11;
	v29 =	vadd.f32 v22, v13;
	v23 =	vld [tilespmem:s5+$0x18D50]  }
0x199: {  	s12 =	sadd.s32 $0x200, s12;
	v28 =	vmul.f32 v28, v14;
	v27 =	vadd.f32 v27, v15;
	v22 =	vld [tilespmem:s5+$0x18D60]  }
0x19a: {  	v11 =	vadd.f32 v30, v29;
	v12 =	vadd.f32 v26, v12;
	v10 =	vmul.f32 v21, v10;
	v13 =	vld [tilespmem:s5+$0x18D70]  }
0x19b: {  	v8 =	vmul.f32 v20, v8;
	v14 =	vadd.f32 v28, v27;
	v9 =	vadd.f32 v25, v9  }
0x19c: {  	v6 =	vmul.f32 v19, v6;
	[tilespmem:s5+$0x18D00] =	vst v11;
	v10 =	vadd.f32 v10, v12;
	v7 =	vadd.f32 v24, v7  }
0x19d: {  	v4 =	vmul.f32 v18, v4;
	[tilespmem:s5+$0x18D10] =	vst v14;
	v8 =	vadd.f32 v8, v9;
	v5 =	vadd.f32 v23, v5  }
0x19e: {  	v2 =	vmul.f32 v17, v2;
	[tilespmem:s5+$0x18D20] =	vst v10;
	v6 =	vadd.f32 v6, v7;
	v3 =	vadd.f32 v22, v3  }
0x19f: {  	v0 =	vmul.f32 v16, v0;
	[tilespmem:s5+$0x18D30] =	vst v8;
	v4 =	vadd.f32 v4, v5;
	v1 =	vadd.f32 v13, v1  }
0x1a0: {  	[tilespmem:s5+$0x18D40] =	vst v6;
	v2 =	vadd.f32 v2, v3  }
0x1a1: {  	[tilespmem:s5+$0x18D50] =	vst v4;
	v0 =	vadd.f32 v0, v1  }
0x1a2: {  	s19 =	rddreg [dreg:$0xa];
	[tilespmem:s5+$0x18D60] =	vst v2  }
.Ltmp8:
0x1a3: {  	s12 =	simm.s32 $0x18D00;
	s22 =	simm.s32 $0xE;
	[tilespmem:s5+$0x18D70] =	vst v0;
	(pc) =	sbr.rel .LBB2_16-.Ltmp8, $4  }
0x1a4: {  	[hbm4b:s19+s7] =	stream.linear.scatter [tilespmem:s12], [sflag:$0xE], $0x1800, $0x38;
	[tilespmem:$0x1C600] =	vst v63  }
0x1a5: {  	_ =	swait.ge [sflag:s22], $0x1800  }
0x1a6: {  	[sflag:s22] =	ssyncset.done $0x0  }
0x1a7: {  	[sflag:s22] =	ssyncadd.s32 $0xFFFFE800  }
.LBB2_10:
0x1a8: {  	_ =	swait.ge [sflag:s3], $0x1C00  }
0x1a9: {  	[sflag:s3] =	ssyncset.done $0x0  }
0x1aa: {  	[sflag:s3] =	ssyncadd.s32 $0xFFFFE400  }
0x1ab: {  	_ =	swait.ge [sflag:s3], $0x1C00  }
0x1ac: {  	[sflag:s3] =	ssyncset.done $0x0  }
0x1ad: {  	s5 =	simm.s32 $0x0;
	[sflag:s3] =	ssyncadd.s32 $0xFFFFE400  }
0x1ae: {  	v22 =	vld [tilespmem:s5+$0x1A900]  }
0x1af: {  	v28 =	vld [tilespmem:s5+$0x1A910]  }
0x1b0: {  	v21 =	vld [tilespmem:s5+$0x1A920]  }
0x1b1: {  	v20 =	vld [tilespmem:s5+$0x1A930]  }
0x1b2: {  	v19 =	vld [tilespmem:s5+$0x1A940]  }
0x1b3: {  	v18 =	vld [tilespmem:s5+$0x1A950]  }
0x1b4: {  	v17 =	vld [tilespmem:s5+$0x1A960]  }
0x1b5: {  	v16 =	vld [tilespmem:s5+$0x1A970]  }
0x1b6: {  	v23 =	vld [tilespmem:s5+$0x18D00]  }
0x1b7: {  	v27 =	vld [tilespmem:s5+$0x18D10]  }
0x1b8: {  	v26 =	vld [tilespmem:s5+$0x18D20]  }
0x1b9: {  	v25 =	vld [tilespmem:s5+$0x18D30]  }
0x1ba: {  	v24 =	vld [tilespmem:s5+$0x18D40]  }
0x1bb: {  	v29 =	vadd.f32 v23, v13;
	v23 =	vld [tilespmem:s5+$0x18D50];
	v30 =	vmul.f32 v22, v11  }
0x1bc: {  	s12 =	simm.s32 $0x200;
	v27 =	vadd.f32 v27, v15;
	v28 =	vmul.f32 v28, v14;
	v22 =	vld [tilespmem:s5+$0x18D60]  }
.LBB2_11:
0x1bd: {  	s13 =	sshra.s32 s12, $0x2;
	p1 =	sne.s32 s12, $0x6E00;
	v29 =	vadd.f32 v30, v29;
	v26 =	vadd.f32 v26, v12;
	v21 =	vmul.f32 v21, v10;
	v30 =	vld [tilespmem:s5+$0x18D70]  }
0x1be: {  	v20 =	vmul.f32 v20, v8;
	v31 =	vld [tilespmem:s13+$0x1A900];
	v27 =	vadd.f32 v28, v27;
	v25 =	vadd.f32 v25, v9  }
0x1bf: {  	v19 =	vmul.f32 v19, v6;
	v28 =	vld [tilespmem:s13+$0x1A910];
	[tilespmem:s5+$0x18D00] =	vst v29;
	v26 =	vadd.f32 v21, v26;
	v24 =	vadd.f32 v24, v7  }
0x1c0: {  	v18 =	vmul.f32 v18, v4;
	v21 =	vld [tilespmem:s13+$0x1A920];
	[tilespmem:s5+$0x18D10] =	vst v27;
	v25 =	vadd.f32 v20, v25;
	v23 =	vadd.f32 v23, v5  }
0x1c1: {  	v17 =	vmul.f32 v17, v2;
	v20 =	vld [tilespmem:s13+$0x1A930];
	[tilespmem:s5+$0x18D20] =	vst v26;
	v24 =	vadd.f32 v19, v24;
	v22 =	vadd.f32 v22, v3  }
0x1c2: {  	v16 =	vmul.f32 v16, v0;
	v19 =	vld [tilespmem:s13+$0x1A940];
	[tilespmem:s5+$0x18D30] =	vst v25;
	v23 =	vadd.f32 v18, v23;
	v25 =	vadd.f32 v30, v1  }
0x1c3: {  	v18 =	vld [tilespmem:s13+$0x1A950];
	[tilespmem:s5+$0x18D40] =	vst v24;
	v22 =	vadd.f32 v17, v22  }
0x1c4: {  	v17 =	vld [tilespmem:s13+$0x1A960];
	[tilespmem:s5+$0x18D50] =	vst v23;
	v23 =	vadd.f32 v16, v25  }
0x1c5: {  	v16 =	vld [tilespmem:s13+$0x1A970];
	[tilespmem:s5+$0x18D60] =	vst v22  }
0x1c6: {  	v22 =	vld [tilespmem:s13+$0x18D00];
	[tilespmem:s5+$0x18D70] =	vst v23;
	s5 =	smov.u32 s13  }
0x1c7: {  	v27 =	vld [tilespmem:s5+$0x18D10]  }
.Ltmp9:
0x1c8: {  	v26 =	vld [tilespmem:s5+$0x18D20];
	(pc) =	sbr.rel @p1 .LBB2_11-.Ltmp9, $4  }
0x1c9: {  	v25 =	vld [tilespmem:s5+$0x18D30]  }
0x1ca: {  	v24 =	vld [tilespmem:s5+$0x18D40]  }
0x1cb: {  	v30 =	vmul.f32 v31, v11;
	v29 =	vadd.f32 v22, v13;
	v23 =	vld [tilespmem:s5+$0x18D50]  }
0x1cc: {  	s12 =	sadd.s32 $0x200, s12;
	v28 =	vmul.f32 v28, v14;
	v27 =	vadd.f32 v27, v15;
	v22 =	vld [tilespmem:s5+$0x18D60]  }
0x1cd: {  	v11 =	vadd.f32 v30, v29;
	v12 =	vadd.f32 v26, v12;
	v10 =	vmul.f32 v21, v10;
	v13 =	vld [tilespmem:s5+$0x18D70]  }
0x1ce: {  	v8 =	vmul.f32 v20, v8;
	v14 =	vadd.f32 v28, v27;
	v9 =	vadd.f32 v25, v9  }
0x1cf: {  	v6 =	vmul.f32 v19, v6;
	[tilespmem:s5+$0x18D00] =	vst v11;
	v10 =	vadd.f32 v10, v12;
	v7 =	vadd.f32 v24, v7  }
0x1d0: {  	v4 =	vmul.f32 v18, v4;
	[tilespmem:s5+$0x18D10] =	vst v14;
	v8 =	vadd.f32 v8, v9;
	v5 =	vadd.f32 v23, v5  }
0x1d1: {  	v2 =	vmul.f32 v17, v2;
	[tilespmem:s5+$0x18D20] =	vst v10;
	v6 =	vadd.f32 v6, v7;
	v3 =	vadd.f32 v22, v3  }
0x1d2: {  	v0 =	vmul.f32 v16, v0;
	[tilespmem:s5+$0x18D30] =	vst v8;
	v4 =	vadd.f32 v4, v5;
	v1 =	vadd.f32 v13, v1  }
0x1d3: {  	[tilespmem:s5+$0x18D40] =	vst v6;
	v2 =	vadd.f32 v2, v3  }
0x1d4: {  	[tilespmem:s5+$0x18D50] =	vst v4;
	v0 =	vadd.f32 v0, v1  }
0x1d5: {  	s19 =	rddreg [dreg:$0xa];
	[tilespmem:s5+$0x18D60] =	vst v2  }
.Ltmp10:
0x1d6: {  	s12 =	simm.s32 $0x18D00;
	s22 =	simm.s32 $0xE;
	[tilespmem:s5+$0x18D70] =	vst v0;
	(pc) =	sbr.rel .LBB2_16-.Ltmp10, $4  }
0x1d7: {  	[hbm4b:s19+s7] =	stream.linear.scatter [tilespmem:s12], [sflag:$0xE], $0x1C00, $0x38;
	[tilespmem:$0x1C600] =	vst v63  }
0x1d8: {  	_ =	swait.ge [sflag:s22], $0x1C00  }
0x1d9: {  	[sflag:s22] =	ssyncset.done $0x0  }
0x1da: {  	[sflag:s22] =	ssyncadd.s32 $0xFFFFE400  }
.LBB2_17:
0x1db: {  	_ =	sfence.sel $0x180000  }
0x1dc: {  	[bflag:$0x0] =	sbarrier.arrive $0xFFFF  }
0x1dd: {  	_ =	strace $0x90000047  }
0x1de: {  	s0 =	stileid.u32;
	[bflag:$0x2] =	sbarrier.arrive $0xFFFF  }
0x1df: {  	p0 =	sne.s32 s0, $0x0;
	s0 =	rddreg [dreg:$0x6]  }
0x1e0: {  	s0 =	sadd.s32 @!p0 $0x100000, s0  }
0x1e1: {  	[sflag:s0] =	ssyncadd.tile.s32 @!p0 $0x1;
	_ =	shalt  }
.Lfunc_end2:
_tile_overlayer_lowered:
.L_overlay_start_2:
0x1e2: {  	(tag) =	ssettag $0x2  }
0x1e3: {  	s0 =	rddreg [dreg:$0x0];
	s2 =	stileid.u32  }
0x1e4: {  	s1 =	rddreg [dreg:$0x1];
	p0 =	sne.s32 s2, $0x0  }
0x1e5: {  	s3 =	rddreg [dreg:$0x2];
	[bflag:$0x3] =	sbarrier.arrive $0xFFFF;
	s2 =	simm.s32 @!p0 $0x1C0F  }
0x1e6: {  	[timem:s3], [sflag:s2] =	dma.local @!p0 [hbm:s0], s1  }
0x1e7: {  	s0 =	simm.s32 @!p0 $0xF  }
0x1e8: {  	_ =	swait.ge @!p0 [sflag:s0], s1  }
0x1e9: {  	s1 =	ssub.s32 @!p0 $0x0, s1;
	[sflag:s0] =	ssyncset.done @!p0 $0x0  }
0x1ea: {  	[sflag:s0] =	ssyncadd.s32 @!p0 s1  }
0x1eb: {  	[bflag:$0x3] =	sbarrier.arrive $0xFFFF  }
0x1ec: {  	_ =	shalt  }

</sc_bundles>
